<compile_context>
chip_gen: v7x
topology: tpu7x:2x2x1
jax: 0.10.2.dev20260603
libtpu: 0.0.44.dev20260713+nightly
codegen_flags: <defaults>
</compile_context>

<pallas_src>
import functools
import jax
import jax.numpy as jnp
from jax import lax
from jax.experimental import pallas as pl
from jax.experimental.pallas import tpu as pltpu
from jax.experimental.pallas import tpu_sc as plsc

DI = 2000
DH = 512
DL = 32
NC = 20
KK = 50
NS = 2048
NE = 12288
DS = 1000
RB = 256
NBLK = NS // RB


def _f32(*shape):
    return jax.ShapeDtypeStruct(shape, jnp.float32)


def _enc_st_body(st_ref, wg_ref, wr_ref, asrc_ref, adst_ref,
                 h_ref, r_ref, es_ref, ed_ref):
    x = st_ref[...]
    h = jnp.dot(x, wg_ref[...], preferred_element_type=jnp.float32)
    h_ref[...] = h
    r_ref[...] = jnp.dot(x, wr_ref[...], preferred_element_type=jnp.float32)
    es_ref[...] = jnp.dot(h, asrc_ref[...], preferred_element_type=jnp.float32)
    ed_ref[...] = jnp.dot(h, adst_ref[...], preferred_element_type=jnp.float32)


def _enc_st(ST_fit, p):
    blk = lambda i: (i, 0)
    full = lambda i: (0, 0)
    return pl.pallas_call(
        _enc_st_body,
        grid=(NBLK,),
        in_specs=[
            pl.BlockSpec((RB, DI), blk),
            pl.BlockSpec((DI, DH), full),
            pl.BlockSpec((DI, DH), full),
            pl.BlockSpec((DH, 1), full),
            pl.BlockSpec((DH, 1), full),
        ],
        out_specs=[
            pl.BlockSpec((RB, DH), blk),
            pl.BlockSpec((RB, DH), blk),
            pl.BlockSpec((RB, 1), blk),
            pl.BlockSpec((RB, 1), blk),
        ],
        out_shape=[_f32(NS, DH), _f32(NS, DH), _f32(NS, 1), _f32(NS, 1)],
        compiler_params=pltpu.CompilerParams(vmem_limit_bytes=100 << 20),
    )(ST_fit, p['W_gat'], p['W_res'],
      p['a_src'].reshape(DH, 1), p['a_dst'].reshape(DH, 1))


def _enc_sc_body(sc_ref, we1_ref, be1_ref, we2_ref, be2_ref, scl_ref):
    xc = sc_ref[...]
    hc = jnp.maximum(
        jnp.dot(xc, we1_ref[...], preferred_element_type=jnp.float32)
        + be1_ref[...], 0.0)
    scl_ref[...] = (jnp.dot(hc, we2_ref[...], preferred_element_type=jnp.float32)
                    + be2_ref[...])


def _enc_sc(SC_fit, p):
    blk = lambda i: (i, 0)
    full = lambda i: (0, 0)
    return pl.pallas_call(
        _enc_sc_body,
        grid=(NBLK,),
        in_specs=[
            pl.BlockSpec((RB, DI), blk),
            pl.BlockSpec((DI, DH), full),
            pl.BlockSpec((1, DH), full),
            pl.BlockSpec((DH, DL), full),
            pl.BlockSpec((1, DL), full),
        ],
        out_specs=pl.BlockSpec((RB, DL), blk),
        out_shape=_f32(NS, DL),
        compiler_params=pltpu.CompilerParams(vmem_limit_bytes=100 << 20),
    )(SC_fit, p['We1'], p['be1'].reshape(1, DH), p['We2'],
      p['be2'].reshape(1, DL))


EPT_A = NE // 16
EPT_B = NE // 32


def _gat_body(src_hbm, dst_hbm, es_hbm, ed_hbm, h_hbm,
              zs_hbm, out_hbm,
              srcA, dstA, es_v, ed_v, s_part, s_full, srcB, dstB, alpha_v,
              rows, s_grid_sh):
    c = lax.axis_index("c")
    t = lax.axis_index("s")
    w = c * 16 + t
    iota = lax.iota(jnp.int32, 16)
    zi16 = jnp.zeros((16,), jnp.int32)

    pltpu.sync_copy(src_hbm.at[pl.ds(t * EPT_A, EPT_A)], srcA)
    pltpu.sync_copy(dst_hbm.at[pl.ds(t * EPT_A, EPT_A)], dstA)
    pltpu.sync_copy(es_hbm, es_v)
    pltpu.sync_copy(ed_hbm, ed_v)
    pltpu.sync_copy(src_hbm.at[pl.ds(w * EPT_B, EPT_B)], srcB)
    pltpu.sync_copy(dst_hbm.at[pl.ds(w * EPT_B, EPT_B)], dstB)
    pltpu.sync_copy(zs_hbm, s_part)

    def edge_e(s16, d16):
        g = plsc.load_gather(es_v, [s16]) + plsc.load_gather(ed_v, [d16])
        l = jnp.where(g >= 0.0, g, 0.2 * g)
        return jnp.exp(l)

    def pa(i, carry):
        s16 = srcA[pl.ds(i * 16, 16)]
        d16 = dstA[pl.ds(i * 16, 16)]
        e16 = edge_e(s16, d16)
        cur = plsc.load_gather(s_part, [iota, d16])
        plsc.store_scatter(s_part, [iota, d16], cur + e16)
        return carry

    lax.fori_loop(0, EPT_A // 16, pa, 0)

    def reduce16(chn, carry):
        acc = s_part[0, pl.ds(chn * 16, 16)]
        for r in range(1, 16):
            acc = acc + s_part[r, pl.ds(chn * 16, 16)]
        s_full[0, pl.ds(chn * 16, 16)] = acc
        return carry

    lax.fori_loop(0, NS // 16, reduce16, 0)
    pltpu.sync_copy(s_full, s_grid_sh.at[pl.ds(t, 1)])
    plsc.subcore_barrier()
    pltpu.sync_copy(s_grid_sh, s_part)
    lax.fori_loop(0, NS // 16, reduce16, 0)

    def pal(i, carry):
        s16 = srcB[pl.ds(i * 16, 16)]
        d16 = dstB[pl.ds(i * 16, 16)]
        e16 = edge_e(s16, d16)
        sv = plsc.load_gather(s_full, [zi16, d16])
        alpha_v[pl.ds(i * 16, 16)] = e16 / (sv + 1e-16)
        return carry

    lax.fori_loop(0, EPT_B // 16, pal, 0)

    def pb(ch, carry):
        for k in range(4):
            s16 = srcB[pl.ds(ch * 64 + k * 16, 16)]
            pltpu.sync_copy(h_hbm.at[s16], rows.at[pl.ds(k * 16, 16)])

        def scale(e, carry2):
            av = plsc.load_gather(
                alpha_v, [jnp.full((16,), ch * 64 + e, jnp.int32)])
            for j in range(DH // 16):
                rows[e, pl.ds(j * 16, 16)] = rows[e, pl.ds(j * 16, 16)] * av
            return carry2

        lax.fori_loop(0, 64, scale, 0)
        pltpu.sync_copy(rows, out_hbm.at[pl.ds(w * EPT_B + ch * 64, 64)])
        return carry

    lax.fori_loop(0, EPT_B // 64, pb, 0)


def _gat_sc(src, dst, es, ed, h):
    zs = jnp.zeros((16, NS), jnp.float32)
    mesh = plsc.VectorSubcoreMesh(core_axis_name="c", subcore_axis_name="s")
    f = functools.partial(
        pl.kernel,
        mesh=mesh,
        out_type=jax.ShapeDtypeStruct((NE, DH), jnp.float32),
        compiler_params=pltpu.CompilerParams(needs_layout_passes=False),
        scratch_types=[
            pltpu.VMEM((EPT_A,), jnp.int32),
            pltpu.VMEM((EPT_A,), jnp.int32),
            pltpu.VMEM((NS,), jnp.float32),
            pltpu.VMEM((NS,), jnp.float32),
            pltpu.VMEM((16, NS), jnp.float32),
            pltpu.VMEM((1, NS), jnp.float32),
            pltpu.VMEM((EPT_B,), jnp.int32),
            pltpu.VMEM((EPT_B,), jnp.int32),
            pltpu.VMEM((EPT_B,), jnp.float32),
            pltpu.VMEM((64, DH), jnp.float32),
            pltpu.VMEM_SHARED((16, NS), jnp.float32),
        ],
    )(_gat_body)
    return f(src, dst, es, ed, h, zs)


ECH = NS


def _agg_body(g_ref, dst_ref, agg_ref):
    i = pl.program_id(0)
    dstc = dst_ref[...].reshape(1, ECH)
    rowi = jax.lax.broadcasted_iota(jnp.int32, (NS, ECH), 0)
    oh = jnp.where(rowi == dstc, 1.0, 0.0)
    part = jnp.dot(oh, g_ref[...], preferred_element_type=jnp.float32)

    @pl.when(i == 0)
    def _():
        agg_ref[...] = jnp.zeros((NS, DH), jnp.float32)

    agg_ref[...] += part


def _agg(G, dst):
    return pl.pallas_call(
        _agg_body,
        grid=(NE // ECH,),
        in_specs=[
            pl.BlockSpec((ECH, DH), lambda i: (i, 0)),
            pl.BlockSpec((1, 1, ECH), lambda i: (i, 0, 0)),
        ],
        out_specs=pl.BlockSpec((NS, DH), lambda i: (0, 0)),
        out_shape=_f32(NS, DH),
        compiler_params=pltpu.CompilerParams(vmem_limit_bytes=100 << 20),
    )(G, dst.reshape(NE // ECH, 1, ECH))


def _lat_body(agg_ref, r_ref, wl_ref, bl_ref, scl_ref, lab_ref,
              wc1_ref, bc1_ref, wc2_ref, bc2_ref,
              stl_ref, mmd_ref, clf_ref):
    pre = agg_ref[...] + r_ref[...]
    hout = jnp.where(pre > 0, pre, jnp.exp(jnp.minimum(pre, 0.0)) - 1.0)
    stl = (jnp.dot(hout, wl_ref[...], preferred_element_type=jnp.float32)
           + bl_ref[...])
    stl_ref[...] = stl

    scl = scl_ref[...]
    t1 = jnp.maximum(
        jnp.dot(scl, wc1_ref[...], preferred_element_type=jnp.float32)
        + bc1_ref[...], 0.0)
    logits = (jnp.dot(t1, wc2_ref[...], preferred_element_type=jnp.float32)
              + bc2_ref[...])
    mx = jnp.max(logits, axis=1, keepdims=True)
    sh = logits - mx
    ls = sh - jnp.log(jnp.sum(jnp.exp(sh), axis=1, keepdims=True))
    cols = jax.lax.broadcasted_iota(jnp.int32, (NS, NC), 1)
    sel = jnp.where(cols == lab_ref[...], ls, 0.0)
    clf_ref[...] = (-jnp.sum(sel) / NS).reshape(1, 1)

    q = stl
    k = scl
    qs = jnp.sum(q * q, axis=1, keepdims=True)
    ks = jnp.sum(k * k, axis=1, keepdims=True)

    def dblock(a, b, sb):
        sa = jnp.sum(a * a, axis=1, keepdims=True)
        ab = jax.lax.dot_general(
            a, b, (((1,), (1,)), ((), ())), preferred_element_type=jnp.float32)
        return jnp.maximum(sa + sb.reshape(1, NS) - 2.0 * ab, 0.0)

    def bw_step(i, acc):
        qb = stl_ref[pl.ds(i * RB, RB), :]
        d = dblock(qb, k, ks)
        return acc + jnp.sum(d)

    bwsum = jax.lax.fori_loop(0, NBLK, bw_step, 0.0)
    bw = bwsum / (NS * NS) + 1e-12

    def exp_step(i, accs):
        axx, ayy, axy = accs
        qb = stl_ref[pl.ds(i * RB, RB), :]
        kb = scl_ref[pl.ds(i * RB, RB), :]
        dxx = dblock(qb, q, qs)
        dyy = dblock(kb, k, ks)
        dxy = dblock(qb, k, ks)
        axx = axx + jnp.sum(jnp.exp(-dxx / bw))
        ayy = ayy + jnp.sum(jnp.exp(-dyy / bw))
        axy = axy + jnp.sum(jnp.exp(-dxy / bw))
        return axx, ayy, axy

    sxx, syy, sxy = jax.lax.fori_loop(0, NBLK, exp_step, (0.0, 0.0, 0.0))
    mmd_ref[...] = ((sxx + syy - 2.0 * sxy) / (NS * NS)).reshape(1, 1)


def _latent_mmd_clf(agg, r, scl, lab, p):
    full = lambda: (0, 0)
    spec = lambda s: pl.BlockSpec(s, lambda: (0, 0))
    return pl.pallas_call(
        _lat_body,
        in_specs=[spec((NS, DH)), spec((NS, DH)), spec((DH, DL)),
                  spec((1, DL)), spec((NS, DL)), spec((NS, 1)),
                  spec((DL, DH)), spec((1, DH)), spec((DH, NC)),
                  spec((1, NC))],
        out_specs=[spec((NS, DL)), spec((1, 1)), spec((1, 1))],
        out_shape=[_f32(NS, DL), _f32(1, 1), _f32(1, 1)],
        compiler_params=pltpu.CompilerParams(vmem_limit_bytes=100 << 20),
    )(agg, r, p['W_lat'], p['b_lat'].reshape(1, DL), scl,
      lab.reshape(NS, 1), p['Wc1'], p['bc1'].reshape(1, DH),
      p['Wc2'], p['bc2'].reshape(1, NC))


def _dec_body(stl_ref, scl_ref, st_ref, sc_ref, sup_ref, imp_ref,
              w1st_ref, b1st_ref, w2st_ref, b2st_ref,
              w1sc_ref, b1sc_ref, w2sc_ref, b2sc_ref,
              rec_ref, cos_ref, imp_out_ref):
    i = pl.program_id(0)

    def dec(z, w1, b1, w2, b2):
        d1 = jnp.maximum(
            jnp.dot(z, w1, preferred_element_type=jnp.float32) + b1, 0.0)
        return jnp.dot(d1, w2, preferred_element_type=jnp.float32) + b2

    z = stl_ref[...]
    z2 = scl_ref[...]
    xst = st_ref[...]
    xsc = sc_ref[...]
    w1st = w1st_ref[...]; b1st = b1st_ref[...]
    w2st = w2st_ref[...]; b2st = b2st_ref[...]
    w1sc = w1sc_ref[...]; b1sc = b1sc_ref[...]
    w2sc = w2sc_ref[...]; b2sc = b2sc_ref[...]

    rec_st = dec(z, w1st, b1st, w2st, b2st)
    rec_sc = dec(z2, w1sc, b1sc, w2sc, b2sc)
    d1 = xst - rec_st
    d2 = xsc - rec_sc
    rsum = jnp.sum(d1 * d1) + jnp.sum(d2 * d2)

    def cosrows(a, b):
        na = jnp.sqrt(jnp.sum(a * a, axis=1, keepdims=True)) + 1e-12
        nb = jnp.sqrt(jnp.sum(b * b, axis=1, keepdims=True)) + 1e-12
        c = jnp.sum((a / na) * (b / nb), axis=1)
        return jnp.sum(1.0 - c)

    cross_sc = dec(z, w1sc, b1sc, w2sc, b2sc)
    cross_st = dec(z2, w1st, b1st, w2st, b2st)
    csum = cosrows(cross_sc, xst) + cosrows(cross_st, xsc)

    P = imp_ref[...]
    T = sup_ref[...]
    Pc = P - jnp.mean(P, axis=1, keepdims=True)
    Tc = T - jnp.mean(T, axis=1, keepdims=True)
    num = jnp.sum(Pc * Tc, axis=1)
    den = (jnp.sqrt(jnp.sum(Pc * Pc, axis=1)) *
           jnp.sqrt(jnp.sum(Tc * Tc, axis=1)) + 1e-12)
    isum = jnp.sum(1.0 - num / den)

    @pl.when(i == 0)
    def _():
        rec_ref[...] = jnp.zeros((1, 1), jnp.float32)
        cos_ref[...] = jnp.zeros((1, 1), jnp.float32)
        imp_out_ref[...] = jnp.zeros((1, 1), jnp.float32)

    rec_ref[...] += rsum.reshape(1, 1)
    cos_ref[...] += csum.reshape(1, 1)
    imp_out_ref[...] += isum.reshape(1, 1)


def _decoders(stl, scl, ST_fit, SC_fit, sup, imp, p):
    blk = lambda i: (i, 0)
    full = lambda i: (0, 0)
    return pl.pallas_call(
        _dec_body,
        grid=(NBLK,),
        in_specs=[
            pl.BlockSpec((RB, DL), blk),
            pl.BlockSpec((RB, DL), blk),
            pl.BlockSpec((RB, DI), blk),
            pl.BlockSpec((RB, DI), blk),
            pl.BlockSpec((RB, DS), blk),
            pl.BlockSpec((RB, DS), blk),
            pl.BlockSpec((DL, DH), full),
            pl.BlockSpec((1, DH), full),
            pl.BlockSpec((DH, DI), full),
            pl.BlockSpec((1, DI), full),
            pl.BlockSpec((DL, DH), full),
            pl.BlockSpec((1, DH), full),
            pl.BlockSpec((DH, DI), full),
            pl.BlockSpec((1, DI), full),
        ],
        out_specs=[pl.BlockSpec((1, 1), full)] * 3,
        out_shape=[_f32(1, 1)] * 3,
        compiler_params=pltpu.CompilerParams(vmem_limit_bytes=100 << 20),
    )(stl, scl, ST_fit, SC_fit, sup, imp,
      p['Wd1_st'], p['bd1_st'].reshape(1, DH), p['Wd2_st'],
      p['bd2_st'].reshape(1, DI),
      p['Wd1_sc'], p['bd1_sc'].reshape(1, DH), p['Wd2_sc'],
      p['bd2_sc'].reshape(1, DI))


def _gg_body(st_ref, imp_ref, gg_ref, out_ref):
    P = imp_ref[...]
    mu_p = jnp.mean(P, axis=0, keepdims=True)
    Pc = P - mu_p
    nrm_p = jnp.sqrt(jnp.sum(Pc * Pc, axis=0, keepdims=True)) + 1e-12
    Yn = Pc / nrm_p

    X = st_ref[...]
    mu = jnp.mean(X, axis=0, keepdims=True)
    Xc = X - mu
    nrm = jnp.sqrt(jnp.sum(Xc * Xc, axis=0, keepdims=True)) + 1e-12
    Xn = Xc / nrm
    G = jax.lax.dot_general(Xn, Yn, (((0,), (0,)), ((), ())),
                            preferred_element_type=jnp.float32)
    B = gg_ref[...]
    na = jnp.sqrt(jnp.sum(G * G, axis=1, keepdims=True)) + 1e-12
    nb = jnp.sqrt(jnp.sum(B * B, axis=1, keepdims=True)) + 1e-12
    c = jnp.sum((G / na) * (B / nb), axis=1)
    out_ref[...] = jnp.sum(1.0 - c).reshape(1, 1)


def _genegraph(ST_fit, imp, gg):
    spec = lambda s: pl.BlockSpec(s, lambda: (0, 0))
    return pl.pallas_call(
        _gg_body,
        in_specs=[spec((NS, DI)), spec((NS, DS)), spec((DI, DS))],
        out_specs=spec((1, 1)),
        out_shape=_f32(1, 1),
        compiler_params=pltpu.CompilerParams(vmem_limit_bytes=110 << 20),
    )(ST_fit, imp, gg)


def _attn_body(q_ref, k_ref, v_ref, imp_ref):
    qb = q_ref[...]
    k = k_ref[...]
    qs = jnp.sum(qb * qb, axis=1, keepdims=True)
    ks = jnp.sum(k * k, axis=1, keepdims=True)
    qk = jax.lax.dot_general(qb, k, (((1,), (1,)), ((), ())),
                             preferred_element_type=jnp.float32)
    D = jnp.maximum(qs + ks.reshape(1, NS) - 2.0 * qk, 0.0)

    u = jax.lax.bitcast_convert_type(D, jnp.int32)
    ones = jnp.ones((NS, 1), jnp.float32)

    def count(mask):
        return jnp.sum(jnp.where(mask, 1.0, 0.0), axis=1, keepdims=True)

    def vstep(i, p):
        cand = jnp.bitwise_or(p, jnp.left_shift(1, 30 - i))
        cnt = count(u < cand)
        return jnp.where(cnt <= KK - 1.0, cand, p)

    p = jax.lax.fori_loop(0, 31, vstep, jnp.zeros((NS, 1), jnp.int32))

    cnt_less = count(u < p)
    need = KK - cnt_less
    eq = u == p
    col = jax.lax.broadcasted_iota(jnp.int32, (NS, NS), 1)

    def cstep(i, c):
        cand = jnp.bitwise_or(c, jnp.left_shift(1, 10 - i))
        cnt = count(eq & (col < cand))
        return jnp.where(cnt <= need - 1.0, cand, c)

    c = jax.lax.fori_loop(0, 11, cstep, jnp.zeros((NS, 1), jnp.int32))
    sel = (u < p) | (eq & (col <= c))

    mn = jnp.min(D, axis=1, keepdims=True)
    x = jnp.sqrt(mn + 1e-12) - jnp.sqrt(D + 1e-12)
    e = jnp.where(sel, jnp.exp(x), 0.0)
    z = jax.lax.dot_general(e, ones, (((1,), (0,)), ((), ())),
                            preferred_element_type=jnp.float32)
    W = e / z
    imp_ref[...] = jnp.dot(W, v_ref[...], preferred_element_type=jnp.float32)


def _attn(stl, scl, V):
    spec = lambda s: pl.BlockSpec(s, lambda: (0, 0))
    return pl.pallas_call(
        _attn_body,
        in_specs=[
            spec((NS, DL)),
            spec((NS, DL)),
            spec((NS, DS)),
        ],
        out_specs=spec((NS, DS)),
        out_shape=_f32(NS, DS),
        compiler_params=pltpu.CompilerParams(vmem_limit_bytes=110 << 20),
    )(stl, scl, V)


def kernel(ST_fit, ST_supervision, ST_edge, SC_fit, SC_supervision, SC_label,
           SC_genegraph, params):
    p = params
    h, r, es, ed = _enc_st(ST_fit, p)

    src = ST_edge[0].astype(jnp.int32)
    dst = ST_edge[1].astype(jnp.int32)
    G = _gat_sc(src, dst, es.reshape(NS), ed.reshape(NS), h)
    scl = _enc_sc(SC_fit, p)
    agg = _agg(G, dst)

    stl, mmd, clf = _latent_mmd_clf(agg, r, scl, SC_label, p)

    imp = _attn(stl, scl, SC_supervision)

    rec, cos, impl = _decoders(stl, scl, ST_fit, SC_fit, ST_supervision,
                               imp, p)
    gg = _genegraph(ST_fit, imp, SC_genegraph)

    loss_recon = rec[0, 0] / (NS * DI)
    loss_mmd = mmd[0, 0]
    loss_clf = clf[0, 0]
    loss_cos = cos[0, 0] / NS
    loss_impute = impl[0, 0] / NS
    loss_genegraph = gg[0, 0] / DI
    loss = (loss_recon + loss_mmd + loss_cos + loss_clf + loss_impute
            + loss_genegraph)
    return (loss, loss_recon, loss_mmd, loss_cos, loss_clf, loss_impute,
            loss_genegraph)

# --- scband reference (transcript-rebuilt; emitter-appended) ---
"""Pipeline reference for scband-st-ai-10299331576127 (READ-ONLY COPY).

The authoritative reference and input builder live on the scoring server;
editing this copy changes nothing except your own understanding.
"""

import jax, jax.numpy as jnp
import numpy as np

D_IN = 2000; D_HID = 512; D_LAT = 32; N_CLS = 20; TOPK = 50
N_ST = 2048; N_SC = 2048; N_E = 12288; D_SUP = 1000


def setup_inputs(seed: int = 0):
    key = jax.random.key(seed)
    ks = jax.random.split(key, 32)
    def rnd(i, shape, scale):
        return jax.random.normal(ks[i], shape, jnp.float32) * scale
    params = {
        'W_gat': rnd(0, (D_IN, D_HID), 0.02),
        'a_src': rnd(1, (D_HID,), 0.1),
        'a_dst': rnd(2, (D_HID,), 0.1),
        'W_res': rnd(3, (D_IN, D_HID), 0.02),
        'W_lat': rnd(4, (D_HID, D_LAT), 0.05),
        'b_lat': jnp.zeros((D_LAT,), jnp.float32),
        'We1': rnd(5, (D_IN, D_HID), 0.02), 'be1': jnp.zeros((D_HID,), jnp.float32),
        'We2': rnd(6, (D_HID, D_LAT), 0.05), 'be2': jnp.zeros((D_LAT,), jnp.float32),
        'Wd1_st': rnd(7, (D_LAT, D_HID), 0.1), 'bd1_st': jnp.zeros((D_HID,), jnp.float32),
        'Wd2_st': rnd(8, (D_HID, D_IN), 0.02), 'bd2_st': jnp.zeros((D_IN,), jnp.float32),
        'Wd1_sc': rnd(9, (D_LAT, D_HID), 0.1), 'bd1_sc': jnp.zeros((D_HID,), jnp.float32),
        'Wd2_sc': rnd(10, (D_HID, D_IN), 0.02), 'bd2_sc': jnp.zeros((D_IN,), jnp.float32),
        'Wc1': rnd(11, (D_LAT, D_HID), 0.1), 'bc1': jnp.zeros((D_HID,), jnp.float32),
        'Wc2': rnd(12, (D_HID, N_CLS), 0.05), 'bc2': jnp.zeros((N_CLS,), jnp.float32),
    }
    return {
        'ST_fit': jax.random.uniform(ks[16], (N_ST, D_IN), jnp.float32),
        'ST_supervision': jax.random.uniform(ks[17], (N_ST, D_SUP), jnp.float32),
        'ST_edge': jax.random.randint(ks[18], (2, N_E), 0, N_ST),
        'SC_fit': jax.random.uniform(ks[19], (N_SC, D_IN), jnp.float32),
        'SC_supervision': jax.random.uniform(ks[20], (N_SC, D_SUP), jnp.float32),
        'SC_label': jax.random.randint(ks[21], (N_SC,), 0, N_CLS),
        'SC_genegraph': jax.random.uniform(ks[22], (D_IN, D_SUP), jnp.float32),
        'params': params,
    }


def _segment_softmax(logits, seg, num):
    m = jax.ops.segment_max(logits, seg, num_segments=num)
    m = jnp.where(jnp.isfinite(m), m, 0.0)
    e = jnp.exp(logits - m[seg])
    s = jax.ops.segment_sum(e, seg, num_segments=num)
    return e / (s[seg] + 1e-16)


def _gat_encoder(x, edge, p):
    h = x @ p['W_gat']
    src, dst = edge[0], edge[1]
    es = h @ p['a_src']
    ed = h @ p['a_dst']
    logits = jax.nn.leaky_relu(es[src] + ed[dst], 0.2)
    alpha = _segment_softmax(logits, dst, x.shape[0])
    agg = jax.ops.segment_sum(alpha[:, None] * h[src], dst, num_segments=x.shape[0])
    hout = jax.nn.elu(agg + x @ p['W_res'])
    return hout @ p['W_lat'] + p['b_lat']


def _mlp_encoder(x, p):
    return jax.nn.relu(x @ p['We1'] + p['be1']) @ p['We2'] + p['be2']


def _mlp_decoder(z, W1, b1, W2, b2):
    return jax.nn.relu(z @ W1 + b1) @ W2 + b2


def _classifier(z, p):
    return jax.nn.relu(z @ p['Wc1'] + p['bc1']) @ p['Wc2'] + p['bc2']


def _euclidean_attn(q, k, v, topk):
    d2 = jnp.sum(q * q, 1)[:, None] + jnp.sum(k * k, 1)[None, :] - 2.0 * (q @ k.T)
    d2 = jnp.maximum(d2, 0.0)
    _, idx = jax.lax.top_k(-d2, topk)
    d_sel = jnp.take_along_axis(d2, idx, axis=1)
    w = jax.nn.softmax(-jnp.sqrt(d_sel + 1e-12), axis=1)
    rows = jnp.arange(q.shape[0])[:, None]
    Wmat = jnp.zeros((q.shape[0], k.shape[0]), q.dtype).at[rows, idx].set(w)
    return Wmat @ v, Wmat


def _cross_dist(X, Y):
    Xc = X - X.mean(0, keepdims=True)
    Yc = Y - Y.mean(0, keepdims=True)
    Xn = Xc / (jnp.linalg.norm(Xc, axis=0, keepdims=True) + 1e-12)
    Yn = Yc / (jnp.linalg.norm(Yc, axis=0, keepdims=True) + 1e-12)
    return Xn.T @ Yn


def _l2rows(x):
    return x / (jnp.linalg.norm(x, axis=1, keepdims=True) + 1e-12)


def _cosine_loss(A, B):
    return (1.0 - jnp.sum(_l2rows(A) * _l2rows(B), 1)).mean()


def _pcorr_loss(P, T):
    Pc = P - P.mean(1, keepdims=True)
    Tc = T - T.mean(1, keepdims=True)
    corr = jnp.sum(Pc * Tc, 1) / (jnp.linalg.norm(Pc, axis=1) * jnp.linalg.norm(Tc, axis=1) + 1e-12)
    return (1.0 - corr).mean()


def _sqdist(A, B):
    return jnp.maximum(jnp.sum(A * A, 1)[:, None] + jnp.sum(B * B, 1)[None, :] - 2.0 * (A @ B.T), 0.0)


def _mmd_loss(X, Y):
    dxx = _sqdist(X, X); dyy = _sqdist(Y, Y); dxy = _sqdist(X, Y)
    bw = jnp.mean(dxy) + 1e-12
    return jnp.mean(jnp.exp(-dxx / bw)) + jnp.mean(jnp.exp(-dyy / bw)) - 2.0 * jnp.mean(jnp.exp(-dxy / bw))


def _xent(logits, labels):
    ls = jax.nn.log_softmax(logits, axis=-1)
    return -jnp.mean(jnp.take_along_axis(ls, labels[:, None], axis=1)[:, 0])


def reference(ST_fit, ST_supervision, ST_edge, SC_fit, SC_supervision, SC_label, SC_genegraph, params):
    p = params
    ST_latent = _gat_encoder(ST_fit, ST_edge, p)
    SC_latent = _mlp_encoder(SC_fit, p)
    ST_recon = _mlp_decoder(ST_latent, p['Wd1_st'], p['bd1_st'], p['Wd2_st'], p['bd2_st'])
    SC_recon = _mlp_decoder(SC_latent, p['Wd1_sc'], p['bd1_sc'], p['Wd2_sc'], p['bd2_sc'])
    SC_pred_label = _classifier(SC_latent, p)
    ST_impute_pred, _ = _euclidean_attn(ST_latent, SC_latent, SC_supervision, TOPK)
    ST_genegraph = _cross_dist(ST_fit, ST_impute_pred)
    loss_genegraph = _cosine_loss(ST_genegraph, SC_genegraph)
    loss_clf = _xent(SC_pred_label, SC_label)
    loss_impute = _pcorr_loss(ST_impute_pred, ST_supervision)
    loss_mmd = _mmd_loss(ST_latent, SC_latent)
    loss_recon = jnp.mean((ST_fit - ST_recon) ** 2) + jnp.mean((SC_fit - SC_recon) ** 2)
    cross_sc = _mlp_decoder(ST_latent, p['Wd1_sc'], p['bd1_sc'], p['Wd2_sc'], p['bd2_sc'])
    cross_st = _mlp_decoder(SC_latent, p['Wd1_st'], p['bd1_st'], p['Wd2_st'], p['bd2_st'])
    loss_cos = (1.0 - jnp.sum(_l2rows(cross_sc) * _l2rows(ST_fit), 1)).mean() + (1.0 - jnp.sum(_l2rows(cross_st) * _l2rows(SC_fit), 1)).mean()
    loss = 1.0 * loss_recon + 1.0 * loss_mmd + 1.0 * loss_cos + 1.0 * loss_clf + 1.0 * loss_impute + 1.0 * loss_genegraph
    return (loss, loss_recon, loss_mmd, loss_cos, loss_clf, loss_impute, loss_genegraph)

if __name__ == "__main__":
    import jax
    _d = setup_inputs()
    print(jax.jit(kernel)(*tuple(_d.values())))

</pallas_src>

<mosaic_0001>
#map = affine_map<(d0, d1) -> (0)>
#map1 = affine_map<(d0, d1) -> (0, 0)>
module attributes {stable_mosaic.version = 14 : i64} {
  func.func @_gat_body(%arg0: i32, %arg1: i32, %arg2: memref<12288xi32, #tpu.memory_space<hbm>>, %arg3: memref<12288xi32, #tpu.memory_space<hbm>>, %arg4: memref<2048xf32, #tpu.memory_space<hbm>>, %arg5: memref<2048xf32, #tpu.memory_space<hbm>>, %arg6: memref<2048x512xf32, #tpu.memory_space<hbm>>, %arg7: memref<16x2048xf32, #tpu.memory_space<hbm>>, %arg8: memref<12288x512xf32, #tpu.memory_space<hbm>>, %arg9: memref<768xi32, #tpu.memory_space<vmem>>, %arg10: memref<768xi32, #tpu.memory_space<vmem>>, %arg11: memref<2048xf32, #tpu.memory_space<vmem>>, %arg12: memref<2048xf32, #tpu.memory_space<vmem>>, %arg13: memref<16x2048xf32, #tpu.memory_space<vmem>>, %arg14: memref<1x2048xf32, #tpu.memory_space<vmem>>, %arg15: memref<384xi32, #tpu.memory_space<vmem>>, %arg16: memref<384xi32, #tpu.memory_space<vmem>>, %arg17: memref<384xf32, #tpu.memory_space<vmem>>, %arg18: memref<64x512xf32, #tpu.memory_space<vmem>>, %arg19: memref<16x2048xf32, #tpu.memory_space<vmem_shared>>) attributes {dimension_semantics = [#tpu.dimension_semantics<core_parallel>, #tpu.dimension_semantics<subcore_parallel>], iteration_bounds = array<i64: 2, 16>, scalar_prefetch = 0 : i64, scratch_operands = 11 : i64, tpu.core_type = #tpu.core_type<sc_vector_subcore>, window_params = [{transform_indices = #map}, {transform_indices = #map}, {transform_indices = #map}, {transform_indices = #map}, {transform_indices = #map1}, {transform_indices = #map1}, {transform_indices = #map1}]} {
    %mul3A = arith.constant 16 : i32
    %mul3A_0 = arith.muli %arg0, %mul3A : i32
    %add3A = arith.addi %mul3A_0, %arg1 : i32
    %iota3A = tpu.iota {dimensions = array<i32: 0>} : vector<16xi32>
    %broadcast_in_dim3A = arith.constant 0 : i32
    %broadcast_in_dim3A_1 = vector.broadcast %broadcast_in_dim3A : i32 to vector<16xi32>
    %mul3A_2 = arith.constant 768 : i32
    %mul3A_3 = arith.muli %arg1, %mul3A_2 : i32
    "tpu.region"() ({
      %run_scoped3A = tpu.sem_alloc : memref<!tpu.dma_semaphore, #tpu.memory_space<semaphore_mem>>
      %dma_start3A = tpu.memref_slice %arg2[%mul3A_3] : memref<12288xi32, #tpu.memory_space<hbm>> -> memref<768xi32, #tpu.memory_space<hbm>>
      %dma_start3A_39 = tpu.memref_slice %arg2[%mul3A_3] : memref<12288xi32, #tpu.memory_space<hbm>> -> memref<768xi32, #tpu.memory_space<hbm>>
      tpu.enqueue_dma source(%dma_start3A_39 : memref<768xi32, #tpu.memory_space<hbm>>) target(%arg9 : memref<768xi32, #tpu.memory_space<vmem>>) target_semaphore(%run_scoped3A : memref<!tpu.dma_semaphore, #tpu.memory_space<semaphore_mem>>)
      %dma_wait3A = tpu.memref_slice %arg2[%mul3A_3] : memref<12288xi32, #tpu.memory_space<hbm>> -> memref<768xi32, #tpu.memory_space<hbm>>
      %dma_wait3A_40 = tpu.memref_slice %arg2[%mul3A_3] : memref<12288xi32, #tpu.memory_space<hbm>> -> memref<768xi32, #tpu.memory_space<hbm>>
      tpu.wait_dma2 semaphore(%run_scoped3A : memref<!tpu.dma_semaphore, #tpu.memory_space<semaphore_mem>>) src(%dma_wait3A_40 : memref<768xi32, #tpu.memory_space<hbm>>) dst(%arg9 : memref<768xi32, #tpu.memory_space<vmem>>)
      tpu.yield
    }) : () -> ()
    %mul3A_4 = arith.constant 768 : i32
    %mul3A_5 = arith.muli %arg1, %mul3A_4 : i32
    "tpu.region"() ({
      %run_scoped3A = tpu.sem_alloc : memref<!tpu.dma_semaphore, #tpu.memory_space<semaphore_mem>>
      %dma_start3A = tpu.memref_slice %arg3[%mul3A_5] : memref<12288xi32, #tpu.memory_space<hbm>> -> memref<768xi32, #tpu.memory_space<hbm>>
      %dma_start3A_39 = tpu.memref_slice %arg3[%mul3A_5] : memref<12288xi32, #tpu.memory_space<hbm>> -> memref<768xi32, #tpu.memory_space<hbm>>
      tpu.enqueue_dma source(%dma_start3A_39 : memref<768xi32, #tpu.memory_space<hbm>>) target(%arg10 : memref<768xi32, #tpu.memory_space<vmem>>) target_semaphore(%run_scoped3A : memref<!tpu.dma_semaphore, #tpu.memory_space<semaphore_mem>>)
      %dma_wait3A = tpu.memref_slice %arg3[%mul3A_5] : memref<12288xi32, #tpu.memory_space<hbm>> -> memref<768xi32, #tpu.memory_space<hbm>>
      %dma_wait3A_40 = tpu.memref_slice %arg3[%mul3A_5] : memref<12288xi32, #tpu.memory_space<hbm>> -> memref<768xi32, #tpu.memory_space<hbm>>
      tpu.wait_dma2 semaphore(%run_scoped3A : memref<!tpu.dma_semaphore, #tpu.memory_space<semaphore_mem>>) src(%dma_wait3A_40 : memref<768xi32, #tpu.memory_space<hbm>>) dst(%arg10 : memref<768xi32, #tpu.memory_space<vmem>>)
      tpu.yield
    }) : () -> ()
    "tpu.region"() ({
      %run_scoped3A = tpu.sem_alloc : memref<!tpu.dma_semaphore, #tpu.memory_space<semaphore_mem>>
      tpu.enqueue_dma source(%arg4 : memref<2048xf32, #tpu.memory_space<hbm>>) target(%arg11 : memref<2048xf32, #tpu.memory_space<vmem>>) target_semaphore(%run_scoped3A : memref<!tpu.dma_semaphore, #tpu.memory_space<semaphore_mem>>)
      tpu.wait_dma2 semaphore(%run_scoped3A : memref<!tpu.dma_semaphore, #tpu.memory_space<semaphore_mem>>) src(%arg4 : memref<2048xf32, #tpu.memory_space<hbm>>) dst(%arg11 : memref<2048xf32, #tpu.memory_space<vmem>>)
      tpu.yield
    }) : () -> ()
    "tpu.region"() ({
      %run_scoped3A = tpu.sem_alloc : memref<!tpu.dma_semaphore, #tpu.memory_space<semaphore_mem>>
      tpu.enqueue_dma source(%arg5 : memref<2048xf32, #tpu.memory_space<hbm>>) target(%arg12 : memref<2048xf32, #tpu.memory_space<vmem>>) target_semaphore(%run_scoped3A : memref<!tpu.dma_semaphore, #tpu.memory_space<semaphore_mem>>)
      tpu.wait_dma2 semaphore(%run_scoped3A : memref<!tpu.dma_semaphore, #tpu.memory_space<semaphore_mem>>) src(%arg5 : memref<2048xf32, #tpu.memory_space<hbm>>) dst(%arg12 : memref<2048xf32, #tpu.memory_space<vmem>>)
      tpu.yield
    }) : () -> ()
    %mul3A_6 = arith.constant 384 : i32
    %mul3A_7 = arith.muli %add3A, %mul3A_6 : i32
    "tpu.region"() ({
      %run_scoped3A = tpu.sem_alloc : memref<!tpu.dma_semaphore, #tpu.memory_space<semaphore_mem>>
      %dma_start3A = tpu.memref_slice %arg2[%mul3A_7] : memref<12288xi32, #tpu.memory_space<hbm>> -> memref<384xi32, #tpu.memory_space<hbm>>
      %dma_start3A_39 = tpu.memref_slice %arg2[%mul3A_7] : memref<12288xi32, #tpu.memory_space<hbm>> -> memref<384xi32, #tpu.memory_space<hbm>>
      tpu.enqueue_dma source(%dma_start3A_39 : memref<384xi32, #tpu.memory_space<hbm>>) target(%arg15 : memref<384xi32, #tpu.memory_space<vmem>>) target_semaphore(%run_scoped3A : memref<!tpu.dma_semaphore, #tpu.memory_space<semaphore_mem>>)
      %dma_wait3A = tpu.memref_slice %arg2[%mul3A_7] : memref<12288xi32, #tpu.memory_space<hbm>> -> memref<384xi32, #tpu.memory_space<hbm>>
      %dma_wait3A_40 = tpu.memref_slice %arg2[%mul3A_7] : memref<12288xi32, #tpu.memory_space<hbm>> -> memref<384xi32, #tpu.memory_space<hbm>>
      tpu.wait_dma2 semaphore(%run_scoped3A : memref<!tpu.dma_semaphore, #tpu.memory_space<semaphore_mem>>) src(%dma_wait3A_40 : memref<384xi32, #tpu.memory_space<hbm>>) dst(%arg15 : memref<384xi32, #tpu.memory_space<vmem>>)
      tpu.yield
    }) : () -> ()
    %mul3A_8 = arith.constant 384 : i32
    %mul3A_9 = arith.muli %add3A, %mul3A_8 : i32
    "tpu.region"() ({
      %run_scoped3A = tpu.sem_alloc : memref<!tpu.dma_semaphore, #tpu.memory_space<semaphore_mem>>
      %dma_start3A = tpu.memref_slice %arg3[%mul3A_9] : memref<12288xi32, #tpu.memory_space<hbm>> -> memref<384xi32, #tpu.memory_space<hbm>>
      %dma_start3A_39 = tpu.memref_slice %arg3[%mul3A_9] : memref<12288xi32, #tpu.memory_space<hbm>> -> memref<384xi32, #tpu.memory_space<hbm>>
      tpu.enqueue_dma source(%dma_start3A_39 : memref<384xi32, #tpu.memory_space<hbm>>) target(%arg16 : memref<384xi32, #tpu.memory_space<vmem>>) target_semaphore(%run_scoped3A : memref<!tpu.dma_semaphore, #tpu.memory_space<semaphore_mem>>)
      %dma_wait3A = tpu.memref_slice %arg3[%mul3A_9] : memref<12288xi32, #tpu.memory_space<hbm>> -> memref<384xi32, #tpu.memory_space<hbm>>
      %dma_wait3A_40 = tpu.memref_slice %arg3[%mul3A_9] : memref<12288xi32, #tpu.memory_space<hbm>> -> memref<384xi32, #tpu.memory_space<hbm>>
      tpu.wait_dma2 semaphore(%run_scoped3A : memref<!tpu.dma_semaphore, #tpu.memory_space<semaphore_mem>>) src(%dma_wait3A_40 : memref<384xi32, #tpu.memory_space<hbm>>) dst(%arg16 : memref<384xi32, #tpu.memory_space<vmem>>)
      tpu.yield
    }) : () -> ()
    "tpu.region"() ({
      %run_scoped3A = tpu.sem_alloc : memref<!tpu.dma_semaphore, #tpu.memory_space<semaphore_mem>>
      tpu.enqueue_dma source(%arg7 : memref<16x2048xf32, #tpu.memory_space<hbm>>) target(%arg13 : memref<16x2048xf32, #tpu.memory_space<vmem>>) target_semaphore(%run_scoped3A : memref<!tpu.dma_semaphore, #tpu.memory_space<semaphore_mem>>)
      tpu.wait_dma2 semaphore(%run_scoped3A : memref<!tpu.dma_semaphore, #tpu.memory_space<semaphore_mem>>) src(%arg7 : memref<16x2048xf32, #tpu.memory_space<hbm>>) dst(%arg13 : memref<16x2048xf32, #tpu.memory_space<vmem>>)
      tpu.yield
    }) : () -> ()
    %scan3A = arith.constant 0 : i32
    %scan3A_10 = arith.constant 0 : i32
    %scan3A_11 = arith.constant 48 : i32
    %scan3A_12 = arith.addi %scan3A_10, %scan3A_11 : i32
    %scan3A_13 = arith.constant 1 : i32
    scf.for %scan3A_39 = %scan3A_10 to %scan3A_12 step %scan3A_13  : i32 {
      %mul3A_40 = arith.constant 16 : i32
      %mul3A_41 = arith.muli %scan3A_39, %mul3A_40 : i32
      %get3A = arith.index_cast %mul3A_41 : i32 to index
      %get3A_42 = tpu.vector_load %arg9[%get3A] {strides = array<i32>} : memref<768xi32, #tpu.memory_space<vmem>>, vector<16xi32>,
      %mul3A_43 = arith.constant 16 : i32
      %mul3A_44 = arith.muli %scan3A_39, %mul3A_43 : i32
      %get3A_45 = arith.index_cast %mul3A_44 : i32 to index
      %get3A_46 = tpu.vector_load %arg10[%get3A_45] {strides = array<i32>} : memref<768xi32, #tpu.memory_space<vmem>>, vector<16xi32>,
      %gather3A = tpu.vector_load_idx %arg11[%get3A_42] : memref<2048xf32, #tpu.memory_space<vmem>>[vector<16xi32>], vector<16xf32>,
      %gather3A_47 = tpu.vector_load_idx %arg12[%get3A_46] : memref<2048xf32, #tpu.memory_space<vmem>>[vector<16xi32>], vector<16xf32>,
      %add3A_48 = arith.addf %gather3A, %gather3A_47 : vector<16xf32>
      %ge3A = arith.constant 0.000000e+00 : f32
      %ge3A_49 = vector.broadcast %ge3A : f32 to vector<16xf32>
      %ge3A_50 = arith.cmpf oge, %add3A_48, %ge3A_49 : vector<16xf32>
      %mul3A_51 = arith.constant 2.000000e-01 : f32
      %mul3A_52 = vector.broadcast %mul3A_51 : f32 to vector<16xf32>
      %mul3A_53 = arith.mulf %mul3A_52, %add3A_48 : vector<16xf32>
      %select_n3A = arith.select %ge3A_50, %add3A_48, %mul3A_53 : vector<16xi1>, vector<16xf32>
      %exp3A = math.exp %select_n3A : vector<16xf32>
      %gather3A_54 = tpu.vector_load_idx %arg13[%iota3A, %get3A_46] : memref<16x2048xf32, #tpu.memory_space<vmem>>[vector<16xi32>, vector<16xi32>], vector<16xf32>,
      %add3A_55 = arith.addf %gather3A_54, %exp3A : vector<16xf32>
      tpu.vector_store_idx %arg13[%iota3A, %get3A_46], %add3A_55 : memref<16x2048xf32, #tpu.memory_space<vmem>>[vector<16xi32>, vector<16xi32>], vector<16xf32>,
    }
    %scan3A_14 = arith.constant 48 : i32
    %scan3A_15 = arith.constant 0 : i32
    %scan3A_16 = arith.constant 0 : i32
    %scan3A_17 = arith.constant 128 : i32
    %scan3A_18 = arith.addi %scan3A_16, %scan3A_17 : i32
    %scan3A_19 = arith.constant 1 : i32
    scf.for %scan3A_39 = %scan3A_16 to %scan3A_18 step %scan3A_19  : i32 {
      %mul3A_40 = arith.constant 16 : i32
      %mul3A_41 = arith.muli %scan3A_39, %mul3A_40 : i32
      %get3A = arith.constant 0 : i32
      %get3A_42 = arith.index_cast %get3A : i32 to index
      %get3A_43 = arith.index_cast %mul3A_41 : i32 to index
      %get3A_44 = tpu.vector_load %arg13[%get3A_42, %get3A_43] {strides = array<i32>} : memref<16x2048xf32, #tpu.memory_space<vmem>>, vector<16xf32>,
      %mul3A_45 = arith.constant 16 : i32
      %mul3A_46 = arith.muli %scan3A_39, %mul3A_45 : i32
      %get3A_47 = arith.constant 1 : i32
      %get3A_48 = arith.index_cast %get3A_47 : i32 to index
      %get3A_49 = arith.index_cast %mul3A_46 : i32 to index
      %get3A_50 = tpu.vector_load %arg13[%get3A_48, %get3A_49] {strides = array<i32>} : memref<16x2048xf32, #tpu.memory_space<vmem>>, vector<16xf32>,
      %add3A_51 = arith.addf %get3A_44, %get3A_50 : vector<16xf32>
      %mul3A_52 = arith.constant 16 : i32
      %mul3A_53 = arith.muli %scan3A_39, %mul3A_52 : i32
      %get3A_54 = arith.constant 2 : i32
      %get3A_55 = arith.index_cast %get3A_54 : i32 to index
      %get3A_56 = arith.index_cast %mul3A_53 : i32 to index
      %get3A_57 = tpu.vector_load %arg13[%get3A_55, %get3A_56] {strides = array<i32>} : memref<16x2048xf32, #tpu.memory_space<vmem>>, vector<16xf32>,
      %add3A_58 = arith.addf %add3A_51, %get3A_57 : vector<16xf32>
      %mul3A_59 = arith.constant 16 : i32
      %mul3A_60 = arith.muli %scan3A_39, %mul3A_59 : i32
      %get3A_61 = arith.constant 3 : i32
      %get3A_62 = arith.index_cast %get3A_61 : i32 to index
      %get3A_63 = arith.index_cast %mul3A_60 : i32 to index
      %get3A_64 = tpu.vector_load %arg13[%get3A_62, %get3A_63] {strides = array<i32>} : memref<16x2048xf32, #tpu.memory_space<vmem>>, vector<16xf32>,
      %add3A_65 = arith.addf %add3A_58, %get3A_64 : vector<16xf32>
      %mul3A_66 = arith.constant 16 : i32
      %mul3A_67 = arith.muli %scan3A_39, %mul3A_66 : i32
      %get3A_68 = arith.constant 4 : i32
      %get3A_69 = arith.index_cast %get3A_68 : i32 to index
      %get3A_70 = arith.index_cast %mul3A_67 : i32 to index
      %get3A_71 = tpu.vector_load %arg13[%get3A_69, %get3A_70] {strides = array<i32>} : memref<16x2048xf32, #tpu.memory_space<vmem>>, vector<16xf32>,
      %add3A_72 = arith.addf %add3A_65, %get3A_71 : vector<16xf32>
      %mul3A_73 = arith.constant 16 : i32
      %mul3A_74 = arith.muli %scan3A_39, %mul3A_73 : i32
      %get3A_75 = arith.constant 5 : i32
      %get3A_76 = arith.index_cast %get3A_75 : i32 to index
      %get3A_77 = arith.index_cast %mul3A_74 : i32 to index
      %get3A_78 = tpu.vector_load %arg13[%get3A_76, %get3A_77] {strides = array<i32>} : memref<16x2048xf32, #tpu.memory_space<vmem>>, vector<16xf32>,
      %add3A_79 = arith.addf %add3A_72, %get3A_78 : vector<16xf32>
      %mul3A_80 = arith.constant 16 : i32
      %mul3A_81 = arith.muli %scan3A_39, %mul3A_80 : i32
      %get3A_82 = arith.constant 6 : i32
      %get3A_83 = arith.index_cast %get3A_82 : i32 to index
      %get3A_84 = arith.index_cast %mul3A_81 : i32 to index
      %get3A_85 = tpu.vector_load %arg13[%get3A_83, %get3A_84] {strides = array<i32>} : memref<16x2048xf32, #tpu.memory_space<vmem>>, vector<16xf32>,
      %add3A_86 = arith.addf %add3A_79, %get3A_85 : vector<16xf32>
      %mul3A_87 = arith.constant 16 : i32
      %mul3A_88 = arith.muli %scan3A_39, %mul3A_87 : i32
      %get3A_89 = arith.constant 7 : i32
      %get3A_90 = arith.index_cast %get3A_89 : i32 to index
      %get3A_91 = arith.index_cast %mul3A_88 : i32 to index
      %get3A_92 = tpu.vector_load %arg13[%get3A_90, %get3A_91] {strides = array<i32>} : memref<16x2048xf32, #tpu.memory_space<vmem>>, vector<16xf32>,
      %add3A_93 = arith.addf %add3A_86, %get3A_92 : vector<16xf32>
      %mul3A_94 = arith.constant 16 : i32
      %mul3A_95 = arith.muli %scan3A_39, %mul3A_94 : i32
      %get3A_96 = arith.constant 8 : i32
      %get3A_97 = arith.index_cast %get3A_96 : i32 to index
      %get3A_98 = arith.index_cast %mul3A_95 : i32 to index
      %get3A_99 = tpu.vector_load %arg13[%get3A_97, %get3A_98] {strides = array<i32>} : memref<16x2048xf32, #tpu.memory_space<vmem>>, vector<16xf32>,
      %add3A_100 = arith.addf %add3A_93, %get3A_99 : vector<16xf32>
      %mul3A_101 = arith.constant 16 : i32
      %mul3A_102 = arith.muli %scan3A_39, %mul3A_101 : i32
      %get3A_103 = arith.constant 9 : i32
      %get3A_104 = arith.index_cast %get3A_103 : i32 to index
      %get3A_105 = arith.index_cast %mul3A_102 : i32 to index
      %get3A_106 = tpu.vector_load %arg13[%get3A_104, %get3A_105] {strides = array<i32>} : memref<16x2048xf32, #tpu.memory_space<vmem>>, vector<16xf32>,
      %add3A_107 = arith.addf %add3A_100, %get3A_106 : vector<16xf32>
      %mul3A_108 = arith.constant 16 : i32
      %mul3A_109 = arith.muli %scan3A_39, %mul3A_108 : i32
      %get3A_110 = arith.constant 10 : i32
      %get3A_111 = arith.index_cast %get3A_110 : i32 to index
      %get3A_112 = arith.index_cast %mul3A_109 : i32 to index
      %get3A_113 = tpu.vector_load %arg13[%get3A_111, %get3A_112] {strides = array<i32>} : memref<16x2048xf32, #tpu.memory_space<vmem>>, vector<16xf32>,
      %add3A_114 = arith.addf %add3A_107, %get3A_113 : vector<16xf32>
      %mul3A_115 = arith.constant 16 : i32
      %mul3A_116 = arith.muli %scan3A_39, %mul3A_115 : i32
      %get3A_117 = arith.constant 11 : i32
      %get3A_118 = arith.index_cast %get3A_117 : i32 to index
      %get3A_119 = arith.index_cast %mul3A_116 : i32 to index
      %get3A_120 = tpu.vector_load %arg13[%get3A_118, %get3A_119] {strides = array<i32>} : memref<16x2048xf32, #tpu.memory_space<vmem>>, vector<16xf32>,
      %add3A_121 = arith.addf %add3A_114, %get3A_120 : vector<16xf32>
      %mul3A_122 = arith.constant 16 : i32
      %mul3A_123 = arith.muli %scan3A_39, %mul3A_122 : i32
      %get3A_124 = arith.constant 12 : i32
      %get3A_125 = arith.index_cast %get3A_124 : i32 to index
      %get3A_126 = arith.index_cast %mul3A_123 : i32 to index
      %get3A_127 = tpu.vector_load %arg13[%get3A_125, %get3A_126] {strides = array<i32>} : memref<16x2048xf32, #tpu.memory_space<vmem>>, vector<16xf32>,
      %add3A_128 = arith.addf %add3A_121, %get3A_127 : vector<16xf32>
      %mul3A_129 = arith.constant 16 : i32
      %mul3A_130 = arith.muli %scan3A_39, %mul3A_129 : i32
      %get3A_131 = arith.constant 13 : i32
      %get3A_132 = arith.index_cast %get3A_131 : i32 to index
      %get3A_133 = arith.index_cast %mul3A_130 : i32 to index
      %get3A_134 = tpu.vector_load %arg13[%get3A_132, %get3A_133] {strides = array<i32>} : memref<16x2048xf32, #tpu.memory_space<vmem>>, vector<16xf32>,
      %add3A_135 = arith.addf %add3A_128, %get3A_134 : vector<16xf32>
      %mul3A_136 = arith.constant 16 : i32
      %mul3A_137 = arith.muli %scan3A_39, %mul3A_136 : i32
      %get3A_138 = arith.constant 14 : i32
      %get3A_139 = arith.index_cast %get3A_138 : i32 to index
      %get3A_140 = arith.index_cast %mul3A_137 : i32 to index
      %get3A_141 = tpu.vector_load %arg13[%get3A_139, %get3A_140] {strides = array<i32>} : memref<16x2048xf32, #tpu.memory_space<vmem>>, vector<16xf32>,
      %add3A_142 = arith.addf %add3A_135, %get3A_141 : vector<16xf32>
      %mul3A_143 = arith.constant 16 : i32
      %mul3A_144 = arith.muli %scan3A_39, %mul3A_143 : i32
      %get3A_145 = arith.constant 15 : i32
      %get3A_146 = arith.index_cast %get3A_145 : i32 to index
      %get3A_147 = arith.index_cast %mul3A_144 : i32 to index
      %get3A_148 = tpu.vector_load %arg13[%get3A_146, %get3A_147] {strides = array<i32>} : memref<16x2048xf32, #tpu.memory_space<vmem>>, vector<16xf32>,
      %add3A_149 = arith.addf %add3A_142, %get3A_148 : vector<16xf32>
      %mul3A_150 = arith.constant 16 : i32
      %mul3A_151 = arith.muli %scan3A_39, %mul3A_150 : i32
      %swap3A = arith.constant 0 : i32
      %swap3A_152 = arith.index_cast %swap3A : i32 to index
      %swap3A_153 = arith.index_cast %mul3A_151 : i32 to index
      %swap3A_154 = tpu.vector_load %arg14[%swap3A_152, %swap3A_153] {strides = array<i32>} : memref<1x2048xf32, #tpu.memory_space<vmem>>, vector<16xf32>,
      tpu.vector_store %arg14[%swap3A_152, %swap3A_153], %add3A_149 {strides = array<i32>} : memref<1x2048xf32, #tpu.memory_space<vmem>>, vector<16xf32>,
    }
    %scan3A_20 = arith.constant 128 : i32
    "tpu.region"() ({
      %run_scoped3A = tpu.sem_alloc : memref<!tpu.dma_semaphore, #tpu.memory_space<semaphore_mem>>
      %dma_start3A = arith.constant 0 : i32
      %dma_start3A_39 = tpu.memref_slice %arg19[%arg1, %dma_start3A] : memref<16x2048xf32, #tpu.memory_space<vmem_shared>> -> memref<1x2048xf32, #tpu.memory_space<vmem_shared>>
      %dma_start3A_40 = arith.constant 0 : i32
      %dma_start3A_41 = tpu.memref_slice %arg19[%arg1, %dma_start3A_40] : memref<16x2048xf32, #tpu.memory_space<vmem_shared>> -> memref<1x2048xf32, #tpu.memory_space<vmem_shared>>
      tpu.enqueue_dma source(%arg14 : memref<1x2048xf32, #tpu.memory_space<vmem>>) target(%dma_start3A_41 : memref<1x2048xf32, #tpu.memory_space<vmem_shared>>) target_semaphore(%run_scoped3A : memref<!tpu.dma_semaphore, #tpu.memory_space<semaphore_mem>>)
      %dma_wait3A = arith.constant 0 : i32
      %dma_wait3A_42 = tpu.memref_slice %arg19[%arg1, %dma_wait3A] : memref<16x2048xf32, #tpu.memory_space<vmem_shared>> -> memref<1x2048xf32, #tpu.memory_space<vmem_shared>>
      %dma_wait3A_43 = arith.constant 0 : i32
      %dma_wait3A_44 = tpu.memref_slice %arg19[%arg1, %dma_wait3A_43] : memref<16x2048xf32, #tpu.memory_space<vmem_shared>> -> memref<1x2048xf32, #tpu.memory_space<vmem_shared>>
      tpu.wait_dma2 semaphore(%run_scoped3A : memref<!tpu.dma_semaphore, #tpu.memory_space<semaphore_mem>>) src(%arg14 : memref<1x2048xf32, #tpu.memory_space<vmem>>) dst(%dma_wait3A_44 : memref<1x2048xf32, #tpu.memory_space<vmem_shared>>)
      tpu.yield
    }) : () -> ()
    %barrier3A = arith.constant 0 : index
    tpu.barrier barrier_id(%barrier3A)
    "tpu.region"() ({
      %run_scoped3A = tpu.sem_alloc : memref<!tpu.dma_semaphore, #tpu.memory_space<semaphore_mem>>
      tpu.enqueue_dma source(%arg19 : memref<16x2048xf32, #tpu.memory_space<vmem_shared>>) target(%arg13 : memref<16x2048xf32, #tpu.memory_space<vmem>>) target_semaphore(%run_scoped3A : memref<!tpu.dma_semaphore, #tpu.memory_space<semaphore_mem>>)
      tpu.wait_dma2 semaphore(%run_scoped3A : memref<!tpu.dma_semaphore, #tpu.memory_space<semaphore_mem>>) src(%arg19 : memref<16x2048xf32, #tpu.memory_space<vmem_shared>>) dst(%arg13 : memref<16x2048xf32, #tpu.memory_space<vmem>>)
      tpu.yield
    }) : () -> ()
    %scan3A_21 = arith.constant 0 : i32
    %scan3A_22 = arith.constant 0 : i32
    %scan3A_23 = arith.constant 128 : i32
    %scan3A_24 = arith.addi %scan3A_22, %scan3A_23 : i32
    %scan3A_25 = arith.constant 1 : i32
    scf.for %scan3A_39 = %scan3A_22 to %scan3A_24 step %scan3A_25  : i32 {
      %mul3A_40 = arith.constant 16 : i32
      %mul3A_41 = arith.muli %scan3A_39, %mul3A_40 : i32
      %get3A = arith.constant 0 : i32
      %get3A_42 = arith.index_cast %get3A : i32 to index
      %get3A_43 = arith.index_cast %mul3A_41 : i32 to index
      %get3A_44 = tpu.vector_load %arg13[%get3A_42, %get3A_43] {strides = array<i32>} : memref<16x2048xf32, #tpu.memory_space<vmem>>, vector<16xf32>,
      %mul3A_45 = arith.constant 16 : i32
      %mul3A_46 = arith.muli %scan3A_39, %mul3A_45 : i32
      %get3A_47 = arith.constant 1 : i32
      %get3A_48 = arith.index_cast %get3A_47 : i32 to index
      %get3A_49 = arith.index_cast %mul3A_46 : i32 to index
      %get3A_50 = tpu.vector_load %arg13[%get3A_48, %get3A_49] {strides = array<i32>} : memref<16x2048xf32, #tpu.memory_space<vmem>>, vector<16xf32>,
      %add3A_51 = arith.addf %get3A_44, %get3A_50 : vector<16xf32>
      %mul3A_52 = arith.constant 16 : i32
      %mul3A_53 = arith.muli %scan3A_39, %mul3A_52 : i32
      %get3A_54 = arith.constant 2 : i32
      %get3A_55 = arith.index_cast %get3A_54 : i32 to index
      %get3A_56 = arith.index_cast %mul3A_53 : i32 to index
      %get3A_57 = tpu.vector_load %arg13[%get3A_55, %get3A_56] {strides = array<i32>} : memref<16x2048xf32, #tpu.memory_space<vmem>>, vector<16xf32>,
      %add3A_58 = arith.addf %add3A_51, %get3A_57 : vector<16xf32>
      %mul3A_59 = arith.constant 16 : i32
      %mul3A_60 = arith.muli %scan3A_39, %mul3A_59 : i32
      %get3A_61 = arith.constant 3 : i32
      %get3A_62 = arith.index_cast %get3A_61 : i32 to index
      %get3A_63 = arith.index_cast %mul3A_60 : i32 to index
      %get3A_64 = tpu.vector_load %arg13[%get3A_62, %get3A_63] {strides = array<i32>} : memref<16x2048xf32, #tpu.memory_space<vmem>>, vector<16xf32>,
      %add3A_65 = arith.addf %add3A_58, %get3A_64 : vector<16xf32>
      %mul3A_66 = arith.constant 16 : i32
      %mul3A_67 = arith.muli %scan3A_39, %mul3A_66 : i32
      %get3A_68 = arith.constant 4 : i32
      %get3A_69 = arith.index_cast %get3A_68 : i32 to index
      %get3A_70 = arith.index_cast %mul3A_67 : i32 to index
      %get3A_71 = tpu.vector_load %arg13[%get3A_69, %get3A_70] {strides = array<i32>} : memref<16x2048xf32, #tpu.memory_space<vmem>>, vector<16xf32>,
      %add3A_72 = arith.addf %add3A_65, %get3A_71 : vector<16xf32>
      %mul3A_73 = arith.constant 16 : i32
      %mul3A_74 = arith.muli %scan3A_39, %mul3A_73 : i32
      %get3A_75 = arith.constant 5 : i32
      %get3A_76 = arith.index_cast %get3A_75 : i32 to index
      %get3A_77 = arith.index_cast %mul3A_74 : i32 to index
      %get3A_78 = tpu.vector_load %arg13[%get3A_76, %get3A_77] {strides = array<i32>} : memref<16x2048xf32, #tpu.memory_space<vmem>>, vector<16xf32>,
      %add3A_79 = arith.addf %add3A_72, %get3A_78 : vector<16xf32>
      %mul3A_80 = arith.constant 16 : i32
      %mul3A_81 = arith.muli %scan3A_39, %mul3A_80 : i32
      %get3A_82 = arith.constant 6 : i32
      %get3A_83 = arith.index_cast %get3A_82 : i32 to index
      %get3A_84 = arith.index_cast %mul3A_81 : i32 to index
      %get3A_85 = tpu.vector_load %arg13[%get3A_83, %get3A_84] {strides = array<i32>} : memref<16x2048xf32, #tpu.memory_space<vmem>>, vector<16xf32>,
      %add3A_86 = arith.addf %add3A_79, %get3A_85 : vector<16xf32>
      %mul3A_87 = arith.constant 16 : i32
      %mul3A_88 = arith.muli %scan3A_39, %mul3A_87 : i32
      %get3A_89 = arith.constant 7 : i32
      %get3A_90 = arith.index_cast %get3A_89 : i32 to index
      %get3A_91 = arith.index_cast %mul3A_88 : i32 to index
      %get3A_92 = tpu.vector_load %arg13[%get3A_90, %get3A_91] {strides = array<i32>} : memref<16x2048xf32, #tpu.memory_space<vmem>>, vector<16xf32>,
      %add3A_93 = arith.addf %add3A_86, %get3A_92 : vector<16xf32>
      %mul3A_94 = arith.constant 16 : i32
      %mul3A_95 = arith.muli %scan3A_39, %mul3A_94 : i32
      %get3A_96 = arith.constant 8 : i32
      %get3A_97 = arith.index_cast %get3A_96 : i32 to index
      %get3A_98 = arith.index_cast %mul3A_95 : i32 to index
      %get3A_99 = tpu.vector_load %arg13[%get3A_97, %get3A_98] {strides = array<i32>} : memref<16x2048xf32, #tpu.memory_space<vmem>>, vector<16xf32>,
      %add3A_100 = arith.addf %add3A_93, %get3A_99 : vector<16xf32>
      %mul3A_101 = arith.constant 16 : i32
      %mul3A_102 = arith.muli %scan3A_39, %mul3A_101 : i32
      %get3A_103 = arith.constant 9 : i32
      %get3A_104 = arith.index_cast %get3A_103 : i32 to index
      %get3A_105 = arith.index_cast %mul3A_102 : i32 to index
      %get3A_106 = tpu.vector_load %arg13[%get3A_104, %get3A_105] {strides = array<i32>} : memref<16x2048xf32, #tpu.memory_space<vmem>>, vector<16xf32>,
      %add3A_107 = arith.addf %add3A_100, %get3A_106 : vector<16xf32>
      %mul3A_108 = arith.constant 16 : i32
      %mul3A_109 = arith.muli %scan3A_39, %mul3A_108 : i32
      %get3A_110 = arith.constant 10 : i32
      %get3A_111 = arith.index_cast %get3A_110 : i32 to index
      %get3A_112 = arith.index_cast %mul3A_109 : i32 to index
      %get3A_113 = tpu.vector_load %arg13[%get3A_111, %get3A_112] {strides = array<i32>} : memref<16x2048xf32, #tpu.memory_space<vmem>>, vector<16xf32>,
      %add3A_114 = arith.addf %add3A_107, %get3A_113 : vector<16xf32>
      %mul3A_115 = arith.constant 16 : i32
      %mul3A_116 = arith.muli %scan3A_39, %mul3A_115 : i32
      %get3A_117 = arith.constant 11 : i32
      %get3A_118 = arith.index_cast %get3A_117 : i32 to index
      %get3A_119 = arith.index_cast %mul3A_116 : i32 to index
      %get3A_120 = tpu.vector_load %arg13[%get3A_118, %get3A_119] {strides = array<i32>} : memref<16x2048xf32, #tpu.memory_space<vmem>>, vector<16xf32>,
      %add3A_121 = arith.addf %add3A_114, %get3A_120 : vector<16xf32>
      %mul3A_122 = arith.constant 16 : i32
      %mul3A_123 = arith.muli %scan3A_39, %mul3A_122 : i32
      %get3A_124 = arith.constant 12 : i32
      %get3A_125 = arith.index_cast %get3A_124 : i32 to index
      %get3A_126 = arith.index_cast %mul3A_123 : i32 to index
      %get3A_127 = tpu.vector_load %arg13[%get3A_125, %get3A_126] {strides = array<i32>} : memref<16x2048xf32, #tpu.memory_space<vmem>>, vector<16xf32>,
      %add3A_128 = arith.addf %add3A_121, %get3A_127 : vector<16xf32>
      %mul3A_129 = arith.constant 16 : i32
      %mul3A_130 = arith.muli %scan3A_39, %mul3A_129 : i32
      %get3A_131 = arith.constant 13 : i32
      %get3A_132 = arith.index_cast %get3A_131 : i32 to index
      %get3A_133 = arith.index_cast %mul3A_130 : i32 to index
      %get3A_134 = tpu.vector_load %arg13[%get3A_132, %get3A_133] {strides = array<i32>} : memref<16x2048xf32, #tpu.memory_space<vmem>>, vector<16xf32>,
      %add3A_135 = arith.addf %add3A_128, %get3A_134 : vector<16xf32>
      %mul3A_136 = arith.constant 16 : i32
      %mul3A_137 = arith.muli %scan3A_39, %mul3A_136 : i32
      %get3A_138 = arith.constant 14 : i32
      %get3A_139 = arith.index_cast %get3A_138 : i32 to index
      %get3A_140 = arith.index_cast %mul3A_137 : i32 to index
      %get3A_141 = tpu.vector_load %arg13[%get3A_139, %get3A_140] {strides = array<i32>} : memref<16x2048xf32, #tpu.memory_space<vmem>>, vector<16xf32>,
      %add3A_142 = arith.addf %add3A_135, %get3A_141 : vector<16xf32>
      %mul3A_143 = arith.constant 16 : i32
      %mul3A_144 = arith.muli %scan3A_39, %mul3A_143 : i32
      %get3A_145 = arith.constant 15 : i32
      %get3A_146 = arith.index_cast %get3A_145 : i32 to index
      %get3A_147 = arith.index_cast %mul3A_144 : i32 to index
      %get3A_148 = tpu.vector_load %arg13[%get3A_146, %get3A_147] {strides = array<i32>} : memref<16x2048xf32, #tpu.memory_space<vmem>>, vector<16xf32>,
      %add3A_149 = arith.addf %add3A_142, %get3A_148 : vector<16xf32>
      %mul3A_150 = arith.constant 16 : i32
      %mul3A_151 = arith.muli %scan3A_39, %mul3A_150 : i32
      %swap3A = arith.constant 0 : i32
      %swap3A_152 = arith.index_cast %swap3A : i32 to index
      %swap3A_153 = arith.index_cast %mul3A_151 : i32 to index
      %swap3A_154 = tpu.vector_load %arg14[%swap3A_152, %swap3A_153] {strides = array<i32>} : memref<1x2048xf32, #tpu.memory_space<vmem>>, vector<16xf32>,
      tpu.vector_store %arg14[%swap3A_152, %swap3A_153], %add3A_149 {strides = array<i32>} : memref<1x2048xf32, #tpu.memory_space<vmem>>, vector<16xf32>,
    }
    %scan3A_26 = arith.constant 128 : i32
    %scan3A_27 = arith.constant 0 : i32
    %scan3A_28 = arith.constant 0 : i32
    %scan3A_29 = arith.constant 24 : i32
    %scan3A_30 = arith.addi %scan3A_28, %scan3A_29 : i32
    %scan3A_31 = arith.constant 1 : i32
    scf.for %scan3A_39 = %scan3A_28 to %scan3A_30 step %scan3A_31  : i32 {
      %mul3A_40 = arith.constant 16 : i32
      %mul3A_41 = arith.muli %scan3A_39, %mul3A_40 : i32
      %get3A = arith.index_cast %mul3A_41 : i32 to index
      %get3A_42 = tpu.vector_load %arg15[%get3A] {strides = array<i32>} : memref<384xi32, #tpu.memory_space<vmem>>, vector<16xi32>,
      %mul3A_43 = arith.constant 16 : i32
      %mul3A_44 = arith.muli %scan3A_39, %mul3A_43 : i32
      %get3A_45 = arith.index_cast %mul3A_44 : i32 to index
      %get3A_46 = tpu.vector_load %arg16[%get3A_45] {strides = array<i32>} : memref<384xi32, #tpu.memory_space<vmem>>, vector<16xi32>,
      %gather3A = tpu.vector_load_idx %arg11[%get3A_42] : memref<2048xf32, #tpu.memory_space<vmem>>[vector<16xi32>], vector<16xf32>,
      %gather3A_47 = tpu.vector_load_idx %arg12[%get3A_46] : memref<2048xf32, #tpu.memory_space<vmem>>[vector<16xi32>], vector<16xf32>,
      %add3A_48 = arith.addf %gather3A, %gather3A_47 : vector<16xf32>
      %ge3A = arith.constant 0.000000e+00 : f32
      %ge3A_49 = vector.broadcast %ge3A : f32 to vector<16xf32>
      %ge3A_50 = arith.cmpf oge, %add3A_48, %ge3A_49 : vector<16xf32>
      %mul3A_51 = arith.constant 2.000000e-01 : f32
      %mul3A_52 = vector.broadcast %mul3A_51 : f32 to vector<16xf32>
      %mul3A_53 = arith.mulf %mul3A_52, %add3A_48 : vector<16xf32>
      %select_n3A = arith.select %ge3A_50, %add3A_48, %mul3A_53 : vector<16xi1>, vector<16xf32>
      %exp3A = math.exp %select_n3A : vector<16xf32>
      %gather3A_54 = tpu.vector_load_idx %arg14[%broadcast_in_dim3A_1, %get3A_46] : memref<1x2048xf32, #tpu.memory_space<vmem>>[vector<16xi32>, vector<16xi32>], vector<16xf32>,
      %add3A_55 = arith.constant 1.000000e-16 : f32
      %add3A_56 = vector.broadcast %add3A_55 : f32 to vector<16xf32>
      %add3A_57 = arith.addf %gather3A_54, %add3A_56 : vector<16xf32>
      %div3A = arith.divf %exp3A, %add3A_57 : vector<16xf32>
      %mul3A_58 = arith.constant 16 : i32
      %mul3A_59 = arith.muli %scan3A_39, %mul3A_58 : i32
      %swap3A = arith.index_cast %mul3A_59 : i32 to index
      %swap3A_60 = tpu.vector_load %arg17[%swap3A] {strides = array<i32>} : memref<384xf32, #tpu.memory_space<vmem>>, vector<16xf32>,
      tpu.vector_store %arg17[%swap3A], %div3A {strides = array<i32>} : memref<384xf32, #tpu.memory_space<vmem>>, vector<16xf32>,
    }
    %scan3A_32 = arith.constant 24 : i32
    %scan3A_33 = arith.constant 0 : i32
    %scan3A_34 = arith.constant 0 : i32
    %scan3A_35 = arith.constant 6 : i32
    %scan3A_36 = arith.addi %scan3A_34, %scan3A_35 : i32
    %scan3A_37 = arith.constant 1 : i32
    scf.for %scan3A_39 = %scan3A_34 to %scan3A_36 step %scan3A_37  : i32 {
      %mul3A_40 = arith.constant 64 : i32
      %mul3A_41 = arith.muli %scan3A_39, %mul3A_40 : i32
      %add3A_42 = arith.constant 0 : i32
      %add3A_43 = arith.addi %mul3A_41, %add3A_42 : i32
      %get3A = arith.index_cast %add3A_43 : i32 to index
      %get3A_44 = tpu.vector_load %arg15[%get3A] {strides = array<i32>} : memref<384xi32, #tpu.memory_space<vmem>>, vector<16xi32>,
      "tpu.region"() ({
        %run_scoped3A = tpu.sem_alloc : memref<!tpu.dma_semaphore, #tpu.memory_space<semaphore_mem>>
        %dma_start3A = arith.constant 0 : i32
        %dma_start3A_74 = arith.constant 0 : i32
        %dma_start3A_75 = tpu.memref_slice %arg18[%dma_start3A, %dma_start3A_74] : memref<64x512xf32, #tpu.memory_space<vmem>> -> memref<16x512xf32, #tpu.memory_space<vmem>>
        %dma_start3A_76 = arith.constant 0 : i32
        %dma_start3A_77 = arith.constant 0 : i32
        %dma_start3A_78 = tpu.memref_slice %arg6[%dma_start3A_76, %dma_start3A_77] : memref<2048x512xf32, #tpu.memory_space<hbm>> -> memref<2048x512xf32, #tpu.memory_space<hbm>>
        tpu.enqueue_indirect_dma source(%dma_start3A_78 : memref<2048x512xf32, #tpu.memory_space<hbm>>) target(%dma_start3A_75 : memref<16x512xf32, #tpu.memory_space<vmem>>) offsets(%get3A_44 : vector<16xi32>) semaphore(%run_scoped3A : memref<!tpu.dma_semaphore, #tpu.memory_space<semaphore_mem>>)
        %dma_wait3A = arith.constant 0 : i32
        %dma_wait3A_79 = arith.constant 0 : i32
        %dma_wait3A_80 = tpu.memref_slice %arg18[%dma_wait3A, %dma_wait3A_79] : memref<64x512xf32, #tpu.memory_space<vmem>> -> memref<16x512xf32, #tpu.memory_space<vmem>>
        %dma_wait3A_81 = arith.constant 0 : i32
        %dma_wait3A_82 = arith.constant 0 : i32
        %dma_wait3A_83 = tpu.memref_slice %arg6[%dma_wait3A_81, %dma_wait3A_82] : memref<2048x512xf32, #tpu.memory_space<hbm>> -> memref<2048x512xf32, #tpu.memory_space<hbm>>
        tpu.wait_indirect_dma semaphore(%run_scoped3A : memref<!tpu.dma_semaphore, #tpu.memory_space<semaphore_mem>>) src(%dma_wait3A_83 : memref<2048x512xf32, #tpu.memory_space<hbm>>) dst(%dma_wait3A_80 : memref<16x512xf32, #tpu.memory_space<vmem>>)
        tpu.yield
      }) : () -> ()
      %mul3A_45 = arith.constant 64 : i32
      %mul3A_46 = arith.muli %scan3A_39, %mul3A_45 : i32
      %add3A_47 = arith.constant 16 : i32
      %add3A_48 = arith.addi %mul3A_46, %add3A_47 : i32
      %get3A_49 = arith.index_cast %add3A_48 : i32 to index
      %get3A_50 = tpu.vector_load %arg15[%get3A_49] {strides = array<i32>} : memref<384xi32, #tpu.memory_space<vmem>>, vector<16xi32>,
      "tpu.region"() ({
        %run_scoped3A = tpu.sem_alloc : memref<!tpu.dma_semaphore, #tpu.memory_space<semaphore_mem>>
        %dma_start3A = arith.constant 16 : i32
        %dma_start3A_74 = arith.constant 0 : i32
        %dma_start3A_75 = tpu.memref_slice %arg18[%dma_start3A, %dma_start3A_74] : memref<64x512xf32, #tpu.memory_space<vmem>> -> memref<16x512xf32, #tpu.memory_space<vmem>>
        %dma_start3A_76 = arith.constant 0 : i32
        %dma_start3A_77 = arith.constant 0 : i32
        %dma_start3A_78 = tpu.memref_slice %arg6[%dma_start3A_76, %dma_start3A_77] : memref<2048x512xf32, #tpu.memory_space<hbm>> -> memref<2048x512xf32, #tpu.memory_space<hbm>>
        tpu.enqueue_indirect_dma source(%dma_start3A_78 : memref<2048x512xf32, #tpu.memory_space<hbm>>) target(%dma_start3A_75 : memref<16x512xf32, #tpu.memory_space<vmem>>) offsets(%get3A_50 : vector<16xi32>) semaphore(%run_scoped3A : memref<!tpu.dma_semaphore, #tpu.memory_space<semaphore_mem>>)
        %dma_wait3A = arith.constant 16 : i32
        %dma_wait3A_79 = arith.constant 0 : i32
        %dma_wait3A_80 = tpu.memref_slice %arg18[%dma_wait3A, %dma_wait3A_79] : memref<64x512xf32, #tpu.memory_space<vmem>> -> memref<16x512xf32, #tpu.memory_space<vmem>>
        %dma_wait3A_81 = arith.constant 0 : i32
        %dma_wait3A_82 = arith.constant 0 : i32
        %dma_wait3A_83 = tpu.memref_slice %arg6[%dma_wait3A_81, %dma_wait3A_82] : memref<2048x512xf32, #tpu.memory_space<hbm>> -> memref<2048x512xf32, #tpu.memory_space<hbm>>
        tpu.wait_indirect_dma semaphore(%run_scoped3A : memref<!tpu.dma_semaphore, #tpu.memory_space<semaphore_mem>>) src(%dma_wait3A_83 : memref<2048x512xf32, #tpu.memory_space<hbm>>) dst(%dma_wait3A_80 : memref<16x512xf32, #tpu.memory_space<vmem>>)
        tpu.yield
      }) : () -> ()
      %mul3A_51 = arith.constant 64 : i32
      %mul3A_52 = arith.muli %scan3A_39, %mul3A_51 : i32
      %add3A_53 = arith.constant 32 : i32
      %add3A_54 = arith.addi %mul3A_52, %add3A_53 : i32
      %get3A_55 = arith.index_cast %add3A_54 : i32 to index
      %get3A_56 = tpu.vector_load %arg15[%get3A_55] {strides = array<i32>} : memref<384xi32, #tpu.memory_space<vmem>>, vector<16xi32>,
      "tpu.region"() ({
        %run_scoped3A = tpu.sem_alloc : memref<!tpu.dma_semaphore, #tpu.memory_space<semaphore_mem>>
        %dma_start3A = arith.constant 32 : i32
        %dma_start3A_74 = arith.constant 0 : i32
        %dma_start3A_75 = tpu.memref_slice %arg18[%dma_start3A, %dma_start3A_74] : memref<64x512xf32, #tpu.memory_space<vmem>> -> memref<16x512xf32, #tpu.memory_space<vmem>>
        %dma_start3A_76 = arith.constant 0 : i32
        %dma_start3A_77 = arith.constant 0 : i32
        %dma_start3A_78 = tpu.memref_slice %arg6[%dma_start3A_76, %dma_start3A_77] : memref<2048x512xf32, #tpu.memory_space<hbm>> -> memref<2048x512xf32, #tpu.memory_space<hbm>>
        tpu.enqueue_indirect_dma source(%dma_start3A_78 : memref<2048x512xf32, #tpu.memory_space<hbm>>) target(%dma_start3A_75 : memref<16x512xf32, #tpu.memory_space<vmem>>) offsets(%get3A_56 : vector<16xi32>) semaphore(%run_scoped3A : memref<!tpu.dma_semaphore, #tpu.memory_space<semaphore_mem>>)
        %dma_wait3A = arith.constant 32 : i32
        %dma_wait3A_79 = arith.constant 0 : i32
        %dma_wait3A_80 = tpu.memref_slice %arg18[%dma_wait3A, %dma_wait3A_79] : memref<64x512xf32, #tpu.memory_space<vmem>> -> memref<16x512xf32, #tpu.memory_space<vmem>>
        %dma_wait3A_81 = arith.constant 0 : i32
        %dma_wait3A_82 = arith.constant 0 : i32
        %dma_wait3A_83 = tpu.memref_slice %arg6[%dma_wait3A_81, %dma_wait3A_82] : memref<2048x512xf32, #tpu.memory_space<hbm>> -> memref<2048x512xf32, #tpu.memory_space<hbm>>
        tpu.wait_indirect_dma semaphore(%run_scoped3A : memref<!tpu.dma_semaphore, #tpu.memory_space<semaphore_mem>>) src(%dma_wait3A_83 : memref<2048x512xf32, #tpu.memory_space<hbm>>) dst(%dma_wait3A_80 : memref<16x512xf32, #tpu.memory_space<vmem>>)
        tpu.yield
      }) : () -> ()
      %mul3A_57 = arith.constant 64 : i32
      %mul3A_58 = arith.muli %scan3A_39, %mul3A_57 : i32
      %add3A_59 = arith.constant 48 : i32
      %add3A_60 = arith.addi %mul3A_58, %add3A_59 : i32
      %get3A_61 = arith.index_cast %add3A_60 : i32 to index
      %get3A_62 = tpu.vector_load %arg15[%get3A_61] {strides = array<i32>} : memref<384xi32, #tpu.memory_space<vmem>>, vector<16xi32>,
      "tpu.region"() ({
        %run_scoped3A = tpu.sem_alloc : memref<!tpu.dma_semaphore, #tpu.memory_space<semaphore_mem>>
        %dma_start3A = arith.constant 48 : i32
        %dma_start3A_74 = arith.constant 0 : i32
        %dma_start3A_75 = tpu.memref_slice %arg18[%dma_start3A, %dma_start3A_74] : memref<64x512xf32, #tpu.memory_space<vmem>> -> memref<16x512xf32, #tpu.memory_space<vmem>>
        %dma_start3A_76 = arith.constant 0 : i32
        %dma_start3A_77 = arith.constant 0 : i32
        %dma_start3A_78 = tpu.memref_slice %arg6[%dma_start3A_76, %dma_start3A_77] : memref<2048x512xf32, #tpu.memory_space<hbm>> -> memref<2048x512xf32, #tpu.memory_space<hbm>>
        tpu.enqueue_indirect_dma source(%dma_start3A_78 : memref<2048x512xf32, #tpu.memory_space<hbm>>) target(%dma_start3A_75 : memref<16x512xf32, #tpu.memory_space<vmem>>) offsets(%get3A_62 : vector<16xi32>) semaphore(%run_scoped3A : memref<!tpu.dma_semaphore, #tpu.memory_space<semaphore_mem>>)
        %dma_wait3A = arith.constant 48 : i32
        %dma_wait3A_79 = arith.constant 0 : i32
        %dma_wait3A_80 = tpu.memref_slice %arg18[%dma_wait3A, %dma_wait3A_79] : memref<64x512xf32, #tpu.memory_space<vmem>> -> memref<16x512xf32, #tpu.memory_space<vmem>>
        %dma_wait3A_81 = arith.constant 0 : i32
        %dma_wait3A_82 = arith.constant 0 : i32
        %dma_wait3A_83 = tpu.memref_slice %arg6[%dma_wait3A_81, %dma_wait3A_82] : memref<2048x512xf32, #tpu.memory_space<hbm>> -> memref<2048x512xf32, #tpu.memory_space<hbm>>
        tpu.wait_indirect_dma semaphore(%run_scoped3A : memref<!tpu.dma_semaphore, #tpu.memory_space<semaphore_mem>>) src(%dma_wait3A_83 : memref<2048x512xf32, #tpu.memory_space<hbm>>) dst(%dma_wait3A_80 : memref<16x512xf32, #tpu.memory_space<vmem>>)
        tpu.yield
      }) : () -> ()
      %scan3A_63 = arith.constant 0 : i32
      %scan3A_64 = arith.constant 0 : i32
      %scan3A_65 = arith.constant 64 : i32
      %scan3A_66 = arith.addi %scan3A_64, %scan3A_65 : i32
      %scan3A_67 = arith.constant 1 : i32
      scf.for %scan3A_74 = %scan3A_64 to %scan3A_66 step %scan3A_67  : i32 {
        %mul3A_75 = arith.constant 64 : i32
        %mul3A_76 = arith.muli %scan3A_39, %mul3A_75 : i32
        %add3A_77 = arith.addi %mul3A_76, %scan3A_74 : i32
        %broadcast_in_dim3A_78 = vector.broadcast %add3A_77 : i32 to vector<16xi32>
        %gather3A = tpu.vector_load_idx %arg17[%broadcast_in_dim3A_78] : memref<384xf32, #tpu.memory_space<vmem>>[vector<16xi32>], vector<16xf32>,
        %get3A_79 = arith.index_cast %scan3A_74 : i32 to index
        %get3A_80 = arith.constant 0 : index
        %get3A_81 = tpu.vector_load %arg18[%get3A_79, %get3A_80] {strides = array<i32>} : memref<64x512xf32, #tpu.memory_space<vmem>>, vector<16xf32>,
        %mul3A_82 = arith.mulf %get3A_81, %gather3A : vector<16xf32>
        %swap3A = arith.index_cast %scan3A_74 : i32 to index
        %swap3A_83 = arith.constant 0 : index
        %swap3A_84 = tpu.vector_load %arg18[%swap3A, %swap3A_83] {strides = array<i32>} : memref<64x512xf32, #tpu.memory_space<vmem>>, vector<16xf32>,
        tpu.vector_store %arg18[%swap3A, %swap3A_83], %mul3A_82 {strides = array<i32>} : memref<64x512xf32, #tpu.memory_space<vmem>>, vector<16xf32>,
        %get3A_85 = arith.index_cast %scan3A_74 : i32 to index
        %get3A_86 = arith.constant 16 : index
        %get3A_87 = tpu.vector_load %arg18[%get3A_85, %get3A_86] {strides = array<i32>} : memref<64x512xf32, #tpu.memory_space<vmem>>, vector<16xf32>,
        %mul3A_88 = arith.mulf %get3A_87, %gather3A : vector<16xf32>
        %swap3A_89 = arith.index_cast %scan3A_74 : i32 to index
        %swap3A_90 = arith.constant 16 : index
        %swap3A_91 = tpu.vector_load %arg18[%swap3A_89, %swap3A_90] {strides = array<i32>} : memref<64x512xf32, #tpu.memory_space<vmem>>, vector<16xf32>,
        tpu.vector_store %arg18[%swap3A_89, %swap3A_90], %mul3A_88 {strides = array<i32>} : memref<64x512xf32, #tpu.memory_space<vmem>>, vector<16xf32>,
        %get3A_92 = arith.index_cast %scan3A_74 : i32 to index
        %get3A_93 = arith.constant 32 : index
        %get3A_94 = tpu.vector_load %arg18[%get3A_92, %get3A_93] {strides = array<i32>} : memref<64x512xf32, #tpu.memory_space<vmem>>, vector<16xf32>,
        %mul3A_95 = arith.mulf %get3A_94, %gather3A : vector<16xf32>
        %swap3A_96 = arith.index_cast %scan3A_74 : i32 to index
        %swap3A_97 = arith.constant 32 : index
        %swap3A_98 = tpu.vector_load %arg18[%swap3A_96, %swap3A_97] {strides = array<i32>} : memref<64x512xf32, #tpu.memory_space<vmem>>, vector<16xf32>,
        tpu.vector_store %arg18[%swap3A_96, %swap3A_97], %mul3A_95 {strides = array<i32>} : memref<64x512xf32, #tpu.memory_space<vmem>>, vector<16xf32>,
        %get3A_99 = arith.index_cast %scan3A_74 : i32 to index
        %get3A_100 = arith.constant 48 : index
        %get3A_101 = tpu.vector_load %arg18[%get3A_99, %get3A_100] {strides = array<i32>} : memref<64x512xf32, #tpu.memory_space<vmem>>, vector<16xf32>,
        %mul3A_102 = arith.mulf %get3A_101, %gather3A : vector<16xf32>
        %swap3A_103 = arith.index_cast %scan3A_74 : i32 to index
        %swap3A_104 = arith.constant 48 : index
        %swap3A_105 = tpu.vector_load %arg18[%swap3A_103, %swap3A_104] {strides = array<i32>} : memref<64x512xf32, #tpu.memory_space<vmem>>, vector<16xf32>,
        tpu.vector_store %arg18[%swap3A_103, %swap3A_104], %mul3A_102 {strides = array<i32>} : memref<64x512xf32, #tpu.memory_space<vmem>>, vector<16xf32>,
        %get3A_106 = arith.index_cast %scan3A_74 : i32 to index
        %get3A_107 = arith.constant 64 : index
        %get3A_108 = tpu.vector_load %arg18[%get3A_106, %get3A_107] {strides = array<i32>} : memref<64x512xf32, #tpu.memory_space<vmem>>, vector<16xf32>,
        %mul3A_109 = arith.mulf %get3A_108, %gather3A : vector<16xf32>
        %swap3A_110 = arith.index_cast %scan3A_74 : i32 to index
        %swap3A_111 = arith.constant 64 : index
        %swap3A_112 = tpu.vector_load %arg18[%swap3A_110, %swap3A_111] {strides = array<i32>} : memref<64x512xf32, #tpu.memory_space<vmem>>, vector<16xf32>,
        tpu.vector_store %arg18[%swap3A_110, %swap3A_111], %mul3A_109 {strides = array<i32>} : memref<64x512xf32, #tpu.memory_space<vmem>>, vector<16xf32>,
        %get3A_113 = arith.index_cast %scan3A_74 : i32 to index
        %get3A_114 = arith.constant 80 : index
        %get3A_115 = tpu.vector_load %arg18[%get3A_113, %get3A_114] {strides = array<i32>} : memref<64x512xf32, #tpu.memory_space<vmem>>, vector<16xf32>,
        %mul3A_116 = arith.mulf %get3A_115, %gather3A : vector<16xf32>
        %swap3A_117 = arith.index_cast %scan3A_74 : i32 to index
        %swap3A_118 = arith.constant 80 : index
        %swap3A_119 = tpu.vector_load %arg18[%swap3A_117, %swap3A_118] {strides = array<i32>} : memref<64x512xf32, #tpu.memory_space<vmem>>, vector<16xf32>,
        tpu.vector_store %arg18[%swap3A_117, %swap3A_118], %mul3A_116 {strides = array<i32>} : memref<64x512xf32, #tpu.memory_space<vmem>>, vector<16xf32>,
        %get3A_120 = arith.index_cast %scan3A_74 : i32 to index
        %get3A_121 = arith.constant 96 : index
        %get3A_122 = tpu.vector_load %arg18[%get3A_120, %get3A_121] {strides = array<i32>} : memref<64x512xf32, #tpu.memory_space<vmem>>, vector<16xf32>,
        %mul3A_123 = arith.mulf %get3A_122, %gather3A : vector<16xf32>
        %swap3A_124 = arith.index_cast %scan3A_74 : i32 to index
        %swap3A_125 = arith.constant 96 : index
        %swap3A_126 = tpu.vector_load %arg18[%swap3A_124, %swap3A_125] {strides = array<i32>} : memref<64x512xf32, #tpu.memory_space<vmem>>, vector<16xf32>,
        tpu.vector_store %arg18[%swap3A_124, %swap3A_125], %mul3A_123 {strides = array<i32>} : memref<64x512xf32, #tpu.memory_space<vmem>>, vector<16xf32>,
        %get3A_127 = arith.index_cast %scan3A_74 : i32 to index
        %get3A_128 = arith.constant 112 : index
        %get3A_129 = tpu.vector_load %arg18[%get3A_127, %get3A_128] {strides = array<i32>} : memref<64x512xf32, #tpu.memory_space<vmem>>, vector<16xf32>,
        %mul3A_130 = arith.mulf %get3A_129, %gather3A : vector<16xf32>
        %swap3A_131 = arith.index_cast %scan3A_74 : i32 to index
        %swap3A_132 = arith.constant 112 : index
        %swap3A_133 = tpu.vector_load %arg18[%swap3A_131, %swap3A_132] {strides = array<i32>} : memref<64x512xf32, #tpu.memory_space<vmem>>, vector<16xf32>,
        tpu.vector_store %arg18[%swap3A_131, %swap3A_132], %mul3A_130 {strides = array<i32>} : memref<64x512xf32, #tpu.memory_space<vmem>>, vector<16xf32>,
        %get3A_134 = arith.index_cast %scan3A_74 : i32 to index
        %get3A_135 = arith.constant 128 : index
        %get3A_136 = tpu.vector_load %arg18[%get3A_134, %get3A_135] {strides = array<i32>} : memref<64x512xf32, #tpu.memory_space<vmem>>, vector<16xf32>,
        %mul3A_137 = arith.mulf %get3A_136, %gather3A : vector<16xf32>
        %swap3A_138 = arith.index_cast %scan3A_74 : i32 to index
        %swap3A_139 = arith.constant 128 : index
        %swap3A_140 = tpu.vector_load %arg18[%swap3A_138, %swap3A_139] {strides = array<i32>} : memref<64x512xf32, #tpu.memory_space<vmem>>, vector<16xf32>,
        tpu.vector_store %arg18[%swap3A_138, %swap3A_139], %mul3A_137 {strides = array<i32>} : memref<64x512xf32, #tpu.memory_space<vmem>>, vector<16xf32>,
        %get3A_141 = arith.index_cast %scan3A_74 : i32 to index
        %get3A_142 = arith.constant 144 : index
        %get3A_143 = tpu.vector_load %arg18[%get3A_141, %get3A_142] {strides = array<i32>} : memref<64x512xf32, #tpu.memory_space<vmem>>, vector<16xf32>,
        %mul3A_144 = arith.mulf %get3A_143, %gather3A : vector<16xf32>
        %swap3A_145 = arith.index_cast %scan3A_74 : i32 to index
        %swap3A_146 = arith.constant 144 : index
        %swap3A_147 = tpu.vector_load %arg18[%swap3A_145, %swap3A_146] {strides = array<i32>} : memref<64x512xf32, #tpu.memory_space<vmem>>, vector<16xf32>,
        tpu.vector_store %arg18[%swap3A_145, %swap3A_146], %mul3A_144 {strides = array<i32>} : memref<64x512xf32, #tpu.memory_space<vmem>>, vector<16xf32>,
        %get3A_148 = arith.index_cast %scan3A_74 : i32 to index
        %get3A_149 = arith.constant 160 : index
        %get3A_150 = tpu.vector_load %arg18[%get3A_148, %get3A_149] {strides = array<i32>} : memref<64x512xf32, #tpu.memory_space<vmem>>, vector<16xf32>,
        %mul3A_151 = arith.mulf %get3A_150, %gather3A : vector<16xf32>
        %swap3A_152 = arith.index_cast %scan3A_74 : i32 to index
        %swap3A_153 = arith.constant 160 : index
        %swap3A_154 = tpu.vector_load %arg18[%swap3A_152, %swap3A_153] {strides = array<i32>} : memref<64x512xf32, #tpu.memory_space<vmem>>, vector<16xf32>,
        tpu.vector_store %arg18[%swap3A_152, %swap3A_153], %mul3A_151 {strides = array<i32>} : memref<64x512xf32, #tpu.memory_space<vmem>>, vector<16xf32>,
        %get3A_155 = arith.index_cast %scan3A_74 : i32 to index
        %get3A_156 = arith.constant 176 : index
        %get3A_157 = tpu.vector_load %arg18[%get3A_155, %get3A_156] {strides = array<i32>} : memref<64x512xf32, #tpu.memory_space<vmem>>, vector<16xf32>,
        %mul3A_158 = arith.mulf %get3A_157, %gather3A : vector<16xf32>
        %swap3A_159 = arith.index_cast %scan3A_74 : i32 to index
        %swap3A_160 = arith.constant 176 : index
        %swap3A_161 = tpu.vector_load %arg18[%swap3A_159, %swap3A_160] {strides = array<i32>} : memref<64x512xf32, #tpu.memory_space<vmem>>, vector<16xf32>,
        tpu.vector_store %arg18[%swap3A_159, %swap3A_160], %mul3A_158 {strides = array<i32>} : memref<64x512xf32, #tpu.memory_space<vmem>>, vector<16xf32>,
        %get3A_162 = arith.index_cast %scan3A_74 : i32 to index
        %get3A_163 = arith.constant 192 : index
        %get3A_164 = tpu.vector_load %arg18[%get3A_162, %get3A_163] {strides = array<i32>} : memref<64x512xf32, #tpu.memory_space<vmem>>, vector<16xf32>,
        %mul3A_165 = arith.mulf %get3A_164, %gather3A : vector<16xf32>
        %swap3A_166 = arith.index_cast %scan3A_74 : i32 to index
        %swap3A_167 = arith.constant 192 : index
        %swap3A_168 = tpu.vector_load %arg18[%swap3A_166, %swap3A_167] {strides = array<i32>} : memref<64x512xf32, #tpu.memory_space<vmem>>, vector<16xf32>,
        tpu.vector_store %arg18[%swap3A_166, %swap3A_167], %mul3A_165 {strides = array<i32>} : memref<64x512xf32, #tpu.memory_space<vmem>>, vector<16xf32>,
        %get3A_169 = arith.index_cast %scan3A_74 : i32 to index
        %get3A_170 = arith.constant 208 : index
        %get3A_171 = tpu.vector_load %arg18[%get3A_169, %get3A_170] {strides = array<i32>} : memref<64x512xf32, #tpu.memory_space<vmem>>, vector<16xf32>,
        %mul3A_172 = arith.mulf %get3A_171, %gather3A : vector<16xf32>
        %swap3A_173 = arith.index_cast %scan3A_74 : i32 to index
        %swap3A_174 = arith.constant 208 : index
        %swap3A_175 = tpu.vector_load %arg18[%swap3A_173, %swap3A_174] {strides = array<i32>} : memref<64x512xf32, #tpu.memory_space<vmem>>, vector<16xf32>,
        tpu.vector_store %arg18[%swap3A_173, %swap3A_174], %mul3A_172 {strides = array<i32>} : memref<64x512xf32, #tpu.memory_space<vmem>>, vector<16xf32>,
        %get3A_176 = arith.index_cast %scan3A_74 : i32 to index
        %get3A_177 = arith.constant 224 : index
        %get3A_178 = tpu.vector_load %arg18[%get3A_176, %get3A_177] {strides = array<i32>} : memref<64x512xf32, #tpu.memory_space<vmem>>, vector<16xf32>,
        %mul3A_179 = arith.mulf %get3A_178, %gather3A : vector<16xf32>
        %swap3A_180 = arith.index_cast %scan3A_74 : i32 to index
        %swap3A_181 = arith.constant 224 : index
        %swap3A_182 = tpu.vector_load %arg18[%swap3A_180, %swap3A_181] {strides = array<i32>} : memref<64x512xf32, #tpu.memory_space<vmem>>, vector<16xf32>,
        tpu.vector_store %arg18[%swap3A_180, %swap3A_181], %mul3A_179 {strides = array<i32>} : memref<64x512xf32, #tpu.memory_space<vmem>>, vector<16xf32>,
        %get3A_183 = arith.index_cast %scan3A_74 : i32 to index
        %get3A_184 = arith.constant 240 : index
        %get3A_185 = tpu.vector_load %arg18[%get3A_183, %get3A_184] {strides = array<i32>} : memref<64x512xf32, #tpu.memory_space<vmem>>, vector<16xf32>,
        %mul3A_186 = arith.mulf %get3A_185, %gather3A : vector<16xf32>
        %swap3A_187 = arith.index_cast %scan3A_74 : i32 to index
        %swap3A_188 = arith.constant 240 : index
        %swap3A_189 = tpu.vector_load %arg18[%swap3A_187, %swap3A_188] {strides = array<i32>} : memref<64x512xf32, #tpu.memory_space<vmem>>, vector<16xf32>,
        tpu.vector_store %arg18[%swap3A_187, %swap3A_188], %mul3A_186 {strides = array<i32>} : memref<64x512xf32, #tpu.memory_space<vmem>>, vector<16xf32>,
        %get3A_190 = arith.index_cast %scan3A_74 : i32 to index
        %get3A_191 = arith.constant 256 : index
        %get3A_192 = tpu.vector_load %arg18[%get3A_190, %get3A_191] {strides = array<i32>} : memref<64x512xf32, #tpu.memory_space<vmem>>, vector<16xf32>,
        %mul3A_193 = arith.mulf %get3A_192, %gather3A : vector<16xf32>
        %swap3A_194 = arith.index_cast %scan3A_74 : i32 to index
        %swap3A_195 = arith.constant 256 : index
        %swap3A_196 = tpu.vector_load %arg18[%swap3A_194, %swap3A_195] {strides = array<i32>} : memref<64x512xf32, #tpu.memory_space<vmem>>, vector<16xf32>,
        tpu.vector_store %arg18[%swap3A_194, %swap3A_195], %mul3A_193 {strides = array<i32>} : memref<64x512xf32, #tpu.memory_space<vmem>>, vector<16xf32>,
        %get3A_197 = arith.index_cast %scan3A_74 : i32 to index
        %get3A_198 = arith.constant 272 : index
        %get3A_199 = tpu.vector_load %arg18[%get3A_197, %get3A_198] {strides = array<i32>} : memref<64x512xf32, #tpu.memory_space<vmem>>, vector<16xf32>,
        %mul3A_200 = arith.mulf %get3A_199, %gather3A : vector<16xf32>
        %swap3A_201 = arith.index_cast %scan3A_74 : i32 to index
        %swap3A_202 = arith.constant 272 : index
        %swap3A_203 = tpu.vector_load %arg18[%swap3A_201, %swap3A_202] {strides = array<i32>} : memref<64x512xf32, #tpu.memory_space<vmem>>, vector<16xf32>,
        tpu.vector_store %arg18[%swap3A_201, %swap3A_202], %mul3A_200 {strides = array<i32>} : memref<64x512xf32, #tpu.memory_space<vmem>>, vector<16xf32>,
        %get3A_204 = arith.index_cast %scan3A_74 : i32 to index
        %get3A_205 = arith.constant 288 : index
        %get3A_206 = tpu.vector_load %arg18[%get3A_204, %get3A_205] {strides = array<i32>} : memref<64x512xf32, #tpu.memory_space<vmem>>, vector<16xf32>,
        %mul3A_207 = arith.mulf %get3A_206, %gather3A : vector<16xf32>
        %swap3A_208 = arith.index_cast %scan3A_74 : i32 to index
        %swap3A_209 = arith.constant 288 : index
        %swap3A_210 = tpu.vector_load %arg18[%swap3A_208, %swap3A_209] {strides = array<i32>} : memref<64x512xf32, #tpu.memory_space<vmem>>, vector<16xf32>,
        tpu.vector_store %arg18[%swap3A_208, %swap3A_209], %mul3A_207 {strides = array<i32>} : memref<64x512xf32, #tpu.memory_space<vmem>>, vector<16xf32>,
        %get3A_211 = arith.index_cast %scan3A_74 : i32 to index
        %get3A_212 = arith.constant 304 : index
        %get3A_213 = tpu.vector_load %arg18[%get3A_211, %get3A_212] {strides = array<i32>} : memref<64x512xf32, #tpu.memory_space<vmem>>, vector<16xf32>,
        %mul3A_214 = arith.mulf %get3A_213, %gather3A : vector<16xf32>
        %swap3A_215 = arith.index_cast %scan3A_74 : i32 to index
        %swap3A_216 = arith.constant 304 : index
        %swap3A_217 = tpu.vector_load %arg18[%swap3A_215, %swap3A_216] {strides = array<i32>} : memref<64x512xf32, #tpu.memory_space<vmem>>, vector<16xf32>,
        tpu.vector_store %arg18[%swap3A_215, %swap3A_216], %mul3A_214 {strides = array<i32>} : memref<64x512xf32, #tpu.memory_space<vmem>>, vector<16xf32>,
        %get3A_218 = arith.index_cast %scan3A_74 : i32 to index
        %get3A_219 = arith.constant 320 : index
        %get3A_220 = tpu.vector_load %arg18[%get3A_218, %get3A_219] {strides = array<i32>} : memref<64x512xf32, #tpu.memory_space<vmem>>, vector<16xf32>,
        %mul3A_221 = arith.mulf %get3A_220, %gather3A : vector<16xf32>
        %swap3A_222 = arith.index_cast %scan3A_74 : i32 to index
        %swap3A_223 = arith.constant 320 : index
        %swap3A_224 = tpu.vector_load %arg18[%swap3A_222, %swap3A_223] {strides = array<i32>} : memref<64x512xf32, #tpu.memory_space<vmem>>, vector<16xf32>,
        tpu.vector_store %arg18[%swap3A_222, %swap3A_223], %mul3A_221 {strides = array<i32>} : memref<64x512xf32, #tpu.memory_space<vmem>>, vector<16xf32>,
        %get3A_225 = arith.index_cast %scan3A_74 : i32 to index
        %get3A_226 = arith.constant 336 : index
        %get3A_227 = tpu.vector_load %arg18[%get3A_225, %get3A_226] {strides = array<i32>} : memref<64x512xf32, #tpu.memory_space<vmem>>, vector<16xf32>,
        %mul3A_228 = arith.mulf %get3A_227, %gather3A : vector<16xf32>
        %swap3A_229 = arith.index_cast %scan3A_74 : i32 to index
        %swap3A_230 = arith.constant 336 : index
        %swap3A_231 = tpu.vector_load %arg18[%swap3A_229, %swap3A_230] {strides = array<i32>} : memref<64x512xf32, #tpu.memory_space<vmem>>, vector<16xf32>,
        tpu.vector_store %arg18[%swap3A_229, %swap3A_230], %mul3A_228 {strides = array<i32>} : memref<64x512xf32, #tpu.memory_space<vmem>>, vector<16xf32>,
        %get3A_232 = arith.index_cast %scan3A_74 : i32 to index
        %get3A_233 = arith.constant 352 : index
        %get3A_234 = tpu.vector_load %arg18[%get3A_232, %get3A_233] {strides = array<i32>} : memref<64x512xf32, #tpu.memory_space<vmem>>, vector<16xf32>,
        %mul3A_235 = arith.mulf %get3A_234, %gather3A : vector<16xf32>
        %swap3A_236 = arith.index_cast %scan3A_74 : i32 to index
        %swap3A_237 = arith.constant 352 : index
        %swap3A_238 = tpu.vector_load %arg18[%swap3A_236, %swap3A_237] {strides = array<i32>} : memref<64x512xf32, #tpu.memory_space<vmem>>, vector<16xf32>,
        tpu.vector_store %arg18[%swap3A_236, %swap3A_237], %mul3A_235 {strides = array<i32>} : memref<64x512xf32, #tpu.memory_space<vmem>>, vector<16xf32>,
        %get3A_239 = arith.index_cast %scan3A_74 : i32 to index
        %get3A_240 = arith.constant 368 : index
        %get3A_241 = tpu.vector_load %arg18[%get3A_239, %get3A_240] {strides = array<i32>} : memref<64x512xf32, #tpu.memory_space<vmem>>, vector<16xf32>,
        %mul3A_242 = arith.mulf %get3A_241, %gather3A : vector<16xf32>
        %swap3A_243 = arith.index_cast %scan3A_74 : i32 to index
        %swap3A_244 = arith.constant 368 : index
        %swap3A_245 = tpu.vector_load %arg18[%swap3A_243, %swap3A_244] {strides = array<i32>} : memref<64x512xf32, #tpu.memory_space<vmem>>, vector<16xf32>,
        tpu.vector_store %arg18[%swap3A_243, %swap3A_244], %mul3A_242 {strides = array<i32>} : memref<64x512xf32, #tpu.memory_space<vmem>>, vector<16xf32>,
        %get3A_246 = arith.index_cast %scan3A_74 : i32 to index
        %get3A_247 = arith.constant 384 : index
        %get3A_248 = tpu.vector_load %arg18[%get3A_246, %get3A_247] {strides = array<i32>} : memref<64x512xf32, #tpu.memory_space<vmem>>, vector<16xf32>,
        %mul3A_249 = arith.mulf %get3A_248, %gather3A : vector<16xf32>
        %swap3A_250 = arith.index_cast %scan3A_74 : i32 to index
        %swap3A_251 = arith.constant 384 : index
        %swap3A_252 = tpu.vector_load %arg18[%swap3A_250, %swap3A_251] {strides = array<i32>} : memref<64x512xf32, #tpu.memory_space<vmem>>, vector<16xf32>,
        tpu.vector_store %arg18[%swap3A_250, %swap3A_251], %mul3A_249 {strides = array<i32>} : memref<64x512xf32, #tpu.memory_space<vmem>>, vector<16xf32>,
        %get3A_253 = arith.index_cast %scan3A_74 : i32 to index
        %get3A_254 = arith.constant 400 : index
        %get3A_255 = tpu.vector_load %arg18[%get3A_253, %get3A_254] {strides = array<i32>} : memref<64x512xf32, #tpu.memory_space<vmem>>, vector<16xf32>,
        %mul3A_256 = arith.mulf %get3A_255, %gather3A : vector<16xf32>
        %swap3A_257 = arith.index_cast %scan3A_74 : i32 to index
        %swap3A_258 = arith.constant 400 : index
        %swap3A_259 = tpu.vector_load %arg18[%swap3A_257, %swap3A_258] {strides = array<i32>} : memref<64x512xf32, #tpu.memory_space<vmem>>, vector<16xf32>,
        tpu.vector_store %arg18[%swap3A_257, %swap3A_258], %mul3A_256 {strides = array<i32>} : memref<64x512xf32, #tpu.memory_space<vmem>>, vector<16xf32>,
        %get3A_260 = arith.index_cast %scan3A_74 : i32 to index
        %get3A_261 = arith.constant 416 : index
        %get3A_262 = tpu.vector_load %arg18[%get3A_260, %get3A_261] {strides = array<i32>} : memref<64x512xf32, #tpu.memory_space<vmem>>, vector<16xf32>,
        %mul3A_263 = arith.mulf %get3A_262, %gather3A : vector<16xf32>
        %swap3A_264 = arith.index_cast %scan3A_74 : i32 to index
        %swap3A_265 = arith.constant 416 : index
        %swap3A_266 = tpu.vector_load %arg18[%swap3A_264, %swap3A_265] {strides = array<i32>} : memref<64x512xf32, #tpu.memory_space<vmem>>, vector<16xf32>,
        tpu.vector_store %arg18[%swap3A_264, %swap3A_265], %mul3A_263 {strides = array<i32>} : memref<64x512xf32, #tpu.memory_space<vmem>>, vector<16xf32>,
        %get3A_267 = arith.index_cast %scan3A_74 : i32 to index
        %get3A_268 = arith.constant 432 : index
        %get3A_269 = tpu.vector_load %arg18[%get3A_267, %get3A_268] {strides = array<i32>} : memref<64x512xf32, #tpu.memory_space<vmem>>, vector<16xf32>,
        %mul3A_270 = arith.mulf %get3A_269, %gather3A : vector<16xf32>
        %swap3A_271 = arith.index_cast %scan3A_74 : i32 to index
        %swap3A_272 = arith.constant 432 : index
        %swap3A_273 = tpu.vector_load %arg18[%swap3A_271, %swap3A_272] {strides = array<i32>} : memref<64x512xf32, #tpu.memory_space<vmem>>, vector<16xf32>,
        tpu.vector_store %arg18[%swap3A_271, %swap3A_272], %mul3A_270 {strides = array<i32>} : memref<64x512xf32, #tpu.memory_space<vmem>>, vector<16xf32>,
        %get3A_274 = arith.index_cast %scan3A_74 : i32 to index
        %get3A_275 = arith.constant 448 : index
        %get3A_276 = tpu.vector_load %arg18[%get3A_274, %get3A_275] {strides = array<i32>} : memref<64x512xf32, #tpu.memory_space<vmem>>, vector<16xf32>,
        %mul3A_277 = arith.mulf %get3A_276, %gather3A : vector<16xf32>
        %swap3A_278 = arith.index_cast %scan3A_74 : i32 to index
        %swap3A_279 = arith.constant 448 : index
        %swap3A_280 = tpu.vector_load %arg18[%swap3A_278, %swap3A_279] {strides = array<i32>} : memref<64x512xf32, #tpu.memory_space<vmem>>, vector<16xf32>,
        tpu.vector_store %arg18[%swap3A_278, %swap3A_279], %mul3A_277 {strides = array<i32>} : memref<64x512xf32, #tpu.memory_space<vmem>>, vector<16xf32>,
        %get3A_281 = arith.index_cast %scan3A_74 : i32 to index
        %get3A_282 = arith.constant 464 : index
        %get3A_283 = tpu.vector_load %arg18[%get3A_281, %get3A_282] {strides = array<i32>} : memref<64x512xf32, #tpu.memory_space<vmem>>, vector<16xf32>,
        %mul3A_284 = arith.mulf %get3A_283, %gather3A : vector<16xf32>
        %swap3A_285 = arith.index_cast %scan3A_74 : i32 to index
        %swap3A_286 = arith.constant 464 : index
        %swap3A_287 = tpu.vector_load %arg18[%swap3A_285, %swap3A_286] {strides = array<i32>} : memref<64x512xf32, #tpu.memory_space<vmem>>, vector<16xf32>,
        tpu.vector_store %arg18[%swap3A_285, %swap3A_286], %mul3A_284 {strides = array<i32>} : memref<64x512xf32, #tpu.memory_space<vmem>>, vector<16xf32>,
        %get3A_288 = arith.index_cast %scan3A_74 : i32 to index
        %get3A_289 = arith.constant 480 : index
        %get3A_290 = tpu.vector_load %arg18[%get3A_288, %get3A_289] {strides = array<i32>} : memref<64x512xf32, #tpu.memory_space<vmem>>, vector<16xf32>,
        %mul3A_291 = arith.mulf %get3A_290, %gather3A : vector<16xf32>
        %swap3A_292 = arith.index_cast %scan3A_74 : i32 to index
        %swap3A_293 = arith.constant 480 : index
        %swap3A_294 = tpu.vector_load %arg18[%swap3A_292, %swap3A_293] {strides = array<i32>} : memref<64x512xf32, #tpu.memory_space<vmem>>, vector<16xf32>,
        tpu.vector_store %arg18[%swap3A_292, %swap3A_293], %mul3A_291 {strides = array<i32>} : memref<64x512xf32, #tpu.memory_space<vmem>>, vector<16xf32>,
        %get3A_295 = arith.index_cast %scan3A_74 : i32 to index
        %get3A_296 = arith.constant 496 : index
        %get3A_297 = tpu.vector_load %arg18[%get3A_295, %get3A_296] {strides = array<i32>} : memref<64x512xf32, #tpu.memory_space<vmem>>, vector<16xf32>,
        %mul3A_298 = arith.mulf %get3A_297, %gather3A : vector<16xf32>
        %swap3A_299 = arith.index_cast %scan3A_74 : i32 to index
        %swap3A_300 = arith.constant 496 : index
        %swap3A_301 = tpu.vector_load %arg18[%swap3A_299, %swap3A_300] {strides = array<i32>} : memref<64x512xf32, #tpu.memory_space<vmem>>, vector<16xf32>,
        tpu.vector_store %arg18[%swap3A_299, %swap3A_300], %mul3A_298 {strides = array<i32>} : memref<64x512xf32, #tpu.memory_space<vmem>>, vector<16xf32>,
      }
      %scan3A_68 = arith.constant 64 : i32
      %mul3A_69 = arith.constant 384 : i32
      %mul3A_70 = arith.muli %add3A, %mul3A_69 : i32
      %mul3A_71 = arith.constant 64 : i32
      %mul3A_72 = arith.muli %scan3A_39, %mul3A_71 : i32
      %add3A_73 = arith.addi %mul3A_70, %mul3A_72 : i32
      "tpu.region"() ({
        %run_scoped3A = tpu.sem_alloc : memref<!tpu.dma_semaphore, #tpu.memory_space<semaphore_mem>>
        %dma_start3A = arith.constant 0 : i32
        %dma_start3A_74 = tpu.memref_slice %arg8[%add3A_73, %dma_start3A] : memref<12288x512xf32, #tpu.memory_space<hbm>> -> memref<64x512xf32, #tpu.memory_space<hbm>>
        %dma_start3A_75 = arith.constant 0 : i32
        %dma_start3A_76 = tpu.memref_slice %arg8[%add3A_73, %dma_start3A_75] : memref<12288x512xf32, #tpu.memory_space<hbm>> -> memref<64x512xf32, #tpu.memory_space<hbm>>
        tpu.enqueue_dma source(%arg18 : memref<64x512xf32, #tpu.memory_space<vmem>>) target(%dma_start3A_76 : memref<64x512xf32, #tpu.memory_space<hbm>>) target_semaphore(%run_scoped3A : memref<!tpu.dma_semaphore, #tpu.memory_space<semaphore_mem>>)
        %dma_wait3A = arith.constant 0 : i32
        %dma_wait3A_77 = tpu.memref_slice %arg8[%add3A_73, %dma_wait3A] : memref<12288x512xf32, #tpu.memory_space<hbm>> -> memref<64x512xf32, #tpu.memory_space<hbm>>
        %dma_wait3A_78 = arith.constant 0 : i32
        %dma_wait3A_79 = tpu.memref_slice %arg8[%add3A_73, %dma_wait3A_78] : memref<12288x512xf32, #tpu.memory_space<hbm>> -> memref<64x512xf32, #tpu.memory_space<hbm>>
        tpu.wait_dma2 semaphore(%run_scoped3A : memref<!tpu.dma_semaphore, #tpu.memory_space<semaphore_mem>>) src(%arg18 : memref<64x512xf32, #tpu.memory_space<vmem>>) dst(%dma_wait3A_79 : memref<64x512xf32, #tpu.memory_space<hbm>>)
        tpu.yield
      }) : () -> ()
    }
    %scan3A_38 = arith.constant 6 : i32
    return
  }
}

module attributes {stable_mosaic.version = 14 : i64} {
  func.func @_enc_st_body(%arg0: i32, %arg1: memref<256x2000xf32, #tpu.memory_space<vmem>>, %arg2: memref<2000x512xf32, #tpu.memory_space<vmem>>, %arg3: memref<2000x512xf32, #tpu.memory_space<vmem>>, %arg4: memref<512x1xf32, #tpu.memory_space<vmem>>, %arg5: memref<512x1xf32, #tpu.memory_space<vmem>>, %arg6: memref<256x512xf32, #tpu.memory_space<vmem>>, %arg7: memref<256x512xf32, #tpu.memory_space<vmem>>, %arg8: memref<256x1xf32, #tpu.memory_space<vmem>>, %arg9: memref<256x1xf32, #tpu.memory_space<vmem>>) attributes {dimension_semantics = [#tpu.dimension_semantics<arbitrary>], iteration_bounds = array<i64: 8>, scalar_prefetch = 0 : i64, scratch_operands = 0 : i64, tpu.core_type = #tpu.core_type<tc>, window_params = [{transform_indices = @transform_0, window_bounds = array<i64: 256, 2000>}, {pipeline_mode = #tpu.pipeline_mode<synchronous>, transform_indices = @transform_1, window_bounds = array<i64: 2000, 512>}, {pipeline_mode = #tpu.pipeline_mode<synchronous>, transform_indices = @transform_2, window_bounds = array<i64: 2000, 512>}, {pipeline_mode = #tpu.pipeline_mode<synchronous>, transform_indices = @transform_3, window_bounds = array<i64: 512, 1>}, {pipeline_mode = #tpu.pipeline_mode<synchronous>, transform_indices = @transform_4, window_bounds = array<i64: 512, 1>}, {transform_indices = @transform_5, window_bounds = array<i64: 256, 512>}, {transform_indices = @transform_6, window_bounds = array<i64: 256, 512>}, {transform_indices = @transform_7, window_bounds = array<i64: 256, 1>}, {transform_indices = @transform_8, window_bounds = array<i64: 256, 1>}]} {
    %get3A = arith.constant 0 : index
    %get3A_0 = arith.constant 0 : index
    %get3A_1 = vector.load %arg1[%get3A, %get3A_0] : memref<256x2000xf32, #tpu.memory_space<vmem>>, vector<256x2000xf32>
    %get3A_2 = arith.constant 0 : index
    %get3A_3 = arith.constant 0 : index
    %get3A_4 = vector.load %arg2[%get3A_2, %get3A_3] : memref<2000x512xf32, #tpu.memory_space<vmem>>, vector<2000x512xf32>
    %dot_general3A = arith.constant dense<0.000000e+00> : vector<256x512xf32>
    %dot_general3A_5 = tpu.matmul %get3A_1, %get3A_4, %dot_general3A {dimension_numbers = #tpu.dot_dimension_numbers<[1], [0], [0], [1], [0, 0, 1, 1], [], []>, transpose_lhs_hint = false} : vector<256x2000xf32>, vector<2000x512xf32>, vector<256x512xf32> -> vector<256x512xf32>
    %swap3A = arith.constant 0 : index
    %swap3A_6 = arith.constant 0 : index
    %swap3A_7 = vector.load %arg6[%swap3A, %swap3A_6] : memref<256x512xf32, #tpu.memory_space<vmem>>, vector<256x512xf32>
    tpu.vector_store %arg6[%swap3A, %swap3A_6], %dot_general3A_5 {strides = array<i32>} : memref<256x512xf32, #tpu.memory_space<vmem>>, vector<256x512xf32>,
    %get3A_8 = arith.constant 0 : index
    %get3A_9 = arith.constant 0 : index
    %get3A_10 = vector.load %arg3[%get3A_8, %get3A_9] : memref<2000x512xf32, #tpu.memory_space<vmem>>, vector<2000x512xf32>
    %dot_general3A_11 = arith.constant dense<0.000000e+00> : vector<256x512xf32>
    %dot_general3A_12 = tpu.matmul %get3A_1, %get3A_10, %dot_general3A_11 {dimension_numbers = #tpu.dot_dimension_numbers<[1], [0], [0], [1], [0, 0, 1, 1], [], []>, transpose_lhs_hint = false} : vector<256x2000xf32>, vector<2000x512xf32>, vector<256x512xf32> -> vector<256x512xf32>
    %swap3A_13 = arith.constant 0 : index
    %swap3A_14 = arith.constant 0 : index
    %swap3A_15 = vector.load %arg7[%swap3A_13, %swap3A_14] : memref<256x512xf32, #tpu.memory_space<vmem>>, vector<256x512xf32>
    tpu.vector_store %arg7[%swap3A_13, %swap3A_14], %dot_general3A_12 {strides = array<i32>} : memref<256x512xf32, #tpu.memory_space<vmem>>, vector<256x512xf32>,
    %get3A_16 = arith.constant 0 : index
    %get3A_17 = arith.constant 0 : index
    %get3A_18 = vector.load %arg4[%get3A_16, %get3A_17] : memref<512x1xf32, #tpu.memory_space<vmem>>, vector<512x1xf32>
    %dot_general3A_19 = arith.constant dense<0.000000e+00> : vector<256x1xf32>
    %dot_general3A_20 = tpu.matmul %dot_general3A_5, %get3A_18, %dot_general3A_19 {dimension_numbers = #tpu.dot_dimension_numbers<[1], [0], [0], [1], [0, 0, 1, 1], [], []>, transpose_lhs_hint = false} : vector<256x512xf32>, vector<512x1xf32>, vector<256x1xf32> -> vector<256x1xf32>
    %swap3A_21 = arith.constant 0 : index
    %swap3A_22 = arith.constant 0 : index
    %swap3A_23 = vector.load %arg8[%swap3A_21, %swap3A_22] : memref<256x1xf32, #tpu.memory_space<vmem>>, vector<256x1xf32>
    tpu.vector_store %arg8[%swap3A_21, %swap3A_22], %dot_general3A_20 {strides = array<i32>} : memref<256x1xf32, #tpu.memory_space<vmem>>, vector<256x1xf32>,
    %get3A_24 = arith.constant 0 : index
    %get3A_25 = arith.constant 0 : index
    %get3A_26 = vector.load %arg5[%get3A_24, %get3A_25] : memref<512x1xf32, #tpu.memory_space<vmem>>, vector<512x1xf32>
    %dot_general3A_27 = arith.constant dense<0.000000e+00> : vector<256x1xf32>
    %dot_general3A_28 = tpu.matmul %dot_general3A_5, %get3A_26, %dot_general3A_27 {dimension_numbers = #tpu.dot_dimension_numbers<[1], [0], [0], [1], [0, 0, 1, 1], [], []>, transpose_lhs_hint = false} : vector<256x512xf32>, vector<512x1xf32>, vector<256x1xf32> -> vector<256x1xf32>
    %swap3A_29 = arith.constant 0 : index
    %swap3A_30 = arith.constant 0 : index
    %swap3A_31 = vector.load %arg9[%swap3A_29, %swap3A_30] : memref<256x1xf32, #tpu.memory_space<vmem>>, vector<256x1xf32>
    tpu.vector_store %arg9[%swap3A_29, %swap3A_30], %dot_general3A_28 {strides = array<i32>} : memref<256x1xf32, #tpu.memory_space<vmem>>, vector<256x1xf32>,
    return
  }
  func.func @transform_0(%arg0: i32) -> (i32, i32) {
    %c0_i32 = arith.constant 0 : i32
    %c0_i32_0 = arith.constant 0 : i32
    return %arg0, %c0_i32 : i32, i32
  }
  func.func @transform_1(%arg0: i32) -> (i32, i32) {
    %c0_i32 = arith.constant 0 : i32
    %c0_i32_0 = arith.constant 0 : i32
    %c0_i32_1 = arith.constant 0 : i32
    return %c0_i32, %c0_i32_0 : i32, i32
  }
  func.func @transform_2(%arg0: i32) -> (i32, i32) {
    %c0_i32 = arith.constant 0 : i32
    %c0_i32_0 = arith.constant 0 : i32
    %c0_i32_1 = arith.constant 0 : i32
    return %c0_i32, %c0_i32_0 : i32, i32
  }
  func.func @transform_3(%arg0: i32) -> (i32, i32) {
    %c0_i32 = arith.constant 0 : i32
    %c0_i32_0 = arith.constant 0 : i32
    %c0_i32_1 = arith.constant 0 : i32
    return %c0_i32, %c0_i32_0 : i32, i32
  }
  func.func @transform_4(%arg0: i32) -> (i32, i32) {
    %c0_i32 = arith.constant 0 : i32
    %c0_i32_0 = arith.constant 0 : i32
    %c0_i32_1 = arith.constant 0 : i32
    return %c0_i32, %c0_i32_0 : i32, i32
  }
  func.func @transform_5(%arg0: i32) -> (i32, i32) {
    %c0_i32 = arith.constant 0 : i32
    %c0_i32_0 = arith.constant 0 : i32
    return %arg0, %c0_i32 : i32, i32
  }
  func.func @transform_6(%arg0: i32) -> (i32, i32) {
    %c0_i32 = arith.constant 0 : i32
    %c0_i32_0 = arith.constant 0 : i32
    return %arg0, %c0_i32 : i32, i32
  }
  func.func @transform_7(%arg0: i32) -> (i32, i32) {
    %c0_i32 = arith.constant 0 : i32
    %c0_i32_0 = arith.constant 0 : i32
    return %arg0, %c0_i32 : i32, i32
  }
  func.func @transform_8(%arg0: i32) -> (i32, i32) {
    %c0_i32 = arith.constant 0 : i32
    %c0_i32_0 = arith.constant 0 : i32
    return %arg0, %c0_i32 : i32, i32
  }
}

module attributes {stable_mosaic.version = 14 : i64} {
  func.func @_enc_sc_body(%arg0: i32, %arg1: memref<256x2000xf32, #tpu.memory_space<vmem>>, %arg2: memref<2000x512xf32, #tpu.memory_space<vmem>>, %arg3: memref<1x512xf32, #tpu.memory_space<vmem>>, %arg4: memref<512x32xf32, #tpu.memory_space<vmem>>, %arg5: memref<1x32xf32, #tpu.memory_space<vmem>>, %arg6: memref<256x32xf32, #tpu.memory_space<vmem>>) attributes {dimension_semantics = [#tpu.dimension_semantics<arbitrary>], iteration_bounds = array<i64: 8>, scalar_prefetch = 0 : i64, scratch_operands = 0 : i64, tpu.core_type = #tpu.core_type<tc>, window_params = [{transform_indices = @transform_0, window_bounds = array<i64: 256, 2000>}, {pipeline_mode = #tpu.pipeline_mode<synchronous>, transform_indices = @transform_1, window_bounds = array<i64: 2000, 512>}, {pipeline_mode = #tpu.pipeline_mode<synchronous>, transform_indices = @transform_2, window_bounds = array<i64: 1, 512>}, {pipeline_mode = #tpu.pipeline_mode<synchronous>, transform_indices = @transform_3, window_bounds = array<i64: 512, 32>}, {pipeline_mode = #tpu.pipeline_mode<synchronous>, transform_indices = @transform_4, window_bounds = array<i64: 1, 32>}, {transform_indices = @transform_5, window_bounds = array<i64: 256, 32>}]} {
    %get3A = arith.constant 0 : index
    %get3A_0 = arith.constant 0 : index
    %get3A_1 = vector.load %arg1[%get3A, %get3A_0] : memref<256x2000xf32, #tpu.memory_space<vmem>>, vector<256x2000xf32>
    %get3A_2 = arith.constant 0 : index
    %get3A_3 = arith.constant 0 : index
    %get3A_4 = vector.load %arg2[%get3A_2, %get3A_3] : memref<2000x512xf32, #tpu.memory_space<vmem>>, vector<2000x512xf32>
    %dot_general3A = arith.constant dense<0.000000e+00> : vector<256x512xf32>
    %dot_general3A_5 = tpu.matmul %get3A_1, %get3A_4, %dot_general3A {dimension_numbers = #tpu.dot_dimension_numbers<[1], [0], [0], [1], [0, 0, 1, 1], [], []>, transpose_lhs_hint = false} : vector<256x2000xf32>, vector<2000x512xf32>, vector<256x512xf32> -> vector<256x512xf32>
    %get3A_6 = arith.constant 0 : index
    %get3A_7 = arith.constant 0 : index
    %get3A_8 = vector.load %arg3[%get3A_6, %get3A_7] : memref<1x512xf32, #tpu.memory_space<vmem>>, vector<1x512xf32>
    %add3A = vector.broadcast %get3A_8 : vector<1x512xf32> to vector<256x512xf32>
    %add3A_9 = arith.addf %dot_general3A_5, %add3A : vector<256x512xf32>
    %max3A = arith.constant 0.000000e+00 : f32
    %max3A_10 = vector.broadcast %max3A : f32 to vector<256x512xf32>
    %max3A_11 = arith.maximumf %add3A_9, %max3A_10 : vector<256x512xf32>
    %get3A_12 = arith.constant 0 : index
    %get3A_13 = arith.constant 0 : index
    %get3A_14 = vector.load %arg4[%get3A_12, %get3A_13] : memref<512x32xf32, #tpu.memory_space<vmem>>, vector<512x32xf32>
    %dot_general3A_15 = arith.constant dense<0.000000e+00> : vector<256x32xf32>
    %dot_general3A_16 = tpu.matmul %max3A_11, %get3A_14, %dot_general3A_15 {dimension_numbers = #tpu.dot_dimension_numbers<[1], [0], [0], [1], [0, 0, 1, 1], [], []>, transpose_lhs_hint = false} : vector<256x512xf32>, vector<512x32xf32>, vector<256x32xf32> -> vector<256x32xf32>
    %get3A_17 = arith.constant 0 : index
    %get3A_18 = arith.constant 0 : index
    %get3A_19 = vector.load %arg5[%get3A_17, %get3A_18] : memref<1x32xf32, #tpu.memory_space<vmem>>, vector<1x32xf32>
    %add3A_20 = vector.broadcast %get3A_19 : vector<1x32xf32> to vector<256x32xf32>
    %add3A_21 = arith.addf %dot_general3A_16, %add3A_20 : vector<256x32xf32>
    %swap3A = arith.constant 0 : index
    %swap3A_22 = arith.constant 0 : index
    %swap3A_23 = vector.load %arg6[%swap3A, %swap3A_22] : memref<256x32xf32, #tpu.memory_space<vmem>>, vector<256x32xf32>
    tpu.vector_store %arg6[%swap3A, %swap3A_22], %add3A_21 {strides = array<i32>} : memref<256x32xf32, #tpu.memory_space<vmem>>, vector<256x32xf32>,
    return
  }
  func.func @transform_0(%arg0: i32) -> (i32, i32) {
    %c0_i32 = arith.constant 0 : i32
    %c0_i32_0 = arith.constant 0 : i32
    return %arg0, %c0_i32 : i32, i32
  }
  func.func @transform_1(%arg0: i32) -> (i32, i32) {
    %c0_i32 = arith.constant 0 : i32
    %c0_i32_0 = arith.constant 0 : i32
    %c0_i32_1 = arith.constant 0 : i32
    return %c0_i32, %c0_i32_0 : i32, i32
  }
  func.func @transform_2(%arg0: i32) -> (i32, i32) {
    %c0_i32 = arith.constant 0 : i32
    %c0_i32_0 = arith.constant 0 : i32
    %c0_i32_1 = arith.constant 0 : i32
    return %c0_i32, %c0_i32_0 : i32, i32
  }
  func.func @transform_3(%arg0: i32) -> (i32, i32) {
    %c0_i32 = arith.constant 0 : i32
    %c0_i32_0 = arith.constant 0 : i32
    %c0_i32_1 = arith.constant 0 : i32
    return %c0_i32, %c0_i32_0 : i32, i32
  }
  func.func @transform_4(%arg0: i32) -> (i32, i32) {
    %c0_i32 = arith.constant 0 : i32
    %c0_i32_0 = arith.constant 0 : i32
    %c0_i32_1 = arith.constant 0 : i32
    return %c0_i32, %c0_i32_0 : i32, i32
  }
  func.func @transform_5(%arg0: i32) -> (i32, i32) {
    %c0_i32 = arith.constant 0 : i32
    %c0_i32_0 = arith.constant 0 : i32
    return %arg0, %c0_i32 : i32, i32
  }
}

module attributes {stable_mosaic.version = 14 : i64} {
  func.func @_agg_body(%arg0: i32, %arg1: memref<2048x512xf32, #tpu.memory_space<vmem>>, %arg2: memref<1x1x2048xi32, #tpu.memory_space<vmem>>, %arg3: memref<2048x512xf32, #tpu.memory_space<vmem>>) attributes {dimension_semantics = [#tpu.dimension_semantics<arbitrary>], iteration_bounds = array<i64: 6>, scalar_prefetch = 0 : i64, scratch_operands = 0 : i64, tpu.core_type = #tpu.core_type<tc>, window_params = [{transform_indices = @transform_0, window_bounds = array<i64: 2048, 512>}, {transform_indices = @transform_1, window_bounds = array<i64: 1, 1, 2048>}, {pipeline_mode = #tpu.pipeline_mode<synchronous>, transform_indices = @transform_2, window_bounds = array<i64: 2048, 512>}]} {
    %get3A = arith.constant 0 : index
    %get3A_0 = arith.constant 0 : index
    %get3A_1 = arith.constant 0 : index
    %get3A_2 = vector.load %arg2[%get3A, %get3A_0, %get3A_1] : memref<1x1x2048xi32, #tpu.memory_space<vmem>>, vector<1x1x2048xi32>
    %reshape3A = vector.shape_cast %get3A_2 : vector<1x1x2048xi32> to vector<1x2048xi32>
    %iota3A = tpu.iota {dimensions = array<i32: 0>} : vector<2048x2048xi32>
    %eq3A = vector.broadcast %reshape3A : vector<1x2048xi32> to vector<2048x2048xi32>
    %eq3A_3 = arith.cmpi eq, %iota3A, %eq3A : vector<2048x2048xi32>
    %jit3A = arith.constant 1.000000e+00 : f32
    %jit3A_4 = arith.constant 0.000000e+00 : f32
    %broadcast_in_dim3A = vector.broadcast %jit3A : f32 to vector<2048x2048xf32>
    %broadcast_in_dim3A_5 = vector.broadcast %jit3A_4 : f32 to vector<2048x2048xf32>
    %select_n3A = arith.select %eq3A_3, %broadcast_in_dim3A, %broadcast_in_dim3A_5 : vector<2048x2048xi1>, vector<2048x2048xf32>
    %get3A_6 = arith.constant 0 : index
    %get3A_7 = arith.constant 0 : index
    %get3A_8 = vector.load %arg1[%get3A_6, %get3A_7] : memref<2048x512xf32, #tpu.memory_space<vmem>>, vector<2048x512xf32>
    %dot_general3A = arith.constant dense<0.000000e+00> : vector<2048x512xf32>
    %dot_general3A_9 = tpu.matmul %select_n3A, %get3A_8, %dot_general3A {dimension_numbers = #tpu.dot_dimension_numbers<[1], [0], [0], [1], [0, 0, 1, 1], [], []>, transpose_lhs_hint = false} : vector<2048x2048xf32>, vector<2048x512xf32>, vector<2048x512xf32> -> vector<2048x512xf32>
    %eq3A_10 = arith.constant 0 : i32
    %eq3A_11 = arith.cmpi eq, %arg0, %eq3A_10 : i32
    %convert_element_type3A = arith.extui %eq3A_11 : i1 to i32
    %cond3A = arith.constant 0 : i32
    %cond3A_12 = arith.cmpi ne, %convert_element_type3A, %cond3A : i32
    scf.if %cond3A_12 {
      %broadcast_in_dim3A_18 = arith.constant 0.000000e+00 : f32
      %broadcast_in_dim3A_19 = vector.broadcast %broadcast_in_dim3A_18 : f32 to vector<2048x512xf32>
      %swap3A_20 = arith.constant 0 : index
      %swap3A_21 = arith.constant 0 : index
      %swap3A_22 = vector.load %arg3[%swap3A_20, %swap3A_21] : memref<2048x512xf32, #tpu.memory_space<vmem>>, vector<2048x512xf32>
      tpu.vector_store %arg3[%swap3A_20, %swap3A_21], %broadcast_in_dim3A_19 {strides = array<i32>} : memref<2048x512xf32, #tpu.memory_space<vmem>>, vector<2048x512xf32>,
    } else {
    }
    %get3A_13 = arith.constant 0 : index
    %get3A_14 = arith.constant 0 : index
    %get3A_15 = vector.load %arg3[%get3A_13, %get3A_14] : memref<2048x512xf32, #tpu.memory_space<vmem>>, vector<2048x512xf32>
    %add3A = arith.addf %get3A_15, %dot_general3A_9 : vector<2048x512xf32>
    %swap3A = arith.constant 0 : index
    %swap3A_16 = arith.constant 0 : index
    %swap3A_17 = vector.load %arg3[%swap3A, %swap3A_16] : memref<2048x512xf32, #tpu.memory_space<vmem>>, vector<2048x512xf32>
    tpu.vector_store %arg3[%swap3A, %swap3A_16], %add3A {strides = array<i32>} : memref<2048x512xf32, #tpu.memory_space<vmem>>, vector<2048x512xf32>,
    return
  }
  func.func @transform_0(%arg0: i32) -> (i32, i32) {
    %c0_i32 = arith.constant 0 : i32
    %c0_i32_0 = arith.constant 0 : i32
    return %arg0, %c0_i32 : i32, i32
  }
  func.func @transform_1(%arg0: i32) -> (i32, i32, i32) {
    %c0_i32 = arith.constant 0 : i32
    %c0_i32_0 = arith.constant 0 : i32
    %c0_i32_1 = arith.constant 0 : i32
    return %arg0, %c0_i32, %c0_i32_0 : i32, i32, i32
  }
  func.func @transform_2(%arg0: i32) -> (i32, i32) {
    %c0_i32 = arith.constant 0 : i32
    %c0_i32_0 = arith.constant 0 : i32
    %c0_i32_1 = arith.constant 0 : i32
    return %c0_i32, %c0_i32_0 : i32, i32
  }
}

module attributes {stable_mosaic.version = 14 : i64} {
  func.func @_lat_body(%arg0: memref<2048x512xf32, #tpu.memory_space<vmem>>, %arg1: memref<2048x512xf32, #tpu.memory_space<vmem>>, %arg2: memref<512x32xf32, #tpu.memory_space<vmem>>, %arg3: memref<1x32xf32, #tpu.memory_space<vmem>>, %arg4: memref<2048x32xf32, #tpu.memory_space<vmem>>, %arg5: memref<2048x1xi32, #tpu.memory_space<vmem>>, %arg6: memref<32x512xf32, #tpu.memory_space<vmem>>, %arg7: memref<1x512xf32, #tpu.memory_space<vmem>>, %arg8: memref<512x20xf32, #tpu.memory_space<vmem>>, %arg9: memref<1x20xf32, #tpu.memory_space<vmem>>, %arg10: memref<2048x32xf32, #tpu.memory_space<vmem>>, %arg11: memref<1x1xf32, #tpu.memory_space<vmem>>, %arg12: memref<1x1xf32, #tpu.memory_space<vmem>>) attributes {dimension_semantics = [], scalar_prefetch = 0 : i64, scratch_operands = 0 : i64, tpu.core_type = #tpu.core_type<tc>} {
    %get3A = arith.constant 0 : index
    %get3A_0 = arith.constant 0 : index
    %get3A_1 = vector.load %arg0[%get3A, %get3A_0] : memref<2048x512xf32, #tpu.memory_space<vmem>>, vector<2048x512xf32>
    %get3A_2 = arith.constant 0 : index
    %get3A_3 = arith.constant 0 : index
    %get3A_4 = vector.load %arg1[%get3A_2, %get3A_3] : memref<2048x512xf32, #tpu.memory_space<vmem>>, vector<2048x512xf32>
    %add3A = arith.addf %get3A_1, %get3A_4 : vector<2048x512xf32>
    %gt3A = arith.constant 0.000000e+00 : f32
    %gt3A_5 = vector.broadcast %gt3A : f32 to vector<2048x512xf32>
    %gt3A_6 = arith.cmpf ogt, %add3A, %gt3A_5 : vector<2048x512xf32>
    %min3A = arith.constant 0.000000e+00 : f32
    %min3A_7 = vector.broadcast %min3A : f32 to vector<2048x512xf32>
    %min3A_8 = arith.minimumf %add3A, %min3A_7 : vector<2048x512xf32>
    %exp3A = math.exp %min3A_8 : vector<2048x512xf32>
    %sub3A = arith.constant 1.000000e+00 : f32
    %sub3A_9 = vector.broadcast %sub3A : f32 to vector<2048x512xf32>
    %sub3A_10 = arith.subf %exp3A, %sub3A_9 : vector<2048x512xf32>
    %select_n3A = arith.select %gt3A_6, %add3A, %sub3A_10 : vector<2048x512xi1>, vector<2048x512xf32>
    %get3A_11 = arith.constant 0 : index
    %get3A_12 = arith.constant 0 : index
    %get3A_13 = vector.load %arg2[%get3A_11, %get3A_12] : memref<512x32xf32, #tpu.memory_space<vmem>>, vector<512x32xf32>
    %dot_general3A = arith.constant dense<0.000000e+00> : vector<2048x32xf32>
    %dot_general3A_14 = tpu.matmul %select_n3A, %get3A_13, %dot_general3A {dimension_numbers = #tpu.dot_dimension_numbers<[1], [0], [0], [1], [0, 0, 1, 1], [], []>, transpose_lhs_hint = false} : vector<2048x512xf32>, vector<512x32xf32>, vector<2048x32xf32> -> vector<2048x32xf32>
    %get3A_15 = arith.constant 0 : index
    %get3A_16 = arith.constant 0 : index
    %get3A_17 = vector.load %arg3[%get3A_15, %get3A_16] : memref<1x32xf32, #tpu.memory_space<vmem>>, vector<1x32xf32>
    %add3A_18 = vector.broadcast %get3A_17 : vector<1x32xf32> to vector<2048x32xf32>
    %add3A_19 = arith.addf %dot_general3A_14, %add3A_18 : vector<2048x32xf32>
    %swap3A = arith.constant 0 : index
    %swap3A_20 = arith.constant 0 : index
    %swap3A_21 = vector.load %arg10[%swap3A, %swap3A_20] : memref<2048x32xf32, #tpu.memory_space<vmem>>, vector<2048x32xf32>
    tpu.vector_store %arg10[%swap3A, %swap3A_20], %add3A_19 {strides = array<i32>} : memref<2048x32xf32, #tpu.memory_space<vmem>>, vector<2048x32xf32>,
    %get3A_22 = arith.constant 0 : index
    %get3A_23 = arith.constant 0 : index
    %get3A_24 = vector.load %arg4[%get3A_22, %get3A_23] : memref<2048x32xf32, #tpu.memory_space<vmem>>, vector<2048x32xf32>
    %get3A_25 = arith.constant 0 : index
    %get3A_26 = arith.constant 0 : index
    %get3A_27 = vector.load %arg6[%get3A_25, %get3A_26] : memref<32x512xf32, #tpu.memory_space<vmem>>, vector<32x512xf32>
    %dot_general3A_28 = arith.constant dense<0.000000e+00> : vector<2048x512xf32>
    %dot_general3A_29 = tpu.matmul %get3A_24, %get3A_27, %dot_general3A_28 {dimension_numbers = #tpu.dot_dimension_numbers<[1], [0], [0], [1], [0, 0, 1, 1], [], []>, transpose_lhs_hint = false} : vector<2048x32xf32>, vector<32x512xf32>, vector<2048x512xf32> -> vector<2048x512xf32>
    %get3A_30 = arith.constant 0 : index
    %get3A_31 = arith.constant 0 : index
    %get3A_32 = vector.load %arg7[%get3A_30, %get3A_31] : memref<1x512xf32, #tpu.memory_space<vmem>>, vector<1x512xf32>
    %add3A_33 = vector.broadcast %get3A_32 : vector<1x512xf32> to vector<2048x512xf32>
    %add3A_34 = arith.addf %dot_general3A_29, %add3A_33 : vector<2048x512xf32>
    %max3A = arith.constant 0.000000e+00 : f32
    %max3A_35 = vector.broadcast %max3A : f32 to vector<2048x512xf32>
    %max3A_36 = arith.maximumf %add3A_34, %max3A_35 : vector<2048x512xf32>
    %get3A_37 = arith.constant 0 : index
    %get3A_38 = arith.constant 0 : index
    %get3A_39 = vector.load %arg8[%get3A_37, %get3A_38] : memref<512x20xf32, #tpu.memory_space<vmem>>, vector<512x20xf32>
    %dot_general3A_40 = arith.constant dense<0.000000e+00> : vector<2048x20xf32>
    %dot_general3A_41 = tpu.matmul %max3A_36, %get3A_39, %dot_general3A_40 {dimension_numbers = #tpu.dot_dimension_numbers<[1], [0], [0], [1], [0, 0, 1, 1], [], []>, transpose_lhs_hint = false} : vector<2048x512xf32>, vector<512x20xf32>, vector<2048x20xf32> -> vector<2048x20xf32>
    %get3A_42 = arith.constant 0 : index
    %get3A_43 = arith.constant 0 : index
    %get3A_44 = vector.load %arg9[%get3A_42, %get3A_43] : memref<1x20xf32, #tpu.memory_space<vmem>>, vector<1x20xf32>
    %add3A_45 = vector.broadcast %get3A_44 : vector<1x20xf32> to vector<2048x20xf32>
    %add3A_46 = arith.addf %dot_general3A_41, %add3A_45 : vector<2048x20xf32>
    %reduce_max3A = arith.constant dense<0xFF800000> : vector<2048xf32>
    %reduce_max3A_47 = vector.multi_reduction <maximumf>, %add3A_46, %reduce_max3A [1] : vector<2048x20xf32> to vector<2048xf32>
    %broadcast_in_dim3A = vector.shape_cast %reduce_max3A_47 : vector<2048xf32> to vector<2048x1xf32>
    %sub3A_48 = vector.broadcast %broadcast_in_dim3A : vector<2048x1xf32> to vector<2048x20xf32>
    %sub3A_49 = arith.subf %add3A_46, %sub3A_48 : vector<2048x20xf32>
    %exp3A_50 = math.exp %sub3A_49 : vector<2048x20xf32>
    %reduce_sum3A = arith.constant dense<0.000000e+00> : vector<2048xf32>
    %reduce_sum3A_51 = vector.multi_reduction <add>, %exp3A_50, %reduce_sum3A [1] : vector<2048x20xf32> to vector<2048xf32>
    %broadcast_in_dim3A_52 = vector.shape_cast %reduce_sum3A_51 : vector<2048xf32> to vector<2048x1xf32>
    %log3A = math.log %broadcast_in_dim3A_52 : vector<2048x1xf32>
    %sub3A_53 = vector.broadcast %log3A : vector<2048x1xf32> to vector<2048x20xf32>
    %sub3A_54 = arith.subf %sub3A_49, %sub3A_53 : vector<2048x20xf32>
    %iota3A = tpu.iota {dimensions = array<i32: 1>} : vector<2048x20xi32>
    %get3A_55 = arith.constant 0 : index
    %get3A_56 = arith.constant 0 : index
    %get3A_57 = vector.load %arg5[%get3A_55, %get3A_56] : memref<2048x1xi32, #tpu.memory_space<vmem>>, vector<2048x1xi32>
    %eq3A = vector.broadcast %get3A_57 : vector<2048x1xi32> to vector<2048x20xi32>
    %eq3A_58 = arith.cmpi eq, %iota3A, %eq3A : vector<2048x20xi32>
    %jit3A = arith.constant 0.000000e+00 : f32
    %broadcast_in_dim3A_59 = vector.broadcast %jit3A : f32 to vector<2048x20xf32>
    %select_n3A_60 = arith.select %eq3A_58, %sub3A_54, %broadcast_in_dim3A_59 : vector<2048x20xi1>, vector<2048x20xf32>
    %reduce_sum3A_61 = vector.shape_cast %select_n3A_60 : vector<2048x20xf32> to vector<1x2048x20xf32>
    %reduce_sum3A_62 = arith.constant dense<0.000000e+00> : vector<1xf32>
    %reduce_sum3A_63 = vector.multi_reduction <add>, %reduce_sum3A_61, %reduce_sum3A_62 [1, 2] : vector<1x2048x20xf32> to vector<1xf32>
    %reduce_sum3A_64 = vector.shape_cast %reduce_sum3A_63 : vector<1xf32> to vector<1x1x1xf32>
    %reduce_sum3A_65 = vector.extract %reduce_sum3A_64[0, 0, 0] : f32 from vector<1x1x1xf32>
    %neg3A = arith.constant 0.000000e+00 : f32
    %neg3A_66 = arith.subf %neg3A, %reduce_sum3A_65 : f32
    %div3A = arith.constant 2.048000e+03 : f32
    %div3A_67 = arith.divf %neg3A_66, %div3A : f32
    %reshape3A = vector.broadcast %div3A_67 : f32 to vector<1x1xf32>
    %swap3A_68 = arith.constant 0 : index
    %swap3A_69 = arith.constant 0 : index
    %swap3A_70 = vector.load %arg12[%swap3A_68, %swap3A_69] : memref<1x1xf32, #tpu.memory_space<vmem>>, vector<1x1xf32>
    tpu.vector_store %arg12[%swap3A_68, %swap3A_69], %reshape3A {strides = array<i32>} : memref<1x1xf32, #tpu.memory_space<vmem>>, vector<1x1xf32>,
    %mul3A = arith.mulf %add3A_19, %add3A_19 : vector<2048x32xf32>
    %reduce_sum3A_71 = arith.constant dense<0.000000e+00> : vector<2048xf32>
    %reduce_sum3A_72 = vector.multi_reduction <add>, %mul3A, %reduce_sum3A_71 [1] : vector<2048x32xf32> to vector<2048xf32>
    %broadcast_in_dim3A_73 = vector.shape_cast %reduce_sum3A_72 : vector<2048xf32> to vector<2048x1xf32>
    %mul3A_74 = arith.mulf %get3A_24, %get3A_24 : vector<2048x32xf32>
    %reduce_sum3A_75 = arith.constant dense<0.000000e+00> : vector<2048xf32>
    %reduce_sum3A_76 = vector.multi_reduction <add>, %mul3A_74, %reduce_sum3A_75 [1] : vector<2048x32xf32> to vector<2048xf32>
    %broadcast_in_dim3A_77 = vector.shape_cast %reduce_sum3A_76 : vector<2048xf32> to vector<2048x1xf32>
    %scan3A = arith.constant 0.000000e+00 : f32
    %scan3A_78 = arith.constant 0 : i32
    %scan3A_79 = arith.constant 8 : i32
    %scan3A_80 = arith.addi %scan3A_78, %scan3A_79 : i32
    %scan3A_81 = arith.constant 1 : i32
    %scan3A_82 = scf.for %scan3A_107 = %scan3A_78 to %scan3A_80 step %scan3A_81 iter_args(%scan3A_108 = %scan3A) -> (f32)  : i32 {
      %mul3A_109 = arith.constant 256 : i32
      %mul3A_110 = arith.muli %scan3A_107, %mul3A_109 : i32
      %get3A_111 = arith.index_cast %mul3A_110 : i32 to index
      %get3A_112 = arith.constant 0 : index
      %get3A_113 = vector.load %arg10[%get3A_111, %get3A_112] : memref<2048x32xf32, #tpu.memory_space<vmem>>, vector<256x32xf32>
      %mul3A_114 = arith.mulf %get3A_113, %get3A_113 : vector<256x32xf32>
      %reduce_sum3A_115 = arith.constant dense<0.000000e+00> : vector<256xf32>
      %reduce_sum3A_116 = vector.multi_reduction <add>, %mul3A_114, %reduce_sum3A_115 [1] : vector<256x32xf32> to vector<256xf32>
      %broadcast_in_dim3A_117 = vector.shape_cast %reduce_sum3A_116 : vector<256xf32> to vector<256x1xf32>
      %dot_general3A_118 = arith.constant dense<0.000000e+00> : vector<256x2048xf32>
      %dot_general3A_119 = tpu.matmul %get3A_113, %get3A_24, %dot_general3A_118 {dimension_numbers = #tpu.dot_dimension_numbers<[1], [1], [0], [0], [0, 0, 1, 0], [], []>, transpose_lhs_hint = false} : vector<256x32xf32>, vector<2048x32xf32>, vector<256x2048xf32> -> vector<256x2048xf32>
      %reshape3A_120 = vector.shape_cast %broadcast_in_dim3A_77 : vector<2048x1xf32> to vector<1x2048xf32>
      %add3A_121 = vector.broadcast %broadcast_in_dim3A_117 : vector<256x1xf32> to vector<256x2048xf32>
      %add3A_122 = vector.broadcast %reshape3A_120 : vector<1x2048xf32> to vector<256x2048xf32>
      %add3A_123 = arith.addf %add3A_121, %add3A_122 : vector<256x2048xf32>
      %mul3A_124 = arith.constant 2.000000e+00 : f32
      %mul3A_125 = vector.broadcast %mul3A_124 : f32 to vector<256x2048xf32>
      %mul3A_126 = arith.mulf %mul3A_125, %dot_general3A_119 : vector<256x2048xf32>
      %sub3A_127 = arith.subf %add3A_123, %mul3A_126 : vector<256x2048xf32>
      %max3A_128 = arith.constant 0.000000e+00 : f32
      %max3A_129 = vector.broadcast %max3A_128 : f32 to vector<256x2048xf32>
      %max3A_130 = arith.maximumf %sub3A_127, %max3A_129 : vector<256x2048xf32>
      %reduce_sum3A_131 = vector.shape_cast %max3A_130 : vector<256x2048xf32> to vector<1x256x2048xf32>
      %reduce_sum3A_132 = arith.constant dense<0.000000e+00> : vector<1xf32>
      %reduce_sum3A_133 = vector.multi_reduction <add>, %reduce_sum3A_131, %reduce_sum3A_132 [1, 2] : vector<1x256x2048xf32> to vector<1xf32>
      %reduce_sum3A_134 = vector.shape_cast %reduce_sum3A_133 : vector<1xf32> to vector<1x1x1xf32>
      %reduce_sum3A_135 = vector.extract %reduce_sum3A_134[0, 0, 0] : f32 from vector<1x1x1xf32>
      %add3A_136 = arith.addf %scan3A_108, %reduce_sum3A_135 : f32
      scf.yield %add3A_136 : f32
    }
    %scan3A_83 = arith.constant 8 : i32
    %div3A_84 = arith.constant 0x4A800000 : f32
    %div3A_85 = arith.divf %scan3A_82, %div3A_84 : f32
    %add3A_86 = arith.constant 9.99999996E-13 : f32
    %add3A_87 = arith.addf %div3A_85, %add3A_86 : f32
    %scan3A_88 = arith.constant 0.000000e+00 : f32
    %scan3A_89 = arith.constant 0.000000e+00 : f32
    %scan3A_90 = arith.constant 0.000000e+00 : f32
    %scan3A_91 = arith.constant 0 : i32
    %scan3A_92 = arith.constant 8 : i32
    %scan3A_93 = arith.addi %scan3A_91, %scan3A_92 : i32
    %scan3A_94 = arith.constant 1 : i32
    %scan3A_95:3 = scf.for %scan3A_107 = %scan3A_91 to %scan3A_93 step %scan3A_94 iter_args(%scan3A_108 = %scan3A_88, %scan3A_109 = %scan3A_89, %scan3A_110 = %scan3A_90) -> (f32, f32, f32)  : i32 {
      %mul3A_111 = arith.constant 256 : i32
      %mul3A_112 = arith.muli %scan3A_107, %mul3A_111 : i32
      %get3A_113 = arith.index_cast %mul3A_112 : i32 to index
      %get3A_114 = arith.constant 0 : index
      %get3A_115 = vector.load %arg10[%get3A_113, %get3A_114] : memref<2048x32xf32, #tpu.memory_space<vmem>>, vector<256x32xf32>
      %mul3A_116 = arith.constant 256 : i32
      %mul3A_117 = arith.muli %scan3A_107, %mul3A_116 : i32
      %get3A_118 = arith.index_cast %mul3A_117 : i32 to index
      %get3A_119 = arith.constant 0 : index
      %get3A_120 = vector.load %arg4[%get3A_118, %get3A_119] : memref<2048x32xf32, #tpu.memory_space<vmem>>, vector<256x32xf32>
      %mul3A_121 = arith.mulf %get3A_115, %get3A_115 : vector<256x32xf32>
      %reduce_sum3A_122 = arith.constant dense<0.000000e+00> : vector<256xf32>
      %reduce_sum3A_123 = vector.multi_reduction <add>, %mul3A_121, %reduce_sum3A_122 [1] : vector<256x32xf32> to vector<256xf32>
      %broadcast_in_dim3A_124 = vector.shape_cast %reduce_sum3A_123 : vector<256xf32> to vector<256x1xf32>
      %dot_general3A_125 = arith.constant dense<0.000000e+00> : vector<256x2048xf32>
      %dot_general3A_126 = tpu.matmul %get3A_115, %add3A_19, %dot_general3A_125 {dimension_numbers = #tpu.dot_dimension_numbers<[1], [1], [0], [0], [0, 0, 1, 0], [], []>, transpose_lhs_hint = false} : vector<256x32xf32>, vector<2048x32xf32>, vector<256x2048xf32> -> vector<256x2048xf32>
      %reshape3A_127 = vector.shape_cast %broadcast_in_dim3A_73 : vector<2048x1xf32> to vector<1x2048xf32>
      %add3A_128 = vector.broadcast %broadcast_in_dim3A_124 : vector<256x1xf32> to vector<256x2048xf32>
      %add3A_129 = vector.broadcast %reshape3A_127 : vector<1x2048xf32> to vector<256x2048xf32>
      %add3A_130 = arith.addf %add3A_128, %add3A_129 : vector<256x2048xf32>
      %mul3A_131 = arith.constant 2.000000e+00 : f32
      %mul3A_132 = vector.broadcast %mul3A_131 : f32 to vector<256x2048xf32>
      %mul3A_133 = arith.mulf %mul3A_132, %dot_general3A_126 : vector<256x2048xf32>
      %sub3A_134 = arith.subf %add3A_130, %mul3A_133 : vector<256x2048xf32>
      %max3A_135 = arith.constant 0.000000e+00 : f32
      %max3A_136 = vector.broadcast %max3A_135 : f32 to vector<256x2048xf32>
      %max3A_137 = arith.maximumf %sub3A_134, %max3A_136 : vector<256x2048xf32>
      %mul3A_138 = arith.mulf %get3A_120, %get3A_120 : vector<256x32xf32>
      %reduce_sum3A_139 = arith.constant dense<0.000000e+00> : vector<256xf32>
      %reduce_sum3A_140 = vector.multi_reduction <add>, %mul3A_138, %reduce_sum3A_139 [1] : vector<256x32xf32> to vector<256xf32>
      %broadcast_in_dim3A_141 = vector.shape_cast %reduce_sum3A_140 : vector<256xf32> to vector<256x1xf32>
      %dot_general3A_142 = arith.constant dense<0.000000e+00> : vector<256x2048xf32>
      %dot_general3A_143 = tpu.matmul %get3A_120, %get3A_24, %dot_general3A_142 {dimension_numbers = #tpu.dot_dimension_numbers<[1], [1], [0], [0], [0, 0, 1, 0], [], []>, transpose_lhs_hint = false} : vector<256x32xf32>, vector<2048x32xf32>, vector<256x2048xf32> -> vector<256x2048xf32>
      %reshape3A_144 = vector.shape_cast %broadcast_in_dim3A_77 : vector<2048x1xf32> to vector<1x2048xf32>
      %add3A_145 = vector.broadcast %broadcast_in_dim3A_141 : vector<256x1xf32> to vector<256x2048xf32>
      %add3A_146 = vector.broadcast %reshape3A_144 : vector<1x2048xf32> to vector<256x2048xf32>
      %add3A_147 = arith.addf %add3A_145, %add3A_146 : vector<256x2048xf32>
      %mul3A_148 = arith.constant 2.000000e+00 : f32
      %mul3A_149 = vector.broadcast %mul3A_148 : f32 to vector<256x2048xf32>
      %mul3A_150 = arith.mulf %mul3A_149, %dot_general3A_143 : vector<256x2048xf32>
      %sub3A_151 = arith.subf %add3A_147, %mul3A_150 : vector<256x2048xf32>
      %max3A_152 = arith.constant 0.000000e+00 : f32
      %max3A_153 = vector.broadcast %max3A_152 : f32 to vector<256x2048xf32>
      %max3A_154 = arith.maximumf %sub3A_151, %max3A_153 : vector<256x2048xf32>
      %mul3A_155 = arith.mulf %get3A_115, %get3A_115 : vector<256x32xf32>
      %reduce_sum3A_156 = arith.constant dense<0.000000e+00> : vector<256xf32>
      %reduce_sum3A_157 = vector.multi_reduction <add>, %mul3A_155, %reduce_sum3A_156 [1] : vector<256x32xf32> to vector<256xf32>
      %broadcast_in_dim3A_158 = vector.shape_cast %reduce_sum3A_157 : vector<256xf32> to vector<256x1xf32>
      %dot_general3A_159 = arith.constant dense<0.000000e+00> : vector<256x2048xf32>
      %dot_general3A_160 = tpu.matmul %get3A_115, %get3A_24, %dot_general3A_159 {dimension_numbers = #tpu.dot_dimension_numbers<[1], [1], [0], [0], [0, 0, 1, 0], [], []>, transpose_lhs_hint = false} : vector<256x32xf32>, vector<2048x32xf32>, vector<256x2048xf32> -> vector<256x2048xf32>
      %reshape3A_161 = vector.shape_cast %broadcast_in_dim3A_77 : vector<2048x1xf32> to vector<1x2048xf32>
      %add3A_162 = vector.broadcast %broadcast_in_dim3A_158 : vector<256x1xf32> to vector<256x2048xf32>
      %add3A_163 = vector.broadcast %reshape3A_161 : vector<1x2048xf32> to vector<256x2048xf32>
      %add3A_164 = arith.addf %add3A_162, %add3A_163 : vector<256x2048xf32>
      %mul3A_165 = arith.constant 2.000000e+00 : f32
      %mul3A_166 = vector.broadcast %mul3A_165 : f32 to vector<256x2048xf32>
      %mul3A_167 = arith.mulf %mul3A_166, %dot_general3A_160 : vector<256x2048xf32>
      %sub3A_168 = arith.subf %add3A_164, %mul3A_167 : vector<256x2048xf32>
      %max3A_169 = arith.constant 0.000000e+00 : f32
      %max3A_170 = vector.broadcast %max3A_169 : f32 to vector<256x2048xf32>
      %max3A_171 = arith.maximumf %sub3A_168, %max3A_170 : vector<256x2048xf32>
      %neg3A_172 = arith.constant 0.000000e+00 : f32
      %neg3A_173 = vector.broadcast %neg3A_172 : f32 to vector<256x2048xf32>
      %neg3A_174 = arith.subf %neg3A_173, %max3A_137 : vector<256x2048xf32>
      %div3A_175 = vector.broadcast %add3A_87 : f32 to vector<256x2048xf32>
      %div3A_176 = arith.divf %neg3A_174, %div3A_175 : vector<256x2048xf32>
      %exp3A_177 = math.exp %div3A_176 : vector<256x2048xf32>
      %reduce_sum3A_178 = vector.shape_cast %exp3A_177 : vector<256x2048xf32> to vector<1x256x2048xf32>
      %reduce_sum3A_179 = arith.constant dense<0.000000e+00> : vector<1xf32>
      %reduce_sum3A_180 = vector.multi_reduction <add>, %reduce_sum3A_178, %reduce_sum3A_179 [1, 2] : vector<1x256x2048xf32> to vector<1xf32>
      %reduce_sum3A_181 = vector.shape_cast %reduce_sum3A_180 : vector<1xf32> to vector<1x1x1xf32>
      %reduce_sum3A_182 = vector.extract %reduce_sum3A_181[0, 0, 0] : f32 from vector<1x1x1xf32>
      %add3A_183 = arith.addf %scan3A_108, %reduce_sum3A_182 : f32
      %neg3A_184 = arith.constant 0.000000e+00 : f32
      %neg3A_185 = vector.broadcast %neg3A_184 : f32 to vector<256x2048xf32>
      %neg3A_186 = arith.subf %neg3A_185, %max3A_154 : vector<256x2048xf32>
      %div3A_187 = vector.broadcast %add3A_87 : f32 to vector<256x2048xf32>
      %div3A_188 = arith.divf %neg3A_186, %div3A_187 : vector<256x2048xf32>
      %exp3A_189 = math.exp %div3A_188 : vector<256x2048xf32>
      %reduce_sum3A_190 = vector.shape_cast %exp3A_189 : vector<256x2048xf32> to vector<1x256x2048xf32>
      %reduce_sum3A_191 = arith.constant dense<0.000000e+00> : vector<1xf32>
      %reduce_sum3A_192 = vector.multi_reduction <add>, %reduce_sum3A_190, %reduce_sum3A_191 [1, 2] : vector<1x256x2048xf32> to vector<1xf32>
      %reduce_sum3A_193 = vector.shape_cast %reduce_sum3A_192 : vector<1xf32> to vector<1x1x1xf32>
      %reduce_sum3A_194 = vector.extract %reduce_sum3A_193[0, 0, 0] : f32 from vector<1x1x1xf32>
      %add3A_195 = arith.addf %scan3A_109, %reduce_sum3A_194 : f32
      %neg3A_196 = arith.constant 0.000000e+00 : f32
      %neg3A_197 = vector.broadcast %neg3A_196 : f32 to vector<256x2048xf32>
      %neg3A_198 = arith.subf %neg3A_197, %max3A_171 : vector<256x2048xf32>
      %div3A_199 = vector.broadcast %add3A_87 : f32 to vector<256x2048xf32>
      %div3A_200 = arith.divf %neg3A_198, %div3A_199 : vector<256x2048xf32>
      %exp3A_201 = math.exp %div3A_200 : vector<256x2048xf32>
      %reduce_sum3A_202 = vector.shape_cast %exp3A_201 : vector<256x2048xf32> to vector<1x256x2048xf32>
      %reduce_sum3A_203 = arith.constant dense<0.000000e+00> : vector<1xf32>
      %reduce_sum3A_204 = vector.multi_reduction <add>, %reduce_sum3A_202, %reduce_sum3A_203 [1, 2] : vector<1x256x2048xf32> to vector<1xf32>
      %reduce_sum3A_205 = vector.shape_cast %reduce_sum3A_204 : vector<1xf32> to vector<1x1x1xf32>
      %reduce_sum3A_206 = vector.extract %reduce_sum3A_205[0, 0, 0] : f32 from vector<1x1x1xf32>
      %add3A_207 = arith.addf %scan3A_110, %reduce_sum3A_206 : f32
      scf.yield %add3A_183, %add3A_195, %add3A_207 : f32, f32, f32
    }
    %scan3A_96 = arith.constant 8 : i32
    %add3A_97 = arith.addf %scan3A_95#0, %scan3A_95#1 : f32
    %mul3A_98 = arith.constant 2.000000e+00 : f32
    %mul3A_99 = arith.mulf %mul3A_98, %scan3A_95#2 : f32
    %sub3A_100 = arith.subf %add3A_97, %mul3A_99 : f32
    %div3A_101 = arith.constant 0x4A800000 : f32
    %div3A_102 = arith.divf %sub3A_100, %div3A_101 : f32
    %reshape3A_103 = vector.broadcast %div3A_102 : f32 to vector<1x1xf32>
    %swap3A_104 = arith.constant 0 : index
    %swap3A_105 = arith.constant 0 : index
    %swap3A_106 = vector.load %arg11[%swap3A_104, %swap3A_105] : memref<1x1xf32, #tpu.memory_space<vmem>>, vector<1x1xf32>
    tpu.vector_store %arg11[%swap3A_104, %swap3A_105], %reshape3A_103 {strides = array<i32>} : memref<1x1xf32, #tpu.memory_space<vmem>>, vector<1x1xf32>,
    return
  }
}

module attributes {stable_mosaic.version = 14 : i64} {
  func.func @_attn_body(%arg0: memref<2048x32xf32, #tpu.memory_space<vmem>>, %arg1: memref<2048x32xf32, #tpu.memory_space<vmem>>, %arg2: memref<2048x1000xf32, #tpu.memory_space<vmem>>, %arg3: memref<2048x1000xf32, #tpu.memory_space<vmem>>) attributes {dimension_semantics = [], scalar_prefetch = 0 : i64, scratch_operands = 0 : i64, tpu.core_type = #tpu.core_type<tc>} {
    %get3A = arith.constant 0 : index
    %get3A_0 = arith.constant 0 : index
    %get3A_1 = vector.load %arg0[%get3A, %get3A_0] : memref<2048x32xf32, #tpu.memory_space<vmem>>, vector<2048x32xf32>
    %get3A_2 = arith.constant 0 : index
    %get3A_3 = arith.constant 0 : index
    %get3A_4 = vector.load %arg1[%get3A_2, %get3A_3] : memref<2048x32xf32, #tpu.memory_space<vmem>>, vector<2048x32xf32>
    %mul3A = arith.mulf %get3A_1, %get3A_1 : vector<2048x32xf32>
    %reduce_sum3A = arith.constant dense<0.000000e+00> : vector<2048xf32>
    %reduce_sum3A_5 = vector.multi_reduction <add>, %mul3A, %reduce_sum3A [1] : vector<2048x32xf32> to vector<2048xf32>
    %broadcast_in_dim3A = vector.shape_cast %reduce_sum3A_5 : vector<2048xf32> to vector<2048x1xf32>
    %mul3A_6 = arith.mulf %get3A_4, %get3A_4 : vector<2048x32xf32>
    %reduce_sum3A_7 = arith.constant dense<0.000000e+00> : vector<2048xf32>
    %reduce_sum3A_8 = vector.multi_reduction <add>, %mul3A_6, %reduce_sum3A_7 [1] : vector<2048x32xf32> to vector<2048xf32>
    %broadcast_in_dim3A_9 = vector.shape_cast %reduce_sum3A_8 : vector<2048xf32> to vector<2048x1xf32>
    %dot_general3A = arith.constant dense<0.000000e+00> : vector<2048x2048xf32>
    %dot_general3A_10 = tpu.matmul %get3A_1, %get3A_4, %dot_general3A {dimension_numbers = #tpu.dot_dimension_numbers<[1], [1], [0], [0], [0, 0, 1, 0], [], []>, transpose_lhs_hint = false} : vector<2048x32xf32>, vector<2048x32xf32>, vector<2048x2048xf32> -> vector<2048x2048xf32>
    %reshape3A = vector.shape_cast %broadcast_in_dim3A_9 : vector<2048x1xf32> to vector<1x2048xf32>
    %add3A = vector.broadcast %broadcast_in_dim3A : vector<2048x1xf32> to vector<2048x2048xf32>
    %add3A_11 = vector.broadcast %reshape3A : vector<1x2048xf32> to vector<2048x2048xf32>
    %add3A_12 = arith.addf %add3A, %add3A_11 : vector<2048x2048xf32>
    %mul3A_13 = arith.constant 2.000000e+00 : f32
    %mul3A_14 = vector.broadcast %mul3A_13 : f32 to vector<2048x2048xf32>
    %mul3A_15 = arith.mulf %mul3A_14, %dot_general3A_10 : vector<2048x2048xf32>
    %sub3A = arith.subf %add3A_12, %mul3A_15 : vector<2048x2048xf32>
    %max3A = arith.constant 0.000000e+00 : f32
    %max3A_16 = vector.broadcast %max3A : f32 to vector<2048x2048xf32>
    %max3A_17 = arith.maximumf %sub3A, %max3A_16 : vector<2048x2048xf32>
    %bitcast_convert_type3A = tpu.bitcast %max3A_17 : vector<2048x2048xf32> -> vector<2048x2048xi32>
    %broadcast_in_dim3A_18 = arith.constant 1.000000e+00 : f32
    %broadcast_in_dim3A_19 = vector.broadcast %broadcast_in_dim3A_18 : f32 to vector<2048x1xf32>
    %broadcast_in_dim3A_20 = arith.constant 0 : i32
    %broadcast_in_dim3A_21 = vector.broadcast %broadcast_in_dim3A_20 : i32 to vector<2048x1xi32>
    %scan3A = arith.constant 0 : i32
    %scan3A_22 = arith.constant 31 : i32
    %scan3A_23 = arith.addi %scan3A, %scan3A_22 : i32
    %scan3A_24 = arith.constant 1 : i32
    %scan3A_25 = scf.for %scan3A_73 = %scan3A to %scan3A_23 step %scan3A_24 iter_args(%scan3A_74 = %broadcast_in_dim3A_21) -> (vector<2048x1xi32>)  : i32 {
      %sub3A_75 = arith.constant 30 : i32
      %sub3A_76 = arith.subi %sub3A_75, %scan3A_73 : i32
      %shift_left3A = arith.constant 1 : i32
      %shift_left3A_77 = arith.shli %shift_left3A, %sub3A_76 : i32
      %or3A_78 = vector.broadcast %shift_left3A_77 : i32 to vector<2048x1xi32>
      %or3A_79 = arith.ori %scan3A_74, %or3A_78 : vector<2048x1xi32>
      %lt3A_80 = vector.broadcast %or3A_79 : vector<2048x1xi32> to vector<2048x2048xi32>
      %lt3A_81 = arith.cmpi slt, %bitcast_convert_type3A, %lt3A_80 : vector<2048x2048xi32>
      %jit3A_82 = arith.constant 1.000000e+00 : f32
      %jit3A_83 = arith.constant 0.000000e+00 : f32
      %broadcast_in_dim3A_84 = vector.broadcast %jit3A_82 : f32 to vector<2048x2048xf32>
      %broadcast_in_dim3A_85 = vector.broadcast %jit3A_83 : f32 to vector<2048x2048xf32>
      %select_n3A_86 = arith.select %lt3A_81, %broadcast_in_dim3A_84, %broadcast_in_dim3A_85 : vector<2048x2048xi1>, vector<2048x2048xf32>
      %reduce_sum3A_87 = arith.constant dense<0.000000e+00> : vector<2048xf32>
      %reduce_sum3A_88 = vector.multi_reduction <add>, %select_n3A_86, %reduce_sum3A_87 [1] : vector<2048x2048xf32> to vector<2048xf32>
      %broadcast_in_dim3A_89 = vector.shape_cast %reduce_sum3A_88 : vector<2048xf32> to vector<2048x1xf32>
      %le3A_90 = arith.constant 4.900000e+01 : f32
      %le3A_91 = vector.broadcast %le3A_90 : f32 to vector<2048x1xf32>
      %le3A_92 = arith.cmpf ole, %broadcast_in_dim3A_89, %le3A_91 : vector<2048x1xf32>
      %select_n3A_93 = arith.select %le3A_92, %or3A_79, %scan3A_74 : vector<2048x1xi1>, vector<2048x1xi32>
      scf.yield %select_n3A_93 : vector<2048x1xi32>
    }
    %scan3A_26 = arith.constant 31 : i32
    %lt3A = vector.broadcast %scan3A_25 : vector<2048x1xi32> to vector<2048x2048xi32>
    %lt3A_27 = arith.cmpi slt, %bitcast_convert_type3A, %lt3A : vector<2048x2048xi32>
    %jit3A = arith.constant 1.000000e+00 : f32
    %jit3A_28 = arith.constant 0.000000e+00 : f32
    %broadcast_in_dim3A_29 = vector.broadcast %jit3A : f32 to vector<2048x2048xf32>
    %broadcast_in_dim3A_30 = vector.broadcast %jit3A_28 : f32 to vector<2048x2048xf32>
    %select_n3A = arith.select %lt3A_27, %broadcast_in_dim3A_29, %broadcast_in_dim3A_30 : vector<2048x2048xi1>, vector<2048x2048xf32>
    %reduce_sum3A_31 = arith.constant dense<0.000000e+00> : vector<2048xf32>
    %reduce_sum3A_32 = vector.multi_reduction <add>, %select_n3A, %reduce_sum3A_31 [1] : vector<2048x2048xf32> to vector<2048xf32>
    %broadcast_in_dim3A_33 = vector.shape_cast %reduce_sum3A_32 : vector<2048xf32> to vector<2048x1xf32>
    %sub3A_34 = arith.constant 5.000000e+01 : f32
    %sub3A_35 = vector.broadcast %sub3A_34 : f32 to vector<2048x1xf32>
    %sub3A_36 = arith.subf %sub3A_35, %broadcast_in_dim3A_33 : vector<2048x1xf32>
    %eq3A = vector.broadcast %scan3A_25 : vector<2048x1xi32> to vector<2048x2048xi32>
    %eq3A_37 = arith.cmpi eq, %bitcast_convert_type3A, %eq3A : vector<2048x2048xi32>
    %iota3A = tpu.iota {dimensions = array<i32: 1>} : vector<2048x2048xi32>
    %broadcast_in_dim3A_38 = arith.constant 0 : i32
    %broadcast_in_dim3A_39 = vector.broadcast %broadcast_in_dim3A_38 : i32 to vector<2048x1xi32>
    %scan3A_40 = arith.constant 0 : i32
    %scan3A_41 = arith.constant 11 : i32
    %scan3A_42 = arith.addi %scan3A_40, %scan3A_41 : i32
    %scan3A_43 = arith.constant 1 : i32
    %scan3A_44 = scf.for %scan3A_73 = %scan3A_40 to %scan3A_42 step %scan3A_43 iter_args(%scan3A_74 = %broadcast_in_dim3A_39) -> (vector<2048x1xi32>)  : i32 {
      %sub3A_75 = arith.constant 10 : i32
      %sub3A_76 = arith.subi %sub3A_75, %scan3A_73 : i32
      %shift_left3A = arith.constant 1 : i32
      %shift_left3A_77 = arith.shli %shift_left3A, %sub3A_76 : i32
      %or3A_78 = vector.broadcast %shift_left3A_77 : i32 to vector<2048x1xi32>
      %or3A_79 = arith.ori %scan3A_74, %or3A_78 : vector<2048x1xi32>
      %lt3A_80 = vector.broadcast %or3A_79 : vector<2048x1xi32> to vector<2048x2048xi32>
      %lt3A_81 = arith.cmpi slt, %iota3A, %lt3A_80 : vector<2048x2048xi32>
      %and3A_82 = arith.andi %eq3A_37, %lt3A_81 : vector<2048x2048xi1>
      %jit3A_83 = arith.constant 1.000000e+00 : f32
      %jit3A_84 = arith.constant 0.000000e+00 : f32
      %broadcast_in_dim3A_85 = vector.broadcast %jit3A_83 : f32 to vector<2048x2048xf32>
      %broadcast_in_dim3A_86 = vector.broadcast %jit3A_84 : f32 to vector<2048x2048xf32>
      %select_n3A_87 = arith.select %and3A_82, %broadcast_in_dim3A_85, %broadcast_in_dim3A_86 : vector<2048x2048xi1>, vector<2048x2048xf32>
      %reduce_sum3A_88 = arith.constant dense<0.000000e+00> : vector<2048xf32>
      %reduce_sum3A_89 = vector.multi_reduction <add>, %select_n3A_87, %reduce_sum3A_88 [1] : vector<2048x2048xf32> to vector<2048xf32>
      %broadcast_in_dim3A_90 = vector.shape_cast %reduce_sum3A_89 : vector<2048xf32> to vector<2048x1xf32>
      %sub3A_91 = arith.constant 1.000000e+00 : f32
      %sub3A_92 = vector.broadcast %sub3A_91 : f32 to vector<2048x1xf32>
      %sub3A_93 = arith.subf %sub3A_36, %sub3A_92 : vector<2048x1xf32>
      %le3A_94 = arith.cmpf ole, %broadcast_in_dim3A_90, %sub3A_93 : vector<2048x1xf32>
      %select_n3A_95 = arith.select %le3A_94, %or3A_79, %scan3A_74 : vector<2048x1xi1>, vector<2048x1xi32>
      scf.yield %select_n3A_95 : vector<2048x1xi32>
    }
    %scan3A_45 = arith.constant 11 : i32
    %lt3A_46 = vector.broadcast %scan3A_25 : vector<2048x1xi32> to vector<2048x2048xi32>
    %lt3A_47 = arith.cmpi slt, %bitcast_convert_type3A, %lt3A_46 : vector<2048x2048xi32>
    %le3A = vector.broadcast %scan3A_44 : vector<2048x1xi32> to vector<2048x2048xi32>
    %le3A_48 = arith.cmpi sle, %iota3A, %le3A : vector<2048x2048xi32>
    %and3A = arith.andi %eq3A_37, %le3A_48 : vector<2048x2048xi1>
    %or3A = arith.ori %lt3A_47, %and3A : vector<2048x2048xi1>
    %reduce_min3A = arith.constant dense<0x7F800000> : vector<2048xf32>
    %reduce_min3A_49 = vector.multi_reduction <minimumf>, %max3A_17, %reduce_min3A [1] : vector<2048x2048xf32> to vector<2048xf32>
    %broadcast_in_dim3A_50 = vector.shape_cast %reduce_min3A_49 : vector<2048xf32> to vector<2048x1xf32>
    %add3A_51 = arith.constant 9.99999996E-13 : f32
    %add3A_52 = vector.broadcast %add3A_51 : f32 to vector<2048x1xf32>
    %add3A_53 = arith.addf %broadcast_in_dim3A_50, %add3A_52 : vector<2048x1xf32>
    %sqrt3A = math.sqrt %add3A_53 : vector<2048x1xf32>
    %add3A_54 = arith.constant 9.99999996E-13 : f32
    %add3A_55 = vector.broadcast %add3A_54 : f32 to vector<2048x2048xf32>
    %add3A_56 = arith.addf %max3A_17, %add3A_55 : vector<2048x2048xf32>
    %sqrt3A_57 = math.sqrt %add3A_56 : vector<2048x2048xf32>
    %sub3A_58 = vector.broadcast %sqrt3A : vector<2048x1xf32> to vector<2048x2048xf32>
    %sub3A_59 = arith.subf %sub3A_58, %sqrt3A_57 : vector<2048x2048xf32>
    %exp3A = math.exp %sub3A_59 : vector<2048x2048xf32>
    %jit3A_60 = arith.constant 0.000000e+00 : f32
    %broadcast_in_dim3A_61 = vector.broadcast %jit3A_60 : f32 to vector<2048x2048xf32>
    %select_n3A_62 = arith.select %or3A, %exp3A, %broadcast_in_dim3A_61 : vector<2048x2048xi1>, vector<2048x2048xf32>
    %dot_general3A_63 = arith.constant dense<0.000000e+00> : vector<2048x1xf32>
    %dot_general3A_64 = tpu.matmul %select_n3A_62, %broadcast_in_dim3A_19, %dot_general3A_63 {dimension_numbers = #tpu.dot_dimension_numbers<[1], [0], [0], [1], [0, 0, 1, 1], [], []>, transpose_lhs_hint = false} : vector<2048x2048xf32>, vector<2048x1xf32>, vector<2048x1xf32> -> vector<2048x1xf32>
    %div3A = vector.broadcast %dot_general3A_64 : vector<2048x1xf32> to vector<2048x2048xf32>
    %div3A_65 = arith.divf %select_n3A_62, %div3A : vector<2048x2048xf32>
    %get3A_66 = arith.constant 0 : index
    %get3A_67 = arith.constant 0 : index
    %get3A_68 = vector.load %arg2[%get3A_66, %get3A_67] : memref<2048x1000xf32, #tpu.memory_space<vmem>>, vector<2048x1000xf32>
    %dot_general3A_69 = arith.constant dense<0.000000e+00> : vector<2048x1000xf32>
    %dot_general3A_70 = tpu.matmul %div3A_65, %get3A_68, %dot_general3A_69 {dimension_numbers = #tpu.dot_dimension_numbers<[1], [0], [0], [1], [0, 0, 1, 1], [], []>, transpose_lhs_hint = false} : vector<2048x2048xf32>, vector<2048x1000xf32>, vector<2048x1000xf32> -> vector<2048x1000xf32>
    %swap3A = arith.constant 0 : index
    %swap3A_71 = arith.constant 0 : index
    %swap3A_72 = vector.load %arg3[%swap3A, %swap3A_71] : memref<2048x1000xf32, #tpu.memory_space<vmem>>, vector<2048x1000xf32>
    tpu.vector_store %arg3[%swap3A, %swap3A_71], %dot_general3A_70 {strides = array<i32>} : memref<2048x1000xf32, #tpu.memory_space<vmem>>, vector<2048x1000xf32>,
    return
  }
}

module attributes {stable_mosaic.version = 14 : i64} {
  func.func @_dec_body(%arg0: i32, %arg1: memref<256x32xf32, #tpu.memory_space<vmem>>, %arg2: memref<256x32xf32, #tpu.memory_space<vmem>>, %arg3: memref<256x2000xf32, #tpu.memory_space<vmem>>, %arg4: memref<256x2000xf32, #tpu.memory_space<vmem>>, %arg5: memref<256x1000xf32, #tpu.memory_space<vmem>>, %arg6: memref<256x1000xf32, #tpu.memory_space<vmem>>, %arg7: memref<32x512xf32, #tpu.memory_space<vmem>>, %arg8: memref<1x512xf32, #tpu.memory_space<vmem>>, %arg9: memref<512x2000xf32, #tpu.memory_space<vmem>>, %arg10: memref<1x2000xf32, #tpu.memory_space<vmem>>, %arg11: memref<32x512xf32, #tpu.memory_space<vmem>>, %arg12: memref<1x512xf32, #tpu.memory_space<vmem>>, %arg13: memref<512x2000xf32, #tpu.memory_space<vmem>>, %arg14: memref<1x2000xf32, #tpu.memory_space<vmem>>, %arg15: memref<1x1xf32, #tpu.memory_space<vmem>>, %arg16: memref<1x1xf32, #tpu.memory_space<vmem>>, %arg17: memref<1x1xf32, #tpu.memory_space<vmem>>) attributes {dimension_semantics = [#tpu.dimension_semantics<arbitrary>], iteration_bounds = array<i64: 8>, scalar_prefetch = 0 : i64, scratch_operands = 0 : i64, tpu.core_type = #tpu.core_type<tc>, window_params = [{transform_indices = @transform_0, window_bounds = array<i64: 256, 32>}, {transform_indices = @transform_1, window_bounds = array<i64: 256, 32>}, {transform_indices = @transform_2, window_bounds = array<i64: 256, 2000>}, {transform_indices = @transform_3, window_bounds = array<i64: 256, 2000>}, {transform_indices = @transform_4, window_bounds = array<i64: 256, 1000>}, {transform_indices = @transform_5, window_bounds = array<i64: 256, 1000>}, {pipeline_mode = #tpu.pipeline_mode<synchronous>, transform_indices = @transform_6, window_bounds = array<i64: 32, 512>}, {pipeline_mode = #tpu.pipeline_mode<synchronous>, transform_indices = @transform_7, window_bounds = array<i64: 1, 512>}, {pipeline_mode = #tpu.pipeline_mode<synchronous>, transform_indices = @transform_8, window_bounds = array<i64: 512, 2000>}, {pipeline_mode = #tpu.pipeline_mode<synchronous>, transform_indices = @transform_9, window_bounds = array<i64: 1, 2000>}, {pipeline_mode = #tpu.pipeline_mode<synchronous>, transform_indices = @transform_10, window_bounds = array<i64: 32, 512>}, {pipeline_mode = #tpu.pipeline_mode<synchronous>, transform_indices = @transform_11, window_bounds = array<i64: 1, 512>}, {pipeline_mode = #tpu.pipeline_mode<synchronous>, transform_indices = @transform_12, window_bounds = array<i64: 512, 2000>}, {pipeline_mode = #tpu.pipeline_mode<synchronous>, transform_indices = @transform_13, window_bounds = array<i64: 1, 2000>}, {pipeline_mode = #tpu.pipeline_mode<synchronous>, transform_indices = @transform_14, window_bounds = array<i64: 1, 1>}, {pipeline_mode = #tpu.pipeline_mode<synchronous>, transform_indices = @transform_15, window_bounds = array<i64: 1, 1>}, {pipeline_mode = #tpu.pipeline_mode<synchronous>, transform_indices = @transform_16, window_bounds = array<i64: 1, 1>}]} {
    %get3A = arith.constant 0 : index
    %get3A_0 = arith.constant 0 : index
    %get3A_1 = vector.load %arg1[%get3A, %get3A_0] : memref<256x32xf32, #tpu.memory_space<vmem>>, vector<256x32xf32>
    %get3A_2 = arith.constant 0 : index
    %get3A_3 = arith.constant 0 : index
    %get3A_4 = vector.load %arg2[%get3A_2, %get3A_3] : memref<256x32xf32, #tpu.memory_space<vmem>>, vector<256x32xf32>
    %get3A_5 = arith.constant 0 : index
    %get3A_6 = arith.constant 0 : index
    %get3A_7 = vector.load %arg3[%get3A_5, %get3A_6] : memref<256x2000xf32, #tpu.memory_space<vmem>>, vector<256x2000xf32>
    %get3A_8 = arith.constant 0 : index
    %get3A_9 = arith.constant 0 : index
    %get3A_10 = vector.load %arg4[%get3A_8, %get3A_9] : memref<256x2000xf32, #tpu.memory_space<vmem>>, vector<256x2000xf32>
    %get3A_11 = arith.constant 0 : index
    %get3A_12 = arith.constant 0 : index
    %get3A_13 = vector.load %arg7[%get3A_11, %get3A_12] : memref<32x512xf32, #tpu.memory_space<vmem>>, vector<32x512xf32>
    %get3A_14 = arith.constant 0 : index
    %get3A_15 = arith.constant 0 : index
    %get3A_16 = vector.load %arg8[%get3A_14, %get3A_15] : memref<1x512xf32, #tpu.memory_space<vmem>>, vector<1x512xf32>
    %get3A_17 = arith.constant 0 : index
    %get3A_18 = arith.constant 0 : index
    %get3A_19 = vector.load %arg9[%get3A_17, %get3A_18] : memref<512x2000xf32, #tpu.memory_space<vmem>>, vector<512x2000xf32>
    %get3A_20 = arith.constant 0 : index
    %get3A_21 = arith.constant 0 : index
    %get3A_22 = vector.load %arg10[%get3A_20, %get3A_21] : memref<1x2000xf32, #tpu.memory_space<vmem>>, vector<1x2000xf32>
    %get3A_23 = arith.constant 0 : index
    %get3A_24 = arith.constant 0 : index
    %get3A_25 = vector.load %arg11[%get3A_23, %get3A_24] : memref<32x512xf32, #tpu.memory_space<vmem>>, vector<32x512xf32>
    %get3A_26 = arith.constant 0 : index
    %get3A_27 = arith.constant 0 : index
    %get3A_28 = vector.load %arg12[%get3A_26, %get3A_27] : memref<1x512xf32, #tpu.memory_space<vmem>>, vector<1x512xf32>
    %get3A_29 = arith.constant 0 : index
    %get3A_30 = arith.constant 0 : index
    %get3A_31 = vector.load %arg13[%get3A_29, %get3A_30] : memref<512x2000xf32, #tpu.memory_space<vmem>>, vector<512x2000xf32>
    %get3A_32 = arith.constant 0 : index
    %get3A_33 = arith.constant 0 : index
    %get3A_34 = vector.load %arg14[%get3A_32, %get3A_33] : memref<1x2000xf32, #tpu.memory_space<vmem>>, vector<1x2000xf32>
    %dot_general3A = arith.constant dense<0.000000e+00> : vector<256x512xf32>
    %dot_general3A_35 = tpu.matmul %get3A_1, %get3A_13, %dot_general3A {dimension_numbers = #tpu.dot_dimension_numbers<[1], [0], [0], [1], [0, 0, 1, 1], [], []>, transpose_lhs_hint = false} : vector<256x32xf32>, vector<32x512xf32>, vector<256x512xf32> -> vector<256x512xf32>
    %add3A = vector.broadcast %get3A_16 : vector<1x512xf32> to vector<256x512xf32>
    %add3A_36 = arith.addf %dot_general3A_35, %add3A : vector<256x512xf32>
    %max3A = arith.constant 0.000000e+00 : f32
    %max3A_37 = vector.broadcast %max3A : f32 to vector<256x512xf32>
    %max3A_38 = arith.maximumf %add3A_36, %max3A_37 : vector<256x512xf32>
    %dot_general3A_39 = arith.constant dense<0.000000e+00> : vector<256x2000xf32>
    %dot_general3A_40 = tpu.matmul %max3A_38, %get3A_19, %dot_general3A_39 {dimension_numbers = #tpu.dot_dimension_numbers<[1], [0], [0], [1], [0, 0, 1, 1], [], []>, transpose_lhs_hint = false} : vector<256x512xf32>, vector<512x2000xf32>, vector<256x2000xf32> -> vector<256x2000xf32>
    %add3A_41 = vector.broadcast %get3A_22 : vector<1x2000xf32> to vector<256x2000xf32>
    %add3A_42 = arith.addf %dot_general3A_40, %add3A_41 : vector<256x2000xf32>
    %dot_general3A_43 = arith.constant dense<0.000000e+00> : vector<256x512xf32>
    %dot_general3A_44 = tpu.matmul %get3A_4, %get3A_25, %dot_general3A_43 {dimension_numbers = #tpu.dot_dimension_numbers<[1], [0], [0], [1], [0, 0, 1, 1], [], []>, transpose_lhs_hint = false} : vector<256x32xf32>, vector<32x512xf32>, vector<256x512xf32> -> vector<256x512xf32>
    %add3A_45 = vector.broadcast %get3A_28 : vector<1x512xf32> to vector<256x512xf32>
    %add3A_46 = arith.addf %dot_general3A_44, %add3A_45 : vector<256x512xf32>
    %max3A_47 = arith.constant 0.000000e+00 : f32
    %max3A_48 = vector.broadcast %max3A_47 : f32 to vector<256x512xf32>
    %max3A_49 = arith.maximumf %add3A_46, %max3A_48 : vector<256x512xf32>
    %dot_general3A_50 = arith.constant dense<0.000000e+00> : vector<256x2000xf32>
    %dot_general3A_51 = tpu.matmul %max3A_49, %get3A_31, %dot_general3A_50 {dimension_numbers = #tpu.dot_dimension_numbers<[1], [0], [0], [1], [0, 0, 1, 1], [], []>, transpose_lhs_hint = false} : vector<256x512xf32>, vector<512x2000xf32>, vector<256x2000xf32> -> vector<256x2000xf32>
    %add3A_52 = vector.broadcast %get3A_34 : vector<1x2000xf32> to vector<256x2000xf32>
    %add3A_53 = arith.addf %dot_general3A_51, %add3A_52 : vector<256x2000xf32>
    %sub3A = arith.subf %get3A_7, %add3A_42 : vector<256x2000xf32>
    %sub3A_54 = arith.subf %get3A_10, %add3A_53 : vector<256x2000xf32>
    %mul3A = arith.mulf %sub3A, %sub3A : vector<256x2000xf32>
    %reduce_sum3A = vector.shape_cast %mul3A : vector<256x2000xf32> to vector<1x256x2000xf32>
    %reduce_sum3A_55 = arith.constant dense<0.000000e+00> : vector<1xf32>
    %reduce_sum3A_56 = vector.multi_reduction <add>, %reduce_sum3A, %reduce_sum3A_55 [1, 2] : vector<1x256x2000xf32> to vector<1xf32>
    %reduce_sum3A_57 = vector.shape_cast %reduce_sum3A_56 : vector<1xf32> to vector<1x1x1xf32>
    %reduce_sum3A_58 = vector.extract %reduce_sum3A_57[0, 0, 0] : f32 from vector<1x1x1xf32>
    %mul3A_59 = arith.mulf %sub3A_54, %sub3A_54 : vector<256x2000xf32>
    %reduce_sum3A_60 = vector.shape_cast %mul3A_59 : vector<256x2000xf32> to vector<1x256x2000xf32>
    %reduce_sum3A_61 = arith.constant dense<0.000000e+00> : vector<1xf32>
    %reduce_sum3A_62 = vector.multi_reduction <add>, %reduce_sum3A_60, %reduce_sum3A_61 [1, 2] : vector<1x256x2000xf32> to vector<1xf32>
    %reduce_sum3A_63 = vector.shape_cast %reduce_sum3A_62 : vector<1xf32> to vector<1x1x1xf32>
    %reduce_sum3A_64 = vector.extract %reduce_sum3A_63[0, 0, 0] : f32 from vector<1x1x1xf32>
    %add3A_65 = arith.addf %reduce_sum3A_58, %reduce_sum3A_64 : f32
    %dot_general3A_66 = arith.constant dense<0.000000e+00> : vector<256x512xf32>
    %dot_general3A_67 = tpu.matmul %get3A_1, %get3A_25, %dot_general3A_66 {dimension_numbers = #tpu.dot_dimension_numbers<[1], [0], [0], [1], [0, 0, 1, 1], [], []>, transpose_lhs_hint = false} : vector<256x32xf32>, vector<32x512xf32>, vector<256x512xf32> -> vector<256x512xf32>
    %add3A_68 = vector.broadcast %get3A_28 : vector<1x512xf32> to vector<256x512xf32>
    %add3A_69 = arith.addf %dot_general3A_67, %add3A_68 : vector<256x512xf32>
    %max3A_70 = arith.constant 0.000000e+00 : f32
    %max3A_71 = vector.broadcast %max3A_70 : f32 to vector<256x512xf32>
    %max3A_72 = arith.maximumf %add3A_69, %max3A_71 : vector<256x512xf32>
    %dot_general3A_73 = arith.constant dense<0.000000e+00> : vector<256x2000xf32>
    %dot_general3A_74 = tpu.matmul %max3A_72, %get3A_31, %dot_general3A_73 {dimension_numbers = #tpu.dot_dimension_numbers<[1], [0], [0], [1], [0, 0, 1, 1], [], []>, transpose_lhs_hint = false} : vector<256x512xf32>, vector<512x2000xf32>, vector<256x2000xf32> -> vector<256x2000xf32>
    %add3A_75 = vector.broadcast %get3A_34 : vector<1x2000xf32> to vector<256x2000xf32>
    %add3A_76 = arith.addf %dot_general3A_74, %add3A_75 : vector<256x2000xf32>
    %dot_general3A_77 = arith.constant dense<0.000000e+00> : vector<256x512xf32>
    %dot_general3A_78 = tpu.matmul %get3A_4, %get3A_13, %dot_general3A_77 {dimension_numbers = #tpu.dot_dimension_numbers<[1], [0], [0], [1], [0, 0, 1, 1], [], []>, transpose_lhs_hint = false} : vector<256x32xf32>, vector<32x512xf32>, vector<256x512xf32> -> vector<256x512xf32>
    %add3A_79 = vector.broadcast %get3A_16 : vector<1x512xf32> to vector<256x512xf32>
    %add3A_80 = arith.addf %dot_general3A_78, %add3A_79 : vector<256x512xf32>
    %max3A_81 = arith.constant 0.000000e+00 : f32
    %max3A_82 = vector.broadcast %max3A_81 : f32 to vector<256x512xf32>
    %max3A_83 = arith.maximumf %add3A_80, %max3A_82 : vector<256x512xf32>
    %dot_general3A_84 = arith.constant dense<0.000000e+00> : vector<256x2000xf32>
    %dot_general3A_85 = tpu.matmul %max3A_83, %get3A_19, %dot_general3A_84 {dimension_numbers = #tpu.dot_dimension_numbers<[1], [0], [0], [1], [0, 0, 1, 1], [], []>, transpose_lhs_hint = false} : vector<256x512xf32>, vector<512x2000xf32>, vector<256x2000xf32> -> vector<256x2000xf32>
    %add3A_86 = vector.broadcast %get3A_22 : vector<1x2000xf32> to vector<256x2000xf32>
    %add3A_87 = arith.addf %dot_general3A_85, %add3A_86 : vector<256x2000xf32>
    %mul3A_88 = arith.mulf %add3A_76, %add3A_76 : vector<256x2000xf32>
    %reduce_sum3A_89 = arith.constant dense<0.000000e+00> : vector<256xf32>
    %reduce_sum3A_90 = vector.multi_reduction <add>, %mul3A_88, %reduce_sum3A_89 [1] : vector<256x2000xf32> to vector<256xf32>
    %broadcast_in_dim3A = vector.shape_cast %reduce_sum3A_90 : vector<256xf32> to vector<256x1xf32>
    %sqrt3A = math.sqrt %broadcast_in_dim3A : vector<256x1xf32>
    %add3A_91 = arith.constant 9.99999996E-13 : f32
    %add3A_92 = vector.broadcast %add3A_91 : f32 to vector<256x1xf32>
    %add3A_93 = arith.addf %sqrt3A, %add3A_92 : vector<256x1xf32>
    %mul3A_94 = arith.mulf %get3A_7, %get3A_7 : vector<256x2000xf32>
    %reduce_sum3A_95 = arith.constant dense<0.000000e+00> : vector<256xf32>
    %reduce_sum3A_96 = vector.multi_reduction <add>, %mul3A_94, %reduce_sum3A_95 [1] : vector<256x2000xf32> to vector<256xf32>
    %broadcast_in_dim3A_97 = vector.shape_cast %reduce_sum3A_96 : vector<256xf32> to vector<256x1xf32>
    %sqrt3A_98 = math.sqrt %broadcast_in_dim3A_97 : vector<256x1xf32>
    %add3A_99 = arith.constant 9.99999996E-13 : f32
    %add3A_100 = vector.broadcast %add3A_99 : f32 to vector<256x1xf32>
    %add3A_101 = arith.addf %sqrt3A_98, %add3A_100 : vector<256x1xf32>
    %div3A = vector.broadcast %add3A_93 : vector<256x1xf32> to vector<256x2000xf32>
    %div3A_102 = arith.divf %add3A_76, %div3A : vector<256x2000xf32>
    %div3A_103 = vector.broadcast %add3A_101 : vector<256x1xf32> to vector<256x2000xf32>
    %div3A_104 = arith.divf %get3A_7, %div3A_103 : vector<256x2000xf32>
    %mul3A_105 = arith.mulf %div3A_102, %div3A_104 : vector<256x2000xf32>
    %reduce_sum3A_106 = arith.constant dense<0.000000e+00> : vector<256xf32>
    %reduce_sum3A_107 = vector.multi_reduction <add>, %mul3A_105, %reduce_sum3A_106 [1] : vector<256x2000xf32> to vector<256xf32>
    %sub3A_108 = arith.constant 1.000000e+00 : f32
    %sub3A_109 = vector.broadcast %sub3A_108 : f32 to vector<256xf32>
    %sub3A_110 = arith.subf %sub3A_109, %reduce_sum3A_107 : vector<256xf32>
    %reduce_sum3A_111 = vector.shape_cast %sub3A_110 : vector<256xf32> to vector<1x256xf32>
    %reduce_sum3A_112 = arith.constant dense<0.000000e+00> : vector<1xf32>
    %reduce_sum3A_113 = vector.multi_reduction <add>, %reduce_sum3A_111, %reduce_sum3A_112 [1] : vector<1x256xf32> to vector<1xf32>
    %reduce_sum3A_114 = vector.shape_cast %reduce_sum3A_113 : vector<1xf32> to vector<1x1xf32>
    %reduce_sum3A_115 = vector.extract %reduce_sum3A_114[0, 0] : f32 from vector<1x1xf32>
    %mul3A_116 = arith.mulf %add3A_87, %add3A_87 : vector<256x2000xf32>
    %reduce_sum3A_117 = arith.constant dense<0.000000e+00> : vector<256xf32>
    %reduce_sum3A_118 = vector.multi_reduction <add>, %mul3A_116, %reduce_sum3A_117 [1] : vector<256x2000xf32> to vector<256xf32>
    %broadcast_in_dim3A_119 = vector.shape_cast %reduce_sum3A_118 : vector<256xf32> to vector<256x1xf32>
    %sqrt3A_120 = math.sqrt %broadcast_in_dim3A_119 : vector<256x1xf32>
    %add3A_121 = arith.constant 9.99999996E-13 : f32
    %add3A_122 = vector.broadcast %add3A_121 : f32 to vector<256x1xf32>
    %add3A_123 = arith.addf %sqrt3A_120, %add3A_122 : vector<256x1xf32>
    %mul3A_124 = arith.mulf %get3A_10, %get3A_10 : vector<256x2000xf32>
    %reduce_sum3A_125 = arith.constant dense<0.000000e+00> : vector<256xf32>
    %reduce_sum3A_126 = vector.multi_reduction <add>, %mul3A_124, %reduce_sum3A_125 [1] : vector<256x2000xf32> to vector<256xf32>
    %broadcast_in_dim3A_127 = vector.shape_cast %reduce_sum3A_126 : vector<256xf32> to vector<256x1xf32>
    %sqrt3A_128 = math.sqrt %broadcast_in_dim3A_127 : vector<256x1xf32>
    %add3A_129 = arith.constant 9.99999996E-13 : f32
    %add3A_130 = vector.broadcast %add3A_129 : f32 to vector<256x1xf32>
    %add3A_131 = arith.addf %sqrt3A_128, %add3A_130 : vector<256x1xf32>
    %div3A_132 = vector.broadcast %add3A_123 : vector<256x1xf32> to vector<256x2000xf32>
    %div3A_133 = arith.divf %add3A_87, %div3A_132 : vector<256x2000xf32>
    %div3A_134 = vector.broadcast %add3A_131 : vector<256x1xf32> to vector<256x2000xf32>
    %div3A_135 = arith.divf %get3A_10, %div3A_134 : vector<256x2000xf32>
    %mul3A_136 = arith.mulf %div3A_133, %div3A_135 : vector<256x2000xf32>
    %reduce_sum3A_137 = arith.constant dense<0.000000e+00> : vector<256xf32>
    %reduce_sum3A_138 = vector.multi_reduction <add>, %mul3A_136, %reduce_sum3A_137 [1] : vector<256x2000xf32> to vector<256xf32>
    %sub3A_139 = arith.constant 1.000000e+00 : f32
    %sub3A_140 = vector.broadcast %sub3A_139 : f32 to vector<256xf32>
    %sub3A_141 = arith.subf %sub3A_140, %reduce_sum3A_138 : vector<256xf32>
    %reduce_sum3A_142 = vector.shape_cast %sub3A_141 : vector<256xf32> to vector<1x256xf32>
    %reduce_sum3A_143 = arith.constant dense<0.000000e+00> : vector<1xf32>
    %reduce_sum3A_144 = vector.multi_reduction <add>, %reduce_sum3A_142, %reduce_sum3A_143 [1] : vector<1x256xf32> to vector<1xf32>
    %reduce_sum3A_145 = vector.shape_cast %reduce_sum3A_144 : vector<1xf32> to vector<1x1xf32>
    %reduce_sum3A_146 = vector.extract %reduce_sum3A_145[0, 0] : f32 from vector<1x1xf32>
    %add3A_147 = arith.addf %reduce_sum3A_115, %reduce_sum3A_146 : f32
    %get3A_148 = arith.constant 0 : index
    %get3A_149 = arith.constant 0 : index
    %get3A_150 = vector.load %arg6[%get3A_148, %get3A_149] : memref<256x1000xf32, #tpu.memory_space<vmem>>, vector<256x1000xf32>
    %get3A_151 = arith.constant 0 : index
    %get3A_152 = arith.constant 0 : index
    %get3A_153 = vector.load %arg5[%get3A_151, %get3A_152] : memref<256x1000xf32, #tpu.memory_space<vmem>>, vector<256x1000xf32>
    %reduce_sum3A_154 = arith.constant dense<0.000000e+00> : vector<256xf32>
    %reduce_sum3A_155 = vector.multi_reduction <add>, %get3A_150, %reduce_sum3A_154 [1] : vector<256x1000xf32> to vector<256xf32>
    %broadcast_in_dim3A_156 = vector.shape_cast %reduce_sum3A_155 : vector<256xf32> to vector<256x1xf32>
    %div3A_157 = arith.constant 1.000000e+03 : f32
    %div3A_158 = vector.broadcast %div3A_157 : f32 to vector<256x1xf32>
    %div3A_159 = arith.divf %broadcast_in_dim3A_156, %div3A_158 : vector<256x1xf32>
    %sub3A_160 = vector.broadcast %div3A_159 : vector<256x1xf32> to vector<256x1000xf32>
    %sub3A_161 = arith.subf %get3A_150, %sub3A_160 : vector<256x1000xf32>
    %reduce_sum3A_162 = arith.constant dense<0.000000e+00> : vector<256xf32>
    %reduce_sum3A_163 = vector.multi_reduction <add>, %get3A_153, %reduce_sum3A_162 [1] : vector<256x1000xf32> to vector<256xf32>
    %broadcast_in_dim3A_164 = vector.shape_cast %reduce_sum3A_163 : vector<256xf32> to vector<256x1xf32>
    %div3A_165 = arith.constant 1.000000e+03 : f32
    %div3A_166 = vector.broadcast %div3A_165 : f32 to vector<256x1xf32>
    %div3A_167 = arith.divf %broadcast_in_dim3A_164, %div3A_166 : vector<256x1xf32>
    %sub3A_168 = vector.broadcast %div3A_167 : vector<256x1xf32> to vector<256x1000xf32>
    %sub3A_169 = arith.subf %get3A_153, %sub3A_168 : vector<256x1000xf32>
    %mul3A_170 = arith.mulf %sub3A_161, %sub3A_169 : vector<256x1000xf32>
    %reduce_sum3A_171 = arith.constant dense<0.000000e+00> : vector<256xf32>
    %reduce_sum3A_172 = vector.multi_reduction <add>, %mul3A_170, %reduce_sum3A_171 [1] : vector<256x1000xf32> to vector<256xf32>
    %mul3A_173 = arith.mulf %sub3A_161, %sub3A_161 : vector<256x1000xf32>
    %reduce_sum3A_174 = arith.constant dense<0.000000e+00> : vector<256xf32>
    %reduce_sum3A_175 = vector.multi_reduction <add>, %mul3A_173, %reduce_sum3A_174 [1] : vector<256x1000xf32> to vector<256xf32>
    %sqrt3A_176 = math.sqrt %reduce_sum3A_175 : vector<256xf32>
    %mul3A_177 = arith.mulf %sub3A_169, %sub3A_169 : vector<256x1000xf32>
    %reduce_sum3A_178 = arith.constant dense<0.000000e+00> : vector<256xf32>
    %reduce_sum3A_179 = vector.multi_reduction <add>, %mul3A_177, %reduce_sum3A_178 [1] : vector<256x1000xf32> to vector<256xf32>
    %sqrt3A_180 = math.sqrt %reduce_sum3A_179 : vector<256xf32>
    %mul3A_181 = arith.mulf %sqrt3A_176, %sqrt3A_180 : vector<256xf32>
    %add3A_182 = arith.constant 9.99999996E-13 : f32
    %add3A_183 = vector.broadcast %add3A_182 : f32 to vector<256xf32>
    %add3A_184 = arith.addf %mul3A_181, %add3A_183 : vector<256xf32>
    %div3A_185 = arith.divf %reduce_sum3A_172, %add3A_184 : vector<256xf32>
    %sub3A_186 = arith.constant 1.000000e+00 : f32
    %sub3A_187 = vector.broadcast %sub3A_186 : f32 to vector<256xf32>
    %sub3A_188 = arith.subf %sub3A_187, %div3A_185 : vector<256xf32>
    %reduce_sum3A_189 = vector.shape_cast %sub3A_188 : vector<256xf32> to vector<1x256xf32>
    %reduce_sum3A_190 = arith.constant dense<0.000000e+00> : vector<1xf32>
    %reduce_sum3A_191 = vector.multi_reduction <add>, %reduce_sum3A_189, %reduce_sum3A_190 [1] : vector<1x256xf32> to vector<1xf32>
    %reduce_sum3A_192 = vector.shape_cast %reduce_sum3A_191 : vector<1xf32> to vector<1x1xf32>
    %reduce_sum3A_193 = vector.extract %reduce_sum3A_192[0, 0] : f32 from vector<1x1xf32>
    %eq3A = arith.constant 0 : i32
    %eq3A_194 = arith.cmpi eq, %arg0, %eq3A : i32
    %convert_element_type3A = arith.extui %eq3A_194 : i1 to i32
    %cond3A = arith.constant 0 : i32
    %cond3A_195 = arith.cmpi ne, %convert_element_type3A, %cond3A : i32
    scf.if %cond3A_195 {
      %broadcast_in_dim3A_218 = arith.constant 0.000000e+00 : f32
      %broadcast_in_dim3A_219 = vector.broadcast %broadcast_in_dim3A_218 : f32 to vector<1x1xf32>
      %swap3A_220 = arith.constant 0 : index
      %swap3A_221 = arith.constant 0 : index
      %swap3A_222 = vector.load %arg15[%swap3A_220, %swap3A_221] : memref<1x1xf32, #tpu.memory_space<vmem>>, vector<1x1xf32>
      tpu.vector_store %arg15[%swap3A_220, %swap3A_221], %broadcast_in_dim3A_219 {strides = array<i32>} : memref<1x1xf32, #tpu.memory_space<vmem>>, vector<1x1xf32>,
      %broadcast_in_dim3A_223 = arith.constant 0.000000e+00 : f32
      %broadcast_in_dim3A_224 = vector.broadcast %broadcast_in_dim3A_223 : f32 to vector<1x1xf32>
      %swap3A_225 = arith.constant 0 : index
      %swap3A_226 = arith.constant 0 : index
      %swap3A_227 = vector.load %arg16[%swap3A_225, %swap3A_226] : memref<1x1xf32, #tpu.memory_space<vmem>>, vector<1x1xf32>
      tpu.vector_store %arg16[%swap3A_225, %swap3A_226], %broadcast_in_dim3A_224 {strides = array<i32>} : memref<1x1xf32, #tpu.memory_space<vmem>>, vector<1x1xf32>,
      %broadcast_in_dim3A_228 = arith.constant 0.000000e+00 : f32
      %broadcast_in_dim3A_229 = vector.broadcast %broadcast_in_dim3A_228 : f32 to vector<1x1xf32>
      %swap3A_230 = arith.constant 0 : index
      %swap3A_231 = arith.constant 0 : index
      %swap3A_232 = vector.load %arg17[%swap3A_230, %swap3A_231] : memref<1x1xf32, #tpu.memory_space<vmem>>, vector<1x1xf32>
      tpu.vector_store %arg17[%swap3A_230, %swap3A_231], %broadcast_in_dim3A_229 {strides = array<i32>} : memref<1x1xf32, #tpu.memory_space<vmem>>, vector<1x1xf32>,
    } else {
    }
    %get3A_196 = arith.constant 0 : index
    %get3A_197 = arith.constant 0 : index
    %get3A_198 = vector.load %arg15[%get3A_196, %get3A_197] : memref<1x1xf32, #tpu.memory_space<vmem>>, vector<1x1xf32>
    %reshape3A = vector.broadcast %add3A_65 : f32 to vector<1x1xf32>
    %add3A_199 = arith.addf %get3A_198, %reshape3A : vector<1x1xf32>
    %swap3A = arith.constant 0 : index
    %swap3A_200 = arith.constant 0 : index
    %swap3A_201 = vector.load %arg15[%swap3A, %swap3A_200] : memref<1x1xf32, #tpu.memory_space<vmem>>, vector<1x1xf32>
    tpu.vector_store %arg15[%swap3A, %swap3A_200], %add3A_199 {strides = array<i32>} : memref<1x1xf32, #tpu.memory_space<vmem>>, vector<1x1xf32>,
    %get3A_202 = arith.constant 0 : index
    %get3A_203 = arith.constant 0 : index
    %get3A_204 = vector.load %arg16[%get3A_202, %get3A_203] : memref<1x1xf32, #tpu.memory_space<vmem>>, vector<1x1xf32>
    %reshape3A_205 = vector.broadcast %add3A_147 : f32 to vector<1x1xf32>
    %add3A_206 = arith.addf %get3A_204, %reshape3A_205 : vector<1x1xf32>
    %swap3A_207 = arith.constant 0 : index
    %swap3A_208 = arith.constant 0 : index
    %swap3A_209 = vector.load %arg16[%swap3A_207, %swap3A_208] : memref<1x1xf32, #tpu.memory_space<vmem>>, vector<1x1xf32>
    tpu.vector_store %arg16[%swap3A_207, %swap3A_208], %add3A_206 {strides = array<i32>} : memref<1x1xf32, #tpu.memory_space<vmem>>, vector<1x1xf32>,
    %get3A_210 = arith.constant 0 : index
    %get3A_211 = arith.constant 0 : index
    %get3A_212 = vector.load %arg17[%get3A_210, %get3A_211] : memref<1x1xf32, #tpu.memory_space<vmem>>, vector<1x1xf32>
    %reshape3A_213 = vector.broadcast %reduce_sum3A_193 : f32 to vector<1x1xf32>
    %add3A_214 = arith.addf %get3A_212, %reshape3A_213 : vector<1x1xf32>
    %swap3A_215 = arith.constant 0 : index
    %swap3A_216 = arith.constant 0 : index
    %swap3A_217 = vector.load %arg17[%swap3A_215, %swap3A_216] : memref<1x1xf32, #tpu.memory_space<vmem>>, vector<1x1xf32>
    tpu.vector_store %arg17[%swap3A_215, %swap3A_216], %add3A_214 {strides = array<i32>} : memref<1x1xf32, #tpu.memory_space<vmem>>, vector<1x1xf32>,
    return
  }
  func.func @transform_0(%arg0: i32) -> (i32, i32) {
    %c0_i32 = arith.constant 0 : i32
    %c0_i32_0 = arith.constant 0 : i32
    return %arg0, %c0_i32 : i32, i32
  }
  func.func @transform_1(%arg0: i32) -> (i32, i32) {
    %c0_i32 = arith.constant 0 : i32
    %c0_i32_0 = arith.constant 0 : i32
    return %arg0, %c0_i32 : i32, i32
  }
  func.func @transform_2(%arg0: i32) -> (i32, i32) {
    %c0_i32 = arith.constant 0 : i32
    %c0_i32_0 = arith.constant 0 : i32
    return %arg0, %c0_i32 : i32, i32
  }
  func.func @transform_3(%arg0: i32) -> (i32, i32) {
    %c0_i32 = arith.constant 0 : i32
    %c0_i32_0 = arith.constant 0 : i32
    return %arg0, %c0_i32 : i32, i32
  }
  func.func @transform_4(%arg0: i32) -> (i32, i32) {
    %c0_i32 = arith.constant 0 : i32
    %c0_i32_0 = arith.constant 0 : i32
    return %arg0, %c0_i32 : i32, i32
  }
  func.func @transform_5(%arg0: i32) -> (i32, i32) {
    %c0_i32 = arith.constant 0 : i32
    %c0_i32_0 = arith.constant 0 : i32
    return %arg0, %c0_i32 : i32, i32
  }
  func.func @transform_6(%arg0: i32) -> (i32, i32) {
    %c0_i32 = arith.constant 0 : i32
    %c0_i32_0 = arith.constant 0 : i32
    %c0_i32_1 = arith.constant 0 : i32
    return %c0_i32, %c0_i32_0 : i32, i32
  }
  func.func @transform_7(%arg0: i32) -> (i32, i32) {
    %c0_i32 = arith.constant 0 : i32
    %c0_i32_0 = arith.constant 0 : i32
    %c0_i32_1 = arith.constant 0 : i32
    return %c0_i32, %c0_i32_0 : i32, i32
  }
  func.func @transform_8(%arg0: i32) -> (i32, i32) {
    %c0_i32 = arith.constant 0 : i32
    %c0_i32_0 = arith.constant 0 : i32
    %c0_i32_1 = arith.constant 0 : i32
    return %c0_i32, %c0_i32_0 : i32, i32
  }
  func.func @transform_9(%arg0: i32) -> (i32, i32) {
    %c0_i32 = arith.constant 0 : i32
    %c0_i32_0 = arith.constant 0 : i32
    %c0_i32_1 = arith.constant 0 : i32
    return %c0_i32, %c0_i32_0 : i32, i32
  }
  func.func @transform_10(%arg0: i32) -> (i32, i32) {
    %c0_i32 = arith.constant 0 : i32
    %c0_i32_0 = arith.constant 0 : i32
    %c0_i32_1 = arith.constant 0 : i32
    return %c0_i32, %c0_i32_0 : i32, i32
  }
  func.func @transform_11(%arg0: i32) -> (i32, i32) {
    %c0_i32 = arith.constant 0 : i32
    %c0_i32_0 = arith.constant 0 : i32
    %c0_i32_1 = arith.constant 0 : i32
    return %c0_i32, %c0_i32_0 : i32, i32
  }
  func.func @transform_12(%arg0: i32) -> (i32, i32) {
    %c0_i32 = arith.constant 0 : i32
    %c0_i32_0 = arith.constant 0 : i32
    %c0_i32_1 = arith.constant 0 : i32
    return %c0_i32, %c0_i32_0 : i32, i32
  }
  func.func @transform_13(%arg0: i32) -> (i32, i32) {
    %c0_i32 = arith.constant 0 : i32
    %c0_i32_0 = arith.constant 0 : i32
    %c0_i32_1 = arith.constant 0 : i32
    return %c0_i32, %c0_i32_0 : i32, i32
  }
  func.func @transform_14(%arg0: i32) -> (i32, i32) {
    %c0_i32 = arith.constant 0 : i32
    %c0_i32_0 = arith.constant 0 : i32
    %c0_i32_1 = arith.constant 0 : i32
    return %c0_i32, %c0_i32_0 : i32, i32
  }
  func.func @transform_15(%arg0: i32) -> (i32, i32) {
    %c0_i32 = arith.constant 0 : i32
    %c0_i32_0 = arith.constant 0 : i32
    %c0_i32_1 = arith.constant 0 : i32
    return %c0_i32, %c0_i32_0 : i32, i32
  }
  func.func @transform_16(%arg0: i32) -> (i32, i32) {
    %c0_i32 = arith.constant 0 : i32
    %c0_i32_0 = arith.constant 0 : i32
    %c0_i32_1 = arith.constant 0 : i32
    return %c0_i32, %c0_i32_0 : i32, i32
  }
}

module attributes {stable_mosaic.version = 14 : i64} {
  func.func @_gg_body(%arg0: memref<2048x2000xf32, #tpu.memory_space<vmem>>, %arg1: memref<2048x1000xf32, #tpu.memory_space<vmem>>, %arg2: memref<2000x1000xf32, #tpu.memory_space<vmem>>, %arg3: memref<1x1xf32, #tpu.memory_space<vmem>>) attributes {dimension_semantics = [], scalar_prefetch = 0 : i64, scratch_operands = 0 : i64, tpu.core_type = #tpu.core_type<tc>} {
    %get3A = arith.constant 0 : index
    %get3A_0 = arith.constant 0 : index
    %get3A_1 = vector.load %arg1[%get3A, %get3A_0] : memref<2048x1000xf32, #tpu.memory_space<vmem>>, vector<2048x1000xf32>
    %reduce_sum3A = arith.constant dense<0.000000e+00> : vector<1000xf32>
    %reduce_sum3A_2 = vector.multi_reduction <add>, %get3A_1, %reduce_sum3A [0] : vector<2048x1000xf32> to vector<1000xf32>
    %broadcast_in_dim3A = vector.shape_cast %reduce_sum3A_2 : vector<1000xf32> to vector<1x1000xf32>
    %div3A = arith.constant 2.048000e+03 : f32
    %div3A_3 = vector.broadcast %div3A : f32 to vector<1x1000xf32>
    %div3A_4 = arith.divf %broadcast_in_dim3A, %div3A_3 : vector<1x1000xf32>
    %sub3A = vector.broadcast %div3A_4 : vector<1x1000xf32> to vector<2048x1000xf32>
    %sub3A_5 = arith.subf %get3A_1, %sub3A : vector<2048x1000xf32>
    %mul3A = arith.mulf %sub3A_5, %sub3A_5 : vector<2048x1000xf32>
    %reduce_sum3A_6 = arith.constant dense<0.000000e+00> : vector<1000xf32>
    %reduce_sum3A_7 = vector.multi_reduction <add>, %mul3A, %reduce_sum3A_6 [0] : vector<2048x1000xf32> to vector<1000xf32>
    %broadcast_in_dim3A_8 = vector.shape_cast %reduce_sum3A_7 : vector<1000xf32> to vector<1x1000xf32>
    %sqrt3A = math.sqrt %broadcast_in_dim3A_8 : vector<1x1000xf32>
    %add3A = arith.constant 9.99999996E-13 : f32
    %add3A_9 = vector.broadcast %add3A : f32 to vector<1x1000xf32>
    %add3A_10 = arith.addf %sqrt3A, %add3A_9 : vector<1x1000xf32>
    %div3A_11 = vector.broadcast %add3A_10 : vector<1x1000xf32> to vector<2048x1000xf32>
    %div3A_12 = arith.divf %sub3A_5, %div3A_11 : vector<2048x1000xf32>
    %get3A_13 = arith.constant 0 : index
    %get3A_14 = arith.constant 0 : index
    %get3A_15 = vector.load %arg0[%get3A_13, %get3A_14] : memref<2048x2000xf32, #tpu.memory_space<vmem>>, vector<2048x2000xf32>
    %reduce_sum3A_16 = arith.constant dense<0.000000e+00> : vector<2000xf32>
    %reduce_sum3A_17 = vector.multi_reduction <add>, %get3A_15, %reduce_sum3A_16 [0] : vector<2048x2000xf32> to vector<2000xf32>
    %broadcast_in_dim3A_18 = vector.shape_cast %reduce_sum3A_17 : vector<2000xf32> to vector<1x2000xf32>
    %div3A_19 = arith.constant 2.048000e+03 : f32
    %div3A_20 = vector.broadcast %div3A_19 : f32 to vector<1x2000xf32>
    %div3A_21 = arith.divf %broadcast_in_dim3A_18, %div3A_20 : vector<1x2000xf32>
    %sub3A_22 = vector.broadcast %div3A_21 : vector<1x2000xf32> to vector<2048x2000xf32>
    %sub3A_23 = arith.subf %get3A_15, %sub3A_22 : vector<2048x2000xf32>
    %mul3A_24 = arith.mulf %sub3A_23, %sub3A_23 : vector<2048x2000xf32>
    %reduce_sum3A_25 = arith.constant dense<0.000000e+00> : vector<2000xf32>
    %reduce_sum3A_26 = vector.multi_reduction <add>, %mul3A_24, %reduce_sum3A_25 [0] : vector<2048x2000xf32> to vector<2000xf32>
    %broadcast_in_dim3A_27 = vector.shape_cast %reduce_sum3A_26 : vector<2000xf32> to vector<1x2000xf32>
    %sqrt3A_28 = math.sqrt %broadcast_in_dim3A_27 : vector<1x2000xf32>
    %add3A_29 = arith.constant 9.99999996E-13 : f32
    %add3A_30 = vector.broadcast %add3A_29 : f32 to vector<1x2000xf32>
    %add3A_31 = arith.addf %sqrt3A_28, %add3A_30 : vector<1x2000xf32>
    %div3A_32 = vector.broadcast %add3A_31 : vector<1x2000xf32> to vector<2048x2000xf32>
    %div3A_33 = arith.divf %sub3A_23, %div3A_32 : vector<2048x2000xf32>
    %dot_general3A = arith.constant dense<0.000000e+00> : vector<2000x1000xf32>
    %dot_general3A_34 = tpu.matmul %div3A_33, %div3A_12, %dot_general3A {dimension_numbers = #tpu.dot_dimension_numbers<[0], [0], [1], [1], [0, 1, 1, 1], [], []>, transpose_lhs_hint = false} : vector<2048x2000xf32>, vector<2048x1000xf32>, vector<2000x1000xf32> -> vector<2000x1000xf32>
    %get3A_35 = arith.constant 0 : index
    %get3A_36 = arith.constant 0 : index
    %get3A_37 = vector.load %arg2[%get3A_35, %get3A_36] : memref<2000x1000xf32, #tpu.memory_space<vmem>>, vector<2000x1000xf32>
    %mul3A_38 = arith.mulf %dot_general3A_34, %dot_general3A_34 : vector<2000x1000xf32>
    %reduce_sum3A_39 = arith.constant dense<0.000000e+00> : vector<2000xf32>
    %reduce_sum3A_40 = vector.multi_reduction <add>, %mul3A_38, %reduce_sum3A_39 [1] : vector<2000x1000xf32> to vector<2000xf32>
    %broadcast_in_dim3A_41 = vector.shape_cast %reduce_sum3A_40 : vector<2000xf32> to vector<2000x1xf32>
    %sqrt3A_42 = math.sqrt %broadcast_in_dim3A_41 : vector<2000x1xf32>
    %add3A_43 = arith.constant 9.99999996E-13 : f32
    %add3A_44 = vector.broadcast %add3A_43 : f32 to vector<2000x1xf32>
    %add3A_45 = arith.addf %sqrt3A_42, %add3A_44 : vector<2000x1xf32>
    %mul3A_46 = arith.mulf %get3A_37, %get3A_37 : vector<2000x1000xf32>
    %reduce_sum3A_47 = arith.constant dense<0.000000e+00> : vector<2000xf32>
    %reduce_sum3A_48 = vector.multi_reduction <add>, %mul3A_46, %reduce_sum3A_47 [1] : vector<2000x1000xf32> to vector<2000xf32>
    %broadcast_in_dim3A_49 = vector.shape_cast %reduce_sum3A_48 : vector<2000xf32> to vector<2000x1xf32>
    %sqrt3A_50 = math.sqrt %broadcast_in_dim3A_49 : vector<2000x1xf32>
    %add3A_51 = arith.constant 9.99999996E-13 : f32
    %add3A_52 = vector.broadcast %add3A_51 : f32 to vector<2000x1xf32>
    %add3A_53 = arith.addf %sqrt3A_50, %add3A_52 : vector<2000x1xf32>
    %div3A_54 = vector.broadcast %add3A_45 : vector<2000x1xf32> to vector<2000x1000xf32>
    %div3A_55 = arith.divf %dot_general3A_34, %div3A_54 : vector<2000x1000xf32>
    %div3A_56 = vector.broadcast %add3A_53 : vector<2000x1xf32> to vector<2000x1000xf32>
    %div3A_57 = arith.divf %get3A_37, %div3A_56 : vector<2000x1000xf32>
    %mul3A_58 = arith.mulf %div3A_55, %div3A_57 : vector<2000x1000xf32>
    %reduce_sum3A_59 = arith.constant dense<0.000000e+00> : vector<2000xf32>
    %reduce_sum3A_60 = vector.multi_reduction <add>, %mul3A_58, %reduce_sum3A_59 [1] : vector<2000x1000xf32> to vector<2000xf32>
    %sub3A_61 = arith.constant 1.000000e+00 : f32
    %sub3A_62 = vector.broadcast %sub3A_61 : f32 to vector<2000xf32>
    %sub3A_63 = arith.subf %sub3A_62, %reduce_sum3A_60 : vector<2000xf32>
    %reduce_sum3A_64 = vector.shape_cast %sub3A_63 : vector<2000xf32> to vector<1x2000xf32>
    %reduce_sum3A_65 = arith.constant dense<0.000000e+00> : vector<1xf32>
    %reduce_sum3A_66 = vector.multi_reduction <add>, %reduce_sum3A_64, %reduce_sum3A_65 [1] : vector<1x2000xf32> to vector<1xf32>
    %reduce_sum3A_67 = vector.shape_cast %reduce_sum3A_66 : vector<1xf32> to vector<1x1xf32>
    %reduce_sum3A_68 = vector.extract %reduce_sum3A_67[0, 0] : f32 from vector<1x1xf32>
    %reshape3A = vector.broadcast %reduce_sum3A_68 : f32 to vector<1x1xf32>
    %swap3A = arith.constant 0 : index
    %swap3A_69 = arith.constant 0 : index
    %swap3A_70 = vector.load %arg3[%swap3A, %swap3A_69] : memref<1x1xf32, #tpu.memory_space<vmem>>, vector<1x1xf32>
    tpu.vector_store %arg3[%swap3A, %swap3A_69], %reshape3A {strides = array<i32>} : memref<1x1xf32, #tpu.memory_space<vmem>>, vector<1x1xf32>,
    return
  }
}

</mosaic_0001>

<sc_bundles>
// kernel: kernel.10.cloned.1.call-start
scs
__scs_entry_jumppad:
0x0: {  	(pc) =	sbr.rel $0x88, $3  }
0x1: {  	(tag) =	ssettag $0x0;
	lr =	simm.s32 $0x1  }
0x2: {  	[smem:$0x3F84] =	sst lr;
	_ =	strace $0xD0000000  }
0x3: {  	_ = 	snop  }
0x4: {  	_ = 	snop  }
0x5: {  	_ = 	snop  }
0x6: {  	_ = 	snop  }
0x7: {  	_ = 	snop  }
__scs_overlays_trampoline_lowered:
0x8: {  	[smem:$0x3F93] =	sst s0  }
0x9: {  	[smem:$0x3F94] =	sst s1  }
0xa: {  	[smem:$0x3F95] =	sst s2  }
0xb: {  	[smem:$0x3F96] =	sst s3  }
0xc: {  	[smem:$0x3F97] =	sst s4  }
0xd: {  	[smem:$0x3F98] =	sst s5  }
0xe: {  	[smem:$0x3F99] =	sst s6  }
0xf: {  	[smem:$0x3F9A] =	sst s7  }
0x10: {  	[smem:$0x3F9B] =	sst s8  }
0x11: {  	[smem:$0x3F9C] =	sst s9;
	s0 =	simm.s32 @!p0 $0x0  }
0x12: {  	s1 =	sld [smem:$0x3F82];
	s0 =	simm.s32 @p0 $0x1  }
0x13: {  	[smem:$0x3F9D] =	sst s0;
	s0 =	simm.s32 @!p1 $0x0  }
0x14: {  	s2 =	sld [smem:$0x3F81];
	s0 =	simm.s32 @p1 $0x1  }
0x15: {  	[smem:$0x3F9E] =	sst s0;
	s0 =	simm.s32 @!p2 $0x0  }
0x16: {  	s3 =	sld [smem:$0x3FDB];
	s0 =	simm.s32 @p2 $0x1  }
0x17: {  	s4 =	simm.s32 $0x1BF5;
	[smem:$0x3FA0] =	sst s0  }
0x18: {  	s0 =	sld [smem:$0x3F83];
	_ =	swait.ge [sflag:s4], $0x0  }
0x19: {  	s7 =	sld [smem:$0x3F84]  }
0x1a: {  	s8 =	sadd.s32 $0xFFFFE003, lr  }
0x1b: {  	s9 =	sadd.s32 $0xFFFFFEF7, lr;
	s5 =	simm.s32 $0xFFFFFFFF;
	p2 =	slt.u32 s8, $0xFFFFF086  }
0x1c: {  	p1 =	slt.u32 s9, $0xF7A;
	s5 =	simm.s32 @!p2 $0x0  }
0x1d: {  	s5 =	simm.s32 @p1 $0x1;
	p0 =	seq.s32 s7, s2  }
0x1e: {  	s7 =	smul.u32 @!p0 $0xF7A, s2;
	p2 =	seq.s32 @!p0 s5, $0x0  }
0x1f: {  	s9 =	smul.u32 $0xF7A, s1;
	s8 =	simm.s32 @!p0 $0x1BF5;
	p2 =	por !p2, p0  }
0x20: {  	[sflag:s8] =	ssyncset.s32 @!p0 $0xFFFFF086;
	s6 =	sadd.s32 @!p0 s3, s7;
	s7 =	simm.s32 @!p0 $0x108  }
0x21: {  	s3 =	sadd.s32 s3, s9;
	s6 =	sadd.s32 @!p0 $0x88, s6;
	s7 =	simm.s32 @p2 $0x1082  }
0x22: {  	[simem:s7], [sflag:s8] =	dma.local @!p0 [hbm:s6], $0xF7A  }
0x23: {  	s9 =	sor.u32 $0xD0000000, s2;
	s6 =	simm.s32 $0x108;
	_ =	swait.ge @!p0 [sflag:s8], $0x0  }
0x24: {  	s3 =	sadd.s32 $0x88, s3;
	s6 =	simm.s32 @!p1 $0x1082;
	[sflag:s4] =	ssyncset.s32 $0xFFFFF086  }
0x25: {  	[simem:s6], [sflag:s4] =	dma.local [hbm:s3], $0xF7A  }
0x26: {  	[smem:$0x3F84] =	sst s1;
	(tag) =	ssettag s2;
	_ =	strace s9  }
0x27: {  	s1 =	sld [smem:$0x3F94]  }
0x28: {  	s2 =	sld [smem:$0x3F95]  }
0x29: {  	s4 =	sld [smem:$0x3F97]  }
0x2a: {  	p0 =	seq.s32 s5, $0x0;
	s5 =	sld [smem:$0x3F98]  }
0x2b: {  	s6 =	sld [smem:$0x3F99]  }
0x2c: {  	s7 =	sld [smem:$0x3F9A]  }
0x2d: {  	s3 =	simm.s32 $0x108;
	s8 =	sld [smem:$0x3F9B]  }
0x2e: {  	s3 =	simm.s32 @!p0 $0x1082;
	s9 =	sld [smem:$0x3F9C]  }
0x2f: {  	lr =	sadd.s32 s0, s3;
	s0 =	sld [smem:$0x3F93]  }
0x30: {  	s3 =	sld [smem:$0x3F96]  }
0x31: {  	[smem:$0x3F9F] =	sst s10  }
0x32: {  	s10 =	sld [smem:$0x3F9D];
	_ =	sdelay $0x3  }
0x33: {  	p0 =	seq.s32 s10, $0x1;
	s10 =	sld [smem:$0x3F9F];
	_ =	sdelay $0x3  }
0x34: {  	[smem:$0x3F9F] =	sst s10  }
0x35: {  	s10 =	sld [smem:$0x3F9E];
	_ =	sdelay $0x3  }
0x36: {  	p1 =	seq.s32 s10, $0x1;
	s10 =	sld [smem:$0x3F9F];
	_ =	sdelay $0x3  }
0x37: {  	[smem:$0x3F9F] =	sst s10  }
0x38: {  	s10 =	sld [smem:$0x3FA0]  }
0x39: {  	_ = 	snop;
	(pc) =	sbr.ind lr, $3  }
0x3a: {  	_ = 	snop  }
0x3b: {  	_ = 	snop  }
0x3c: {  	p2 =	seq.s32 s10, $0x1;
	s10 =	sld [smem:$0x3F9F]  }
0x3d: {  	_ =	shalt  }
0x3e: {  	_ =	shalt  }
0x3f: {  	_ =	shalt  }
0x40: {  	_ =	shalt  }
0x41: {  	_ =	shalt  }
0x42: {  	_ =	shalt  }
0x43: {  	_ =	shalt  }
0x44: {  	_ =	shalt  }
0x45: {  	_ =	shalt  }
0x46: {  	_ =	shalt  }
0x47: {  	_ =	shalt  }
0x48: {  	_ =	shalt  }
0x49: {  	_ =	shalt  }
0x4a: {  	_ =	shalt  }
0x4b: {  	_ =	shalt  }
0x4c: {  	_ =	shalt  }
0x4d: {  	_ =	shalt  }
0x4e: {  	_ =	shalt  }
0x4f: {  	_ =	shalt  }
0x50: {  	_ =	shalt  }
0x51: {  	_ =	shalt  }
0x52: {  	_ =	shalt  }
0x53: {  	_ =	shalt  }
0x54: {  	_ =	shalt  }
0x55: {  	_ =	shalt  }
0x56: {  	_ =	shalt  }
0x57: {  	_ =	shalt  }
0x58: {  	_ =	shalt  }
0x59: {  	_ =	shalt  }
0x5a: {  	_ =	shalt  }
0x5b: {  	_ =	shalt  }
0x5c: {  	_ =	shalt  }
0x5d: {  	_ =	shalt  }
0x5e: {  	_ =	shalt  }
0x5f: {  	_ =	shalt  }
0x60: {  	_ =	shalt  }
0x61: {  	_ =	shalt  }
0x62: {  	_ =	shalt  }
0x63: {  	_ =	shalt  }
0x64: {  	_ =	shalt  }
0x65: {  	_ =	shalt  }
0x66: {  	_ =	shalt  }
0x67: {  	_ =	shalt  }
0x68: {  	_ =	shalt  }
0x69: {  	_ =	shalt  }
0x6a: {  	_ =	shalt  }
0x6b: {  	_ =	shalt  }
0x6c: {  	_ =	shalt  }
0x6d: {  	_ =	shalt  }
0x6e: {  	_ =	shalt  }
0x6f: {  	_ =	shalt  }
0x70: {  	_ =	shalt  }
0x71: {  	_ =	shalt  }
0x72: {  	_ =	shalt  }
0x73: {  	_ =	shalt  }
0x74: {  	_ =	shalt  }
0x75: {  	_ =	shalt  }
0x76: {  	_ =	shalt  }
0x77: {  	_ =	shalt  }
0x78: {  	_ =	shalt  }
0x79: {  	_ =	shalt  }
0x7a: {  	_ =	shalt  }
0x7b: {  	_ =	shalt  }
0x7c: {  	_ =	shalt  }
0x7d: {  	_ =	shalt  }
0x7e: {  	_ =	shalt  }
0x7f: {  	_ =	shalt  }
0x80: {  	_ =	shalt  }
0x81: {  	_ =	shalt  }
0x82: {  	_ =	shalt  }
0x83: {  	_ =	shalt  }
0x84: {  	_ =	shalt  }
0x85: {  	_ =	shalt  }
0x86: {  	_ =	shalt  }
0x87: {  	_ =	shalt  }
.Lfunc_end0:
.L_simem_size_0:
called_computation_lowered:
.L_overlay_start_0:
0x88: {  	s2 =	sld [smem:$0x3FD9]  }
0x89: {  	s3 =	sld [smem:$0x3FFE];
	_ =	sdelay $0x1  }
0x8a: {  	s1 =	srdreg.scid  }
0x8b: {  	s0 =	sand.u32 $0x1, s1  }
0x8c: {  	s16 =	sshll.u32 s0, $0xA;
	s2 =	sadd.s32 s3, s2  }
0x8d: {  	s2 =	sadd.s32 s2, s16  }
0x8e: {  	[smem:$0x3FAB] =	sst s2  }
0x8f: {  	_ = 	snop  }
0x90: {  	(tm) =	ssettm $0x1  }
0x91: {  	s17 =	sld [smem:$0x3FFB];
	_ =	sdelay $0x3  }
0x92: {  	_ =	strace s17  }
0x93: {  	s2 =	sld [smem:$0x3FFC];
	_ =	sdelay $0x3  }
0x94: {  	_ =	strace s2  }
0x95: {  	s2 =	sld [smem:$0x3FFD];
	_ =	sdelay $0x3  }
0x96: {  	_ =	strace s2  }
0x97: {  	_ =	strace $0x8FFFFFFF  }
0x98: {  	s18 =	sld [smem:$0x3FDB];
	_ =	sdelay $0x1  }
0x99: {  	s19 =	simm.s32 $_scs_section_size  }
0x9a: {  	s4 =	simm.s32 $_size__tile_overlayer_lowered;
	s5 =	simm.s32 $_tile_overlayer_lowered  }
0x9b: {  	s22 =	simm.s32 $0x1BFF;
	s21 =	sshll.u32 s5, $0x1;
	s2 =	sadd.s32 s19, s18  }
0x9c: {  	s6 =	simm.s32 $0x0;
	s20 =	sshll.u32 s4, $0x1;
	s4 =	sadd.s32 s21, s2  }
0x9d: {  	[timem:s6], [sflag:s22] =	dma.local [hbm:s4], s20  }
0x9e: {  	_ =	swait.ge [sflag:s22], s20  }
0x9f: {  	s3 =	ssub.s32 $0x0, s20;
	[sflag:s22] =	ssyncset.done $0x0  }
0xa0: {  	[sflag:s22] =	ssyncadd.s32 s3;
	_ =	sdelay $0x1  }
0xa1: {  	s23 =	simm.s32 $0x1B8B  }
0xa2: {  	_ =	swait.ge [sflag:s23], $0x1  }
0xa3: {  	[sflag:s23] =	ssyncset.done $0x0  }
0xa4: {  	s25 =	simm.s32 $0x1B8E;
	s24 =	sld [smem:$0x3FFE];
	[sflag:s23] =	ssyncadd.s32 $0xFFFFFFFF  }
0xa5: {  	s26 =	simm.s32 $execute0_lowered;
	[smem:$0x3FD2] =	sst s25  }
0xa6: {  	s4 =	sshll.u32 s26, $0x1;
	_ =	strace $0x80000046;
	[dreg:$0x1] =	wrdreg $0xFFFFFFFF  }
0xa7: {  	s28 =	simm.s32 $_size_execute0_lowered;
	s2 =	sadd.s32 s2, s4;
	[dreg:$0x0] =	wrdreg $0x0  }
0xa8: {  	s4 =	sshll.u32 s28, $0x1;
	[dreg:$0x2] =	wrdreg s2  }
0xa9: {  	[dreg:$0x3] =	wrdreg s4  }
0xaa: {  	[dreg:$0x4] =	wrdreg $0xC0  }
0xab: {  	_ =	task [dreg:s6], $0x5FFFF  }
0xac: {  	[dreg:$0x1] =	wrdreg $0xFFFFFFFF  }
0xad: {  	[dreg:$0x0] =	wrdreg $0x60  }
0xae: {  	[dreg:$0x2] =	wrdreg s24  }
0xaf: {  	[dreg:$0x3] =	wrdreg $0x122800  }
0xb0: {  	[dreg:$0x4] =	wrdreg $0x9  }
0xb1: {  	_ =	task.clear_ibuf [dreg:s6], $0x5FFFF;
	_ =	strace $0x90000046  }
0xb2: {  	s29 =	simm.s32 $0x9;
	_ =	strace $0x80000048  }
0xb3: {  	_ =	swait.ge [sflag:s29], $0x1  }
0xb4: {  	[sflag:s29] =	ssyncadd.s32 $0xFFFFFFFF  }
0xb5: {  	_ =	strace $0x90000048  }
0xb6: {  	_ =	sfence  }
0xb7: {  	s30 =	sld [smem:$0x0];
	_ =	sdelay $0x2  }
0xb8: {  	s31 =	sshll.u32 s1, $0xD;
	s1 =	sshrl.u32 s1, $0x2  }
0xb9: {  	s3 =	sand.u32 $0x4000, s31;
	s1 =	sadd.s32 s1, s30  }
0xba: {  	s0 =	sor.u32 s3, s0;
	s1 =	sshll.u32 s1, $0x11  }
0xbb: {  	s0 =	sor.u32 s1, s0  }
0xbc: {  	s0 =	sadd.s32 $0x8F2B, s0  }
0xbd: {  	[sflag:s0] =	ssyncadd.remote.s32 $0x1  }
0xbe: {  	_ =	sfence.sel $0xFFFF  }
0xbf: {  	[dreg:$0x0] =	wrdreg $0xFFFFFFFF;
	(pc) =	sbr.abs _section_cstart, $3  }
0xc0: {  	[dreg:$0x1] =	wrdreg $0xFFFFFFFF  }
0xc1: {  	_ =	task.clear_ibuf [dreg:s6], $0x2FFFF;
	_ =	strace $0x9FFFFFFF  }
0xc2: {  	(tm) =	ssettm $0x7FFFFFFF  }
0xc3: {  	_ =	shalt  }
tec
execute0_lowered:
.L_overlay_start_1:
0x0: {  	(tag) =	ssettag $0x1  }
0x1: {  	s0 =	rddreg [dreg:$0x0]  }
0x2: {  	s11 =	rddreg [dreg:$0x1];
	s2 =	simm.s32 $0x0;
	s19 =	srdreg.scid  }
0x3: {  	s12 =	stileid.u32;
	s17 =	simm.s32 $0x1;
	s28 =	simm.s32 $0xA280  }
0x4: {  	s18 =	simm.s32 $0xDA80;
	[smem:$0x7FF] =	sst s2;
	s1 =	sadd.s32 $0x83600, s0  }
0x5: {  	s3 =	sadd.s32 $0x83C00, s0;
	s4 =	sadd.s32 $0x83200, s0;
	s5 =	sadd.s32 $0x83400, s0  }
0x6: {  	v0 =	vimm.s32 $0x4380;
	vm0 =	vcmask $0x300;
	s6 =	sadd.s32 $0x97200, s0;
	s20 =	sadd.s32 $0x84200, s0;
	s9 =	smul.u32 $0x60, s12  }
0x7: {  	v0 =	vsel vm0, $0x0, v0;
	vm0 =	vcmask $0x704;
	s8 =	sadd.s32 $0xD7200, s0;
	_ =	strace $0x80000047;
	[dreg:$0x3] =	wrdreg s4  }
0x8: {  	s23 =	sshll.u32 s12, $0xB;
	s25 =	sshll.u32 s12, $0x7;
	[dreg:$0x4] =	wrdreg s5;
	v0 =	vsel vm0, $0x80, v0;
	vm0 =	vcmask $0xB08  }
0x9: {  	s15 =	sadd.s32 $0x97300, s0;
	s4 =	sand.u32 $0x1, s19;
	[dreg:$0x5] =	wrdreg s20;
	v0 =	vsel vm0, $0x100, v0;
	vm0 =	vcmask $0xF0C  }
0xa: {  	s19 =	simm.s32 $0x600;
	s20 =	simm.s32 $0xE00;
	s21 =	ssub.s32 $0x2, s4;
	v0 =	vsel vm0, $0x180, v0;
	vm0 =	vcmask $0x1310  }
0xb: {  	s4 =	sshll.u32 s4, $0x4;
	s22 =	sadd.s32 s1, s9;
	s24 =	sadd.s32 s3, s9;
	v0 =	vsel vm0, $0x200, v0;
	vm0 =	vcmask $0x1714  }
0xc: {  	s9 =	simm.s32 $0x11A80;
	s7 =	sshrl.u32 s21, $0x1;
	[dreg:$0x6] =	wrdreg s22;
	v0 =	vsel vm0, $0x280, v0;
	vm0 =	vcmask $0x1B18  }
0xd: {  	s4 =	sor.u32 s12, s4;
	[dreg:$0x7] =	wrdreg s24;
	s22 =	simm.s32 $0xEA80;
	v0 =	vsel vm0, $0x300, v0;
	vm0 =	vcmask $0x1F1C  }
0xe: {  	s24 =	simm.s32 $0xF280;
	s5 =	ssub.s32 s21, s7;
	s10 =	smul.u32 $0x180, s4;
	v0 =	vsel vm0, $0x380, v0;
	vm0 =	vcmask $0x2320  }
0xf: {  	s4 =	sand.u32 $0x4000, s23;
	s7 =	sand.u32 $0x380, s25;
	s23 =	simm.s32 $0x1600;
	v0 =	vsel vm0, $0x4000, v0;
	vm0 =	vcmask $0x2724  }
0x10: {  	s21 =	simm.s32 $0xE280;
	s25 =	simm.s32 $0xFA80;
	s4 =	sadd.s32 s4, s11;
	v0 =	vsel vm0, $0x4080, v0;
	vm0 =	vcmask $0x2B28  }
0x11: {  	v3 =	vlaneseq.u32;
	s31 =	smax.u32 s5, $0x1;
	s5 =	simm.s32 $0x10A80;
	s11 =	simm.s32 $0xA100;
	v0 =	vsel vm0, $0x4100, v0;
	vm0 =	vcmask $0x2F2C  }
0x12: {  	v1 =	vand.u32 $0x7, v3;
	s26 =	sshrl.u32 s10, $0x3;
	s30 =	sadd.s32 s7, s4;
	[dreg:$0xb] =	wrdreg s31;
	v0 =	vsel vm0, $0x4180, v0;
	vm0 =	vcmask $0x3330  }
0x13: {  	v2 =	vshrl.u32 v3, $0x3;
	s7 =	simm.s32 $0x11280;
	s1 =	sadd.s32 s1, s26;
	[dreg:$0xa] =	wrdreg s30;
	v0 =	vsel vm0, $0x4200, v0;
	vm0 =	vcmask $0x3734  }
0x14: {  	v3 =	vor.u32 $0x8, v3;
	s29 =	sadd.s32 s3, s26;
	s26 =	simm.s32 $0x9600;
	[dreg:$0x8] =	wrdreg s1;
	v0 =	vsel vm0, $0x4280, v0;
	vm0 =	vcmask $0x3B38  }
0x15: {  	v2 =	vmul.u32 $0x8, v2;
	s3 =	simm.s32 $0x10280;
	[dreg:$0x9] =	wrdreg s29;
	s1 =	simm.s32 $0x0;
	v0 =	vsel vm0, $0x4300, v0;
	vm0 =	vmmov $0xffff  }
.LBB2_1:
0x16: {  	[dreg:$0xc] =	wrdreg s1  }
0x17: {  	s0 =	rddreg [dreg:$0x6]  }
0x18: {  	[tilespmem:s2], [sflag:$0x1] =	stream.linear.gather [hbm4b:s0+s2], $0x300, $0x38;
	[tilespmem:$0x12A80] =	vst v63  }
0x19: {  	_ =	swait.ge [sflag:s17], $0x300  }
0x1a: {  	[sflag:s17] =	ssyncset.done $0x0  }
0x1b: {  	s4 =	simm.s32 $0x300;
	s1 =	rddreg [dreg:$0x7];
	[sflag:s17] =	ssyncadd.s32 $0xFFFFFD00  }
0x1c: {  	[tilespmem:s4], [sflag:$0x1] =	stream.linear.gather [hbm4b:s1+s2], $0x300, $0x38;
	[tilespmem:$0x12A80] =	vst v63  }
0x1d: {  	_ =	swait.ge [sflag:s17], $0x300  }
0x1e: {  	[sflag:s17] =	ssyncset.done $0x0  }
0x1f: {  	s12 =	rddreg [dreg:$0x3];
	[sflag:s17] =	ssyncadd.s32 $0xFFFFFD00  }
0x20: {  	[tilespmem:s19], [sflag:$0x1] =	stream.linear.gather [hbm4b:s12+s2], $0x800, $0x38;
	[tilespmem:$0x12A80] =	vst v63  }
0x21: {  	_ =	swait.ge [sflag:s17], $0x800  }
0x22: {  	[sflag:s17] =	ssyncset.done $0x0  }
0x23: {  	s13 =	rddreg [dreg:$0x4];
	[sflag:s17] =	ssyncadd.s32 $0xFFFFF800  }
0x24: {  	[tilespmem:s20], [sflag:$0x1] =	stream.linear.gather [hbm4b:s13+s2], $0x800, $0x38;
	[tilespmem:$0x12A80] =	vst v63  }
0x25: {  	_ =	swait.ge [sflag:s17], $0x800  }
0x26: {  	[sflag:s17] =	ssyncset.done $0x0  }
0x27: {  	s16 =	simm.s32 $0x9E00;
	s14 =	rddreg [dreg:$0x8];
	[sflag:s17] =	ssyncadd.s32 $0xFFFFF800  }
0x28: {  	[tilespmem:s16], [sflag:$0x1] =	stream.linear.gather [hbm4b:s14+s2], $0x180, $0x38;
	[tilespmem:$0x12A80] =	vst v63  }
0x29: {  	_ =	swait.ge [sflag:s17], $0x180  }
0x2a: {  	[sflag:s17] =	ssyncset.done $0x0  }
0x2b: {  	s30 =	simm.s32 $0x9F80;
	s29 =	rddreg [dreg:$0x9];
	[sflag:s17] =	ssyncadd.s32 $0xFFFFFE80  }
0x2c: {  	[tilespmem:s30], [sflag:$0x1] =	stream.linear.gather [hbm4b:s29+s2], $0x180, $0x38;
	[tilespmem:$0x12A80] =	vst v63  }
0x2d: {  	_ =	swait.ge [sflag:s17], $0x180  }
0x2e: {  	[sflag:s17] =	ssyncset.done $0x0  }
0x2f: {  	s31 =	rddreg [dreg:$0x5];
	[sflag:s17] =	ssyncadd.s32 $0xFFFFFE80  }
0x30: {  	[tilespmem:s23], [sflag:$0x1] =	stream.linear.gather [hbm4b:s31+s2], $0x8000, $0x38;
	[tilespmem:$0x12A80] =	vst v63  }
0x31: {  	_ =	swait.ge [sflag:s17], $0x8000  }
0x32: {  	[sflag:s17] =	ssyncset.done $0x0  }
0x33: {  	s0 =	simm.s32 $0x0;
	[sflag:s17] =	ssyncadd.s32 $0xFFFF8000  }
.LBB2_2:
0x34: {  	s4 =	sshra.s32 s0, $0x2  }
0x35: {  	v4 =	vld [tilespmem:s4+$0x0]  }
0x36: {  	v5 =	vld [tilespmem:s4+$0x300];
	_ =	sdelay $0x6  }
0x37: {  	v4 =	vld.idx.msk [tilespmem:v4+s19+$0x0], $0xffff  }
0x38: {  	v6 =	vld.idx.msk [tilespmem:v5+s20+$0x0], $0xffff;
	_ =	sdelay $0x4  }
0x39: {  	v4 =	vadd.f32 v6, v4;
	_ =	sdelay $0x1  }
0x3a: {  	v6 =	vmul.f32 $2.000000030e-01, v4  }
0x3b: {  	vm1 =	vge.f32 v4, $0.0e+00  }
0x3c: {  	v62 =	vshll.u32 v5, $0x3;
	v4 =	vsel vm1, v4, v6  }
0x3d: {  	v5 =	vand.u32 $0x7F, v5;
	v6 =	vand.u32 $0xFFFFFC00, v62;
	v4 =	vmul.f32 $1.442695020e+00, v4  }
0x3e: {  	v5 =	vor.u32 v5, v6  }
0x3f: {  	(erf) = vpow2.f32 v4;
	v4 =	vadd.s32 v0, v5;
	_ =	sdelay $0x4  }
0x40: {  	v5 =	vld.idx.msk [tilespmem:v4+s23+$0x0], $0xffff;
	_ =	sdelay $0x1  }
0x41: {  	p0 =	sne.s32 s0, $0xBC0  }
.Ltmp0:
0x42: {  	_ = 	snop;
	(pc) =	sbr.rel @p0 .LBB2_2-.Ltmp0, $3  }
0x43: {  	v63 =	vpop (erf)  }
0x44: {  	v5 =	vadd.f32 v63, v5;
	_ =	sdelay $0x1  }
0x45: {  	s0 =	sadd.s32 $0x40, s0;
	[tilespmem:v4+s23+$0x0] =	vst.idx.msk $0xffff, v5  }
0x46: {  	s0 =	simm.s32 $0x0  }
0x47: {  	s4 =	sand.u32 $0x70, s0;
	s0 =	sand.u32 $0x3C00, s0  }
0x48: {  	s0 =	sor.u32 s4, s0  }
0x49: {  	v4 =	vld [tilespmem:s0+$0x1680]  }
0x4a: {  	v5 =	vld [tilespmem:s0+$0x1600];
	_ =	sdelay $0x1  }
0x4b: {  	v6 =	vld [tilespmem:s0+$0x1700];
	_ =	sdelay $0x1  }
0x4c: {  	v7 =	vld [tilespmem:s0+$0x1780]  }
0x4d: {  	v4 =	vadd.f32 v4, v5  }
0x4e: {  	v5 =	vld [tilespmem:s0+$0x1800]  }
0x4f: {  	v4 =	vadd.f32 v6, v4  }
0x50: {  	v56 =	vld [tilespmem:s0+$0x1880]  }
0x51: {  	v4 =	vadd.f32 v7, v4  }
0x52: {  	v57 =	vld [tilespmem:s0+$0x1900]  }
0x53: {  	v4 =	vadd.f32 v5, v4  }
0x54: {  	v5 =	vld [tilespmem:s0+$0x1980]  }
0x55: {  	v4 =	vadd.f32 v56, v4  }
0x56: {  	v58 =	vld [tilespmem:s0+$0x5600]  }
0x57: {  	v4 =	vadd.f32 v57, v4  }
0x58: {  	v59 =	vld [tilespmem:s0+$0x5680]  }
0x59: {  	v4 =	vadd.f32 v5, v4  }
0x5a: {  	v5 =	vld [tilespmem:s0+$0x5700]  }
0x5b: {  	v4 =	vadd.f32 v58, v4  }
0x5c: {  	v60 =	vld [tilespmem:s0+$0x5780]  }
0x5d: {  	v4 =	vadd.f32 v59, v4  }
0x5e: {  	v61 =	vld [tilespmem:s0+$0x5800]  }
0x5f: {  	v4 =	vadd.f32 v5, v4  }
0x60: {  	v5 =	vld [tilespmem:s0+$0x5880]  }
0x61: {  	v4 =	vadd.f32 v60, v4  }
0x62: {  	v62 =	vld [tilespmem:s0+$0x5900]  }
0x63: {  	v4 =	vadd.f32 v61, v4  }
0x64: {  	v63 =	vld [tilespmem:s0+$0x5980]  }
0x65: {  	v4 =	vadd.f32 v5, v4;
	_ =	sdelay $0x1  }
0x66: {  	v4 =	vadd.f32 v62, v4;
	_ =	sdelay $0x1  }
0x67: {  	s31 =	simm.s32 $0x10;
	s13 =	simm.s32 $0x80;
	v4 =	vadd.f32 v63, v4  }
0x68: {  	s12 =	sand.u32 $0x3C00, s13;
	s4 =	sand.u32 $0x70, s31;
	s0 =	simm.s32 $0x9600  }
0x69: {  	s14 =	simm.s32 $0x20;
	s12 =	sor.u32 s4, s12;
	[tilespmem:s0+$0x0] =	vst v4  }
.LBB2_4:
0x6a: {  	p0 =	sne.s32 s14, $0x7F0;
	v4 =	vld [tilespmem:s12+$0x1680]  }
0x6b: {  	v5 =	vld [tilespmem:s12+$0x1600];
	_ =	sdelay $0x1  }
0x6c: {  	v6 =	vld [tilespmem:s12+$0x1700];
	_ =	sdelay $0x1  }
0x6d: {  	v7 =	vld [tilespmem:s12+$0x1780]  }
0x6e: {  	v4 =	vadd.f32 v4, v5  }
0x6f: {  	v5 =	vld [tilespmem:s12+$0x1800]  }
0x70: {  	v4 =	vadd.f32 v6, v4  }
0x71: {  	v6 =	vld [tilespmem:s12+$0x1880]  }
0x72: {  	v4 =	vadd.f32 v7, v4  }
0x73: {  	v7 =	vld [tilespmem:s12+$0x1900]  }
0x74: {  	v4 =	vadd.f32 v5, v4  }
0x75: {  	v5 =	vld [tilespmem:s12+$0x1980]  }
0x76: {  	v4 =	vadd.f32 v6, v4  }
0x77: {  	v6 =	vld [tilespmem:s12+$0x5600]  }
0x78: {  	v4 =	vadd.f32 v7, v4  }
0x79: {  	v7 =	vld [tilespmem:s12+$0x5680]  }
0x7a: {  	v4 =	vadd.f32 v5, v4  }
0x7b: {  	v5 =	vld [tilespmem:s12+$0x5700]  }
0x7c: {  	v4 =	vadd.f32 v6, v4  }
0x7d: {  	v6 =	vld [tilespmem:s12+$0x5780]  }
0x7e: {  	v4 =	vadd.f32 v7, v4  }
0x7f: {  	v7 =	vld [tilespmem:s12+$0x5800]  }
0x80: {  	v4 =	vadd.f32 v5, v4  }
0x81: {  	v5 =	vld [tilespmem:s12+$0x5880]  }
0x82: {  	v4 =	vadd.f32 v6, v4  }
0x83: {  	v6 =	vld [tilespmem:s12+$0x5900]  }
0x84: {  	v4 =	vadd.f32 v7, v4  }
0x85: {  	v7 =	vld [tilespmem:s12+$0x5980]  }
0x86: {  	v4 =	vadd.f32 v5, v4;
	_ =	sdelay $0x1  }
.Ltmp1:
0x87: {  	v4 =	vadd.f32 v6, v4;
	(pc) =	sbr.rel @p0 .LBB2_4-.Ltmp1, $4  }
0x88: {  	_ = 	snop  }
0x89: {  	s13 =	sadd.s32 $0x80, s13;
	v4 =	vadd.f32 v7, v4  }
0x8a: {  	s4 =	sand.u32 $0x70, s14;
	s0 =	sadd.s32 $0x10, s0;
	s12 =	sand.u32 $0x3C00, s13  }
0x8b: {  	s14 =	sadd.s32 $0x10, s14;
	s12 =	sor.u32 s4, s12;
	[tilespmem:s0+$0x0] =	vst v4  }
0x8c: {  	v4 =	vld [tilespmem:s12+$0x1680]  }
0x8d: {  	v5 =	vld [tilespmem:s12+$0x1600];
	_ =	sdelay $0x1  }
0x8e: {  	v6 =	vld [tilespmem:s12+$0x1700];
	_ =	sdelay $0x1  }
0x8f: {  	v7 =	vld [tilespmem:s12+$0x1780]  }
0x90: {  	v4 =	vadd.f32 v4, v5  }
0x91: {  	v5 =	vld [tilespmem:s12+$0x1800]  }
0x92: {  	v4 =	vadd.f32 v6, v4  }
0x93: {  	v46 =	vld [tilespmem:s12+$0x1880]  }
0x94: {  	v4 =	vadd.f32 v7, v4  }
0x95: {  	v47 =	vld [tilespmem:s12+$0x1900]  }
0x96: {  	v4 =	vadd.f32 v5, v4  }
0x97: {  	v5 =	vld [tilespmem:s12+$0x1980]  }
0x98: {  	v4 =	vadd.f32 v46, v4  }
0x99: {  	v48 =	vld [tilespmem:s12+$0x5600]  }
0x9a: {  	v4 =	vadd.f32 v47, v4  }
0x9b: {  	v49 =	vld [tilespmem:s12+$0x5680]  }
0x9c: {  	v4 =	vadd.f32 v5, v4  }
0x9d: {  	v5 =	vld [tilespmem:s12+$0x5700]  }
0x9e: {  	v4 =	vadd.f32 v48, v4  }
0x9f: {  	v50 =	vld [tilespmem:s12+$0x5780]  }
0xa0: {  	v4 =	vadd.f32 v49, v4  }
0xa1: {  	v51 =	vld [tilespmem:s12+$0x5800]  }
0xa2: {  	v4 =	vadd.f32 v5, v4  }
0xa3: {  	v5 =	vld [tilespmem:s12+$0x5880]  }
0xa4: {  	v4 =	vadd.f32 v50, v4  }
0xa5: {  	v52 =	vld [tilespmem:s12+$0x5900]  }
0xa6: {  	v4 =	vadd.f32 v51, v4  }
0xa7: {  	v53 =	vld [tilespmem:s12+$0x5980]  }
0xa8: {  	v4 =	vadd.f32 v5, v4;
	_ =	sdelay $0x1  }
0xa9: {  	v4 =	vadd.f32 v52, v4;
	_ =	sdelay $0x1  }
0xaa: {  	v4 =	vadd.f32 v53, v4  }
0xab: {  	s0 =	sadd.s32 $0x10, s0;
	s13 =	rddreg [dreg:$0xa]  }
0xac: {  	s1 =	simm.s32 $0x80;
	s4 =	simm.s32 $0x400;
	s12 =	simm.s32 $0x9600;
	[tilespmem:s0+$0x0] =	vst v4  }
0xad: {  	[spmem:s13] =	stream.strided.scatter [tilespmem:s12], [sflag:$0x1], $0x800, s4, s1, $0x38;
	[tilespmem:$0x12A80] =	vst v63  }
0xae: {  	_ =	swait.ge [sflag:s17], $0x800  }
0xaf: {  	[sflag:s17] =	ssyncset.done $0x0  }
0xb0: {  	[sflag:s17] =	ssyncadd.s32 $0xFFFFF800  }
0xb1: {  	[bflag:$0x0] =	sbarrier.arrive $0xFFFF  }
0xb2: {  	s14 =	rddreg [dreg:$0x1]  }
0xb3: {  	[tilespmem:s23], [sflag:$0x1] =	stream.linear.gather [spmem:s14], $0x8000, $0x38;
	[tilespmem:$0x12A80] =	vst v63  }
0xb4: {  	s16 =	simm.s32 $0x0;
	_ =	swait.ge [sflag:s17], $0x8000  }
0xb5: {  	s29 =	sand.u32 $0x70, s16;
	s0 =	sand.u32 $0x3C00, s16;
	[sflag:s17] =	ssyncset.done $0x0  }
0xb6: {  	s0 =	sor.u32 s29, s0;
	[sflag:s17] =	ssyncadd.s32 $0xFFFF8000  }
0xb7: {  	v4 =	vld [tilespmem:s0+$0x1680]  }
0xb8: {  	v5 =	vld [tilespmem:s0+$0x1600];
	_ =	sdelay $0x1  }
0xb9: {  	v54 =	vld [tilespmem:s0+$0x1700];
	_ =	sdelay $0x1  }
0xba: {  	v55 =	vld [tilespmem:s0+$0x1780]  }
0xbb: {  	v4 =	vadd.f32 v4, v5  }
0xbc: {  	v5 =	vld [tilespmem:s0+$0x1800]  }
0xbd: {  	v4 =	vadd.f32 v54, v4  }
0xbe: {  	v56 =	vld [tilespmem:s0+$0x1880]  }
0xbf: {  	v4 =	vadd.f32 v55, v4  }
0xc0: {  	v57 =	vld [tilespmem:s0+$0x1900]  }
0xc1: {  	v4 =	vadd.f32 v5, v4  }
0xc2: {  	v5 =	vld [tilespmem:s0+$0x1980]  }
0xc3: {  	v4 =	vadd.f32 v56, v4  }
0xc4: {  	v58 =	vld [tilespmem:s0+$0x5600]  }
0xc5: {  	v4 =	vadd.f32 v57, v4  }
0xc6: {  	v59 =	vld [tilespmem:s0+$0x5680]  }
0xc7: {  	v4 =	vadd.f32 v5, v4  }
0xc8: {  	v5 =	vld [tilespmem:s0+$0x5700]  }
0xc9: {  	v4 =	vadd.f32 v58, v4  }
0xca: {  	v60 =	vld [tilespmem:s0+$0x5780]  }
0xcb: {  	v4 =	vadd.f32 v59, v4  }
0xcc: {  	v61 =	vld [tilespmem:s0+$0x5800]  }
0xcd: {  	v4 =	vadd.f32 v5, v4  }
0xce: {  	v5 =	vld [tilespmem:s0+$0x5880]  }
0xcf: {  	v4 =	vadd.f32 v60, v4  }
0xd0: {  	v62 =	vld [tilespmem:s0+$0x5900]  }
0xd1: {  	v4 =	vadd.f32 v61, v4  }
0xd2: {  	v63 =	vld [tilespmem:s0+$0x5980]  }
0xd3: {  	v4 =	vadd.f32 v5, v4;
	_ =	sdelay $0x1  }
0xd4: {  	v4 =	vadd.f32 v62, v4;
	_ =	sdelay $0x1  }
0xd5: {  	s30 =	simm.s32 $0x10;
	s13 =	simm.s32 $0x80;
	v4 =	vadd.f32 v63, v4  }
0xd6: {  	s31 =	sand.u32 $0x3C00, s13;
	s0 =	sand.u32 $0x70, s30  }
0xd7: {  	s14 =	simm.s32 $0x20;
	s0 =	sor.u32 s0, s31;
	[tilespmem:s12+$0x0] =	vst v4  }
.LBB2_6:
0xd8: {  	p0 =	sne.s32 s14, $0x7F0;
	v4 =	vld [tilespmem:s0+$0x1680]  }
0xd9: {  	v5 =	vld [tilespmem:s0+$0x1600];
	_ =	sdelay $0x1  }
0xda: {  	v6 =	vld [tilespmem:s0+$0x1700];
	_ =	sdelay $0x1  }
0xdb: {  	v7 =	vld [tilespmem:s0+$0x1780]  }
0xdc: {  	v4 =	vadd.f32 v4, v5  }
0xdd: {  	v5 =	vld [tilespmem:s0+$0x1800]  }
0xde: {  	v4 =	vadd.f32 v6, v4  }
0xdf: {  	v6 =	vld [tilespmem:s0+$0x1880]  }
0xe0: {  	v4 =	vadd.f32 v7, v4  }
0xe1: {  	v7 =	vld [tilespmem:s0+$0x1900]  }
0xe2: {  	v4 =	vadd.f32 v5, v4  }
0xe3: {  	v5 =	vld [tilespmem:s0+$0x1980]  }
0xe4: {  	v4 =	vadd.f32 v6, v4  }
0xe5: {  	v6 =	vld [tilespmem:s0+$0x5600]  }
0xe6: {  	v4 =	vadd.f32 v7, v4  }
0xe7: {  	v7 =	vld [tilespmem:s0+$0x5680]  }
0xe8: {  	v4 =	vadd.f32 v5, v4  }
0xe9: {  	v5 =	vld [tilespmem:s0+$0x5700]  }
0xea: {  	v4 =	vadd.f32 v6, v4  }
0xeb: {  	v6 =	vld [tilespmem:s0+$0x5780]  }
0xec: {  	v4 =	vadd.f32 v7, v4  }
0xed: {  	v7 =	vld [tilespmem:s0+$0x5800]  }
0xee: {  	v4 =	vadd.f32 v5, v4  }
0xef: {  	v5 =	vld [tilespmem:s0+$0x5880]  }
0xf0: {  	v4 =	vadd.f32 v6, v4  }
0xf1: {  	v6 =	vld [tilespmem:s0+$0x5900]  }
0xf2: {  	v4 =	vadd.f32 v7, v4  }
0xf3: {  	v7 =	vld [tilespmem:s0+$0x5980]  }
0xf4: {  	v4 =	vadd.f32 v5, v4;
	_ =	sdelay $0x1  }
.Ltmp2:
0xf5: {  	v4 =	vadd.f32 v6, v4;
	(pc) =	sbr.rel @p0 .LBB2_6-.Ltmp2, $4  }
0xf6: {  	_ = 	snop  }
0xf7: {  	s13 =	sadd.s32 $0x80, s13;
	v4 =	vadd.f32 v7, v4  }
0xf8: {  	s12 =	sadd.s32 $0x10, s12;
	s4 =	sand.u32 $0x3C00, s13;
	s0 =	sand.u32 $0x70, s14  }
0xf9: {  	s14 =	sadd.s32 $0x10, s14;
	s0 =	sor.u32 s0, s4;
	[tilespmem:s12+$0x0] =	vst v4  }
0xfa: {  	v4 =	vld [tilespmem:s0+$0x1680]  }
0xfb: {  	v5 =	vld [tilespmem:s0+$0x1600];
	_ =	sdelay $0x1  }
0xfc: {  	v6 =	vld [tilespmem:s0+$0x1700];
	_ =	sdelay $0x1  }
0xfd: {  	v7 =	vld [tilespmem:s0+$0x1780]  }
0xfe: {  	v4 =	vadd.f32 v4, v5  }
0xff: {  	v5 =	vld [tilespmem:s0+$0x1800]  }
0x100: {  	v4 =	vadd.f32 v6, v4  }
0x101: {  	v6 =	vld [tilespmem:s0+$0x1880]  }
0x102: {  	v4 =	vadd.f32 v7, v4  }
0x103: {  	v7 =	vld [tilespmem:s0+$0x1900]  }
0x104: {  	v4 =	vadd.f32 v5, v4  }
0x105: {  	v5 =	vld [tilespmem:s0+$0x1980]  }
0x106: {  	v4 =	vadd.f32 v6, v4  }
0x107: {  	v6 =	vld [tilespmem:s0+$0x5600]  }
0x108: {  	v4 =	vadd.f32 v7, v4  }
0x109: {  	v7 =	vld [tilespmem:s0+$0x5680]  }
0x10a: {  	v4 =	vadd.f32 v5, v4  }
0x10b: {  	v5 =	vld [tilespmem:s0+$0x5700]  }
0x10c: {  	v4 =	vadd.f32 v6, v4  }
0x10d: {  	v6 =	vld [tilespmem:s0+$0x5780]  }
0x10e: {  	v4 =	vadd.f32 v7, v4  }
0x10f: {  	v7 =	vld [tilespmem:s0+$0x5800]  }
0x110: {  	v4 =	vadd.f32 v5, v4  }
0x111: {  	v5 =	vld [tilespmem:s0+$0x5880]  }
0x112: {  	v4 =	vadd.f32 v6, v4  }
0x113: {  	v6 =	vld [tilespmem:s0+$0x5900]  }
0x114: {  	v4 =	vadd.f32 v7, v4  }
0x115: {  	v7 =	vld [tilespmem:s0+$0x5980]  }
0x116: {  	v4 =	vadd.f32 v5, v4;
	_ =	sdelay $0x1  }
0x117: {  	v4 =	vadd.f32 v6, v4;
	_ =	sdelay $0x1  }
0x118: {  	v4 =	vadd.f32 v7, v4  }
0x119: {  	s31 =	sadd.s32 $0x10, s12  }
0x11a: {  	s0 =	simm.s32 $0x0;
	[tilespmem:s31+$0x0] =	vst v4  }
0x11b: {  	v4 =	vld [tilespmem:s0+$0x9F80]  }
0x11c: {  	v5 =	vld [tilespmem:s0+$0x9E00];
	_ =	sdelay $0x6  }
0x11d: {  	v6 =	vld.idx.msk [tilespmem:v4+s20+$0x0], $0xffff  }
0x11e: {  	v5 =	vld.idx.msk [tilespmem:v5+s19+$0x0], $0xffff;
	_ =	sdelay $0x3  }
0x11f: {  	v4 =	vld.idx.msk [tilespmem:v4+s26+$0x0], $0xffff  }
0x120: {  	v5 =	vadd.f32 v6, v5;
	_ =	sdelay $0x1  }
0x121: {  	v6 =	vmul.f32 $2.000000030e-01, v5  }
0x122: {  	vm1 =	vge.f32 v5, $0.0e+00  }
0x123: {  	v4 =	vadd.f32 $1.000000020e-16, v4;
	v5 =	vsel vm1, v5, v6  }
0x124: {  	v5 =	vmul.f32 $1.442695020e+00, v5  }
0x125: {  	(erf) = vrcp.f32 v4  }
0x126: {  	(erf) = vpow2.f32 v5;
	_ =	sdelay $0x3  }
0x127: {  	s12 =	simm.s32 $0x10  }
0x128: {  	s4 =	simm.s32 $0x80;
	v4 =	vld [tilespmem:s12+$0x9F80]  }
.LBB2_8:
0x129: {  	p0 =	sne.s32 s4, $0x5C0;
	v5 =	vld [tilespmem:s12+$0x9E00];
	_ =	sdelay $0x1  }
0x12a: {  	v6 =	vpop (erf)  }
0x12b: {  	v7 =	vpop (erf)  }
0x12c: {  	v6 =	vmul.f32 v7, v6;
	_ =	sdelay $0x1  }
0x12d: {  	[tilespmem:s0+$0xA100] =	vst v6;
	s0 =	smov.u32 s12  }
0x12e: {  	v6 =	vld.idx.msk [tilespmem:v4+s20+$0x0], $0xffff  }
0x12f: {  	v5 =	vld.idx.msk [tilespmem:v5+s19+$0x0], $0xffff;
	_ =	sdelay $0x3  }
0x130: {  	v4 =	vld.idx.msk [tilespmem:v4+s26+$0x0], $0xffff;
	_ =	sdelay $0x1  }
0x131: {  	v5 =	vadd.f32 v6, v5;
	_ =	sdelay $0x1  }
0x132: {  	v6 =	vmul.f32 $2.000000030e-01, v5  }
0x133: {  	vm1 =	vge.f32 v5, $0.0e+00  }
0x134: {  	v5 =	vsel vm1, v5, v6;
	v4 =	vadd.f32 $1.000000020e-16, v4  }
0x135: {  	v5 =	vmul.f32 $1.442695020e+00, v5  }
0x136: {  	(erf) = vrcp.f32 v4  }
0x137: {  	(erf) = vpow2.f32 v5  }
.Ltmp3:
0x138: {  	(pc) =	sbr.rel @p0 .LBB2_8-.Ltmp3, $3  }
0x139: {  	_ =	sdelay $0x1  }
0x13a: {  	s12 =	sshra.s32 s4, $0x2  }
0x13b: {  	s4 =	sadd.s32 $0x40, s4;
	v4 =	vld [tilespmem:s12+$0x9F80]  }
0x13c: {  	_ = 	snop  }
0x13d: {  	v5 =	vld [tilespmem:s12+$0x9E00];
	_ =	sdelay $0x1  }
0x13e: {  	v6 =	vpop (erf)  }
0x13f: {  	v7 =	vpop (erf)  }
0x140: {  	v6 =	vmul.f32 v7, v6;
	_ =	sdelay $0x1  }
0x141: {  	[tilespmem:s0+$0xA100] =	vst v6  }
0x142: {  	v6 =	vld.idx.msk [tilespmem:v4+s20+$0x0], $0xffff  }
0x143: {  	v5 =	vld.idx.msk [tilespmem:v5+s19+$0x0], $0xffff;
	_ =	sdelay $0x3  }
0x144: {  	v4 =	vld.idx.msk [tilespmem:v4+s26+$0x0], $0xffff  }
0x145: {  	v5 =	vadd.f32 v6, v5;
	_ =	sdelay $0x1  }
0x146: {  	v6 =	vmul.f32 $2.000000030e-01, v5  }
0x147: {  	vm1 =	vge.f32 v5, $0.0e+00  }
0x148: {  	v4 =	vadd.f32 $1.000000020e-16, v4;
	v5 =	vsel vm1, v5, v6  }
0x149: {  	v5 =	vmul.f32 $1.442695020e+00, v5  }
0x14a: {  	(erf) = vrcp.f32 v4  }
0x14b: {  	(erf) = vpow2.f32 v5;
	_ =	sdelay $0x7  }
0x14c: {  	v4 =	vpop (erf)  }
0x14d: {  	v5 =	vpop (erf)  }
0x14e: {  	v4 =	vmul.f32 v5, v4;
	_ =	sdelay $0x1  }
0x14f: {  	s13 =	simm.s32 $0x0;
	s16 =	simm.s32 $0x0;
	s0 =	simm.s32 $0x0;
	[tilespmem:s12+$0xA100] =	vst v4  }
.LBB2_10:
0x150: {  	s12 =	sshll.u32 s16, $0x6  }
0x151: {  	v4 =	vld [tilespmem:s12+$0x9E00];
	_ =	sdelay $0x4  }
0x152: {  	v5 =	vshll.u32 v4, $0x2  }
0x153: {  	v4 =	vand.u32 $0x7, v4;
	v5 =	vand.u32 $0xFFFFFFE0, v5  }
0x154: {  	v4 =	vor.u32 v4, v5  }
0x155: {  	v5 =	vperm.xlane v4, v1;
	_ =	sdelay $0x1  }
0x156: {  	v5 =	vadd.s32 v2, v5;
	_ =	sdelay $0x1  }
0x157: {  	v4 =	vperm.xlane v4, v3;
	_ =	sdelay $0x1  }
0x158: {  	v4 =	vadd.s32 v2, v4  }
0x159: {  	[tilespmem:s28], [sflag:$0x1] =	stream.indirect_vreg.gather [hbm4b:s6+s13], $0x80, v5, vm0, $0xb8;
	[tilespmem:$0x12A80] =	vst v63  }
0x15a: {  	s1 =	simm.s32 $0xAA80  }
0x15b: {  	[tilespmem:s1], [sflag:$0x1] =	stream.indirect_vreg.gather [hbm4b:s15+s13], $0x80, v5, vm0, $0xb8;
	[tilespmem:$0x12A80] =	vst v63  }
0x15c: {  	s14 =	simm.s32 $0xB280  }
0x15d: {  	[tilespmem:s14], [sflag:$0x1] =	stream.indirect_vreg.gather [hbm4b:s6+s13], $0x80, v4, vm0, $0xb8;
	[tilespmem:$0x12A80] =	vst v63  }
0x15e: {  	s4 =	simm.s32 $0xBA80  }
0x15f: {  	[tilespmem:s4], [sflag:$0x1] =	stream.indirect_vreg.gather [hbm4b:s15+s13], $0x80, v4, vm0, $0xb8;
	[tilespmem:$0x12A80] =	vst v63  }
0x160: {  	_ =	swait.ge [sflag:s17], $0x2000  }
0x161: {  	[sflag:s17] =	ssyncset.done $0x0  }
0x162: {  	[sflag:s17] =	ssyncadd.s32 $0xFFFFE000  }
0x163: {  	v4 =	vld [tilespmem:s12+$0x9E10];
	_ =	sdelay $0x4  }
0x164: {  	v5 =	vshll.u32 v4, $0x2  }
0x165: {  	v4 =	vand.u32 $0x7, v4;
	v5 =	vand.u32 $0xFFFFFFE0, v5  }
0x166: {  	v4 =	vor.u32 v4, v5  }
0x167: {  	v5 =	vperm.xlane v4, v1;
	_ =	sdelay $0x1  }
0x168: {  	v5 =	vadd.s32 v2, v5;
	_ =	sdelay $0x1  }
0x169: {  	v4 =	vperm.xlane v4, v3;
	_ =	sdelay $0x1  }
0x16a: {  	s14 =	simm.s32 $0xC280;
	v4 =	vadd.s32 v2, v4  }
0x16b: {  	[tilespmem:s14], [sflag:$0x1] =	stream.indirect_vreg.gather [hbm4b:s6+s13], $0x80, v5, vm0, $0xb8;
	[tilespmem:$0x12A80] =	vst v63  }
0x16c: {  	s4 =	simm.s32 $0xCA80  }
0x16d: {  	[tilespmem:s4], [sflag:$0x1] =	stream.indirect_vreg.gather [hbm4b:s15+s13], $0x80, v5, vm0, $0xb8;
	[tilespmem:$0x12A80] =	vst v63  }
0x16e: {  	s14 =	simm.s32 $0xD280  }
0x16f: {  	[tilespmem:s14], [sflag:$0x1] =	stream.indirect_vreg.gather [hbm4b:s6+s13], $0x80, v4, vm0, $0xb8;
	[tilespmem:$0x12A80] =	vst v63  }
0x170: {  	_ = 	snop  }
0x171: {  	[tilespmem:s18], [sflag:$0x1] =	stream.indirect_vreg.gather [hbm4b:s15+s13], $0x80, v4, vm0, $0xb8;
	[tilespmem:$0x12A80] =	vst v63  }
0x172: {  	_ =	swait.ge [sflag:s17], $0x2000  }
0x173: {  	[sflag:s17] =	ssyncset.done $0x0  }
0x174: {  	[sflag:s17] =	ssyncadd.s32 $0xFFFFE000  }
0x175: {  	v4 =	vld [tilespmem:s12+$0x9E20];
	_ =	sdelay $0x4  }
0x176: {  	v5 =	vshll.u32 v4, $0x2  }
0x177: {  	v4 =	vand.u32 $0x7, v4;
	v5 =	vand.u32 $0xFFFFFFE0, v5  }
0x178: {  	v4 =	vor.u32 v4, v5  }
0x179: {  	v5 =	vperm.xlane v4, v1;
	_ =	sdelay $0x1  }
0x17a: {  	v5 =	vadd.s32 v2, v5;
	_ =	sdelay $0x1  }
0x17b: {  	v4 =	vperm.xlane v4, v3;
	_ =	sdelay $0x1  }
0x17c: {  	v4 =	vadd.s32 v2, v4  }
0x17d: {  	[tilespmem:s21], [sflag:$0x1] =	stream.indirect_vreg.gather [hbm4b:s6+s13], $0x80, v5, vm0, $0xb8;
	[tilespmem:$0x12A80] =	vst v63  }
0x17e: {  	_ = 	snop  }
0x17f: {  	[tilespmem:s22], [sflag:$0x1] =	stream.indirect_vreg.gather [hbm4b:s15+s13], $0x80, v5, vm0, $0xb8;
	[tilespmem:$0x12A80] =	vst v63  }
0x180: {  	_ = 	snop  }
0x181: {  	[tilespmem:s24], [sflag:$0x1] =	stream.indirect_vreg.gather [hbm4b:s6+s13], $0x80, v4, vm0, $0xb8;
	[tilespmem:$0x12A80] =	vst v63  }
0x182: {  	_ = 	snop  }
0x183: {  	[tilespmem:s25], [sflag:$0x1] =	stream.indirect_vreg.gather [hbm4b:s15+s13], $0x80, v4, vm0, $0xb8;
	[tilespmem:$0x12A80] =	vst v63  }
0x184: {  	_ =	swait.ge [sflag:s17], $0x2000  }
0x185: {  	[sflag:s17] =	ssyncset.done $0x0  }
0x186: {  	[sflag:s17] =	ssyncadd.s32 $0xFFFFE000  }
0x187: {  	v4 =	vld [tilespmem:s12+$0x9E30];
	_ =	sdelay $0x4  }
0x188: {  	v5 =	vshll.u32 v4, $0x2  }
0x189: {  	v4 =	vand.u32 $0x7, v4;
	v5 =	vand.u32 $0xFFFFFFE0, v5  }
0x18a: {  	v4 =	vor.u32 v4, v5  }
0x18b: {  	v5 =	vperm.xlane v4, v1;
	_ =	sdelay $0x1  }
0x18c: {  	v5 =	vadd.s32 v2, v5;
	_ =	sdelay $0x1  }
0x18d: {  	v4 =	vperm.xlane v4, v3;
	_ =	sdelay $0x1  }
0x18e: {  	v4 =	vadd.s32 v2, v4  }
0x18f: {  	[tilespmem:s3], [sflag:$0x1] =	stream.indirect_vreg.gather [hbm4b:s6+s13], $0x80, v5, vm0, $0xb8;
	[tilespmem:$0x12A80] =	vst v63  }
0x190: {  	_ = 	snop  }
0x191: {  	[tilespmem:s5], [sflag:$0x1] =	stream.indirect_vreg.gather [hbm4b:s15+s13], $0x80, v5, vm0, $0xb8;
	[tilespmem:$0x12A80] =	vst v63  }
0x192: {  	_ = 	snop  }
0x193: {  	[tilespmem:s7], [sflag:$0x1] =	stream.indirect_vreg.gather [hbm4b:s6+s13], $0x80, v4, vm0, $0xb8;
	[tilespmem:$0x12A80] =	vst v63  }
0x194: {  	_ = 	snop  }
0x195: {  	[tilespmem:s9], [sflag:$0x1] =	stream.indirect_vreg.gather [hbm4b:s15+s13], $0x80, v4, vm0, $0xb8;
	[tilespmem:$0x12A80] =	vst v63  }
0x196: {  	_ =	swait.ge [sflag:s17], $0x2000  }
0x197: {  	s4 =	sand.u32 $0x7000, s13;
	s14 =	sand.u32 $0x380, s13;
	[sflag:s17] =	ssyncset.done $0x0  }
0x198: {  	s29 =	sor.u32 s14, s4;
	[sflag:s17] =	ssyncadd.s32 $0xFFFFE000  }
0x199: {  	v9 =	vld [tilespmem:s29+$0xAEF0]  }
0x19a: {  	v11 =	vld [tilespmem:s29+$0xAED0]  }
0x19b: {  	v7 =	vld [tilespmem:s29+$0xAEB0]  }
0x19c: {  	v10 =	vld [tilespmem:s29+$0xA2B0]  }
0x19d: {  	v12 =	vld [tilespmem:s29+$0xAEE0]  }
0x19e: {  	v4 =	vmov s0;
	v5 =	vld [tilespmem:s29+$0xA2F0]  }
0x19f: {  	v6 =	vld [tilespmem:s29+$0xA680]  }
0x1a0: {  	v8 =	vld [tilespmem:s29+$0xAE80]  }
0x1a1: {  	v13 =	vld [tilespmem:s29+$0xAEC0]  }
0x1a2: {  	v16 =	vld [tilespmem:s29+$0xAE90]  }
0x1a3: {  	v4 =	vld.idx.msk [tilespmem:v4+s11+$0x0], $0xffff  }
0x1a4: {  	v15 =	vld [tilespmem:s29+$0xA2C0]  }
0x1a5: {  	s30 =	simm.s32 $0x200;
	s31 =	simm.s32 $0x0;
	s14 =	smov.u32 s0;
	v14 =	vld [tilespmem:s29+$0xA2E0]  }
.LBB2_11:
0x1a6: {  	p0 =	sne.s32 s30, $0x7E00;
	v17 =	vld [tilespmem:s29+$0xA2D0];
	s31 =	sadd.s32 $0x80, s31;
	s14 =	sadd.s32 $0x1, s14  }
0x1a7: {  	s4 =	smov.u32 s30;
	s30 =	sadd.s32 $0x200, s30;
	v18 =	vld [tilespmem:s29+$0xA6A0]  }
0x1a8: {  	v13 =	vmul.f32 v13, v4;
	v19 =	vld [tilespmem:s29+$0xA6E0];
	v16 =	vmul.f32 v16, v4  }
0x1a9: {  	v11 =	vmul.f32 v11, v4;
	v15 =	vmul.f32 v15, v4;
	v20 =	vld [tilespmem:s29+$0xA690]  }
0x1aa: {  	v12 =	vmul.f32 v12, v4;
	v14 =	vmul.f32 v14, v4;
	v21 =	vld [tilespmem:s29+$0xA6D0];
	[tilespmem:s29+$0xAE90] =	vst v16  }
0x1ab: {  	v9 =	vmul.f32 v9, v4;
	[tilespmem:s29+$0xA2C0] =	vst v15;
	v15 =	vmul.f32 v17, v4;
	v16 =	vld [tilespmem:s29+$0xA6F0]  }
0x1ac: {  	v10 =	vmul.f32 v10, v4;
	[tilespmem:s29+$0xA2E0] =	vst v14;
	v14 =	vmul.f32 v18, v4;
	v17 =	vld [tilespmem:s29+$0xAAF0]  }
0x1ad: {  	[tilespmem:s29+$0xA2D0] =	vst v15;
	v15 =	vld [tilespmem:s29+$0xA6C0];
	v18 =	vmul.f32 v19, v4  }
0x1ae: {  	v19 =	vmul.f32 v20, v4;
	[tilespmem:s29+$0xA6A0] =	vst v14;
	v14 =	vld [tilespmem:s29+$0xAEA0]  }
0x1af: {  	v20 =	vmul.f32 v21, v4;
	[tilespmem:s29+$0xA6E0] =	vst v18;
	v18 =	vld [tilespmem:s29+$0xAAA0]  }
0x1b0: {  	[tilespmem:s29+$0xA690] =	vst v19;
	v16 =	vmul.f32 v16, v4;
	v19 =	vld [tilespmem:s29+$0xAAB0]  }
0x1b1: {  	[tilespmem:s29+$0xA6D0] =	vst v20;
	v20 =	vld [tilespmem:s29+$0xAAC0]  }
0x1b2: {  	[tilespmem:s29+$0xA6F0] =	vst v16;
	v16 =	vld [tilespmem:s29+$0xAA90]  }
0x1b3: {  	v21 =	vld [tilespmem:s29+$0xAAE0];
	[tilespmem:s29+$0xAEE0] =	vst v12  }
0x1b4: {  	v12 =	vld [tilespmem:s29+$0xAA80];
	[tilespmem:s29+$0xAEF0] =	vst v9  }
0x1b5: {  	v9 =	vld [tilespmem:s29+$0xA6B0];
	[tilespmem:s29+$0xAEC0] =	vst v13  }
0x1b6: {  	v7 =	vmul.f32 v7, v4;
	v14 =	vmul.f32 v14, v4;
	v13 =	vld [tilespmem:s29+$0xAAD0];
	[tilespmem:s29+$0xAED0] =	vst v11  }
0x1b7: {  	v8 =	vmul.f32 v8, v4;
	v11 =	vld [tilespmem:s29+$0xA290];
	[tilespmem:s29+$0xA2B0] =	vst v10;
	v10 =	vmul.f32 v17, v4  }
0x1b8: {  	v20 =	vmul.f32 v20, v4;
	v17 =	vld [tilespmem:s29+$0xA2A0];
	v21 =	vmul.f32 v21, v4;
	[tilespmem:s29+$0xAEA0] =	vst v14  }
0x1b9: {  	v15 =	vmul.f32 v15, v4;
	v19 =	vmul.f32 v19, v4;
	v14 =	vld [tilespmem:s29+$0xA280];
	[tilespmem:s29+$0xAEB0] =	vst v7  }
0x1ba: {  	s4 =	sand.u32 $0x7000, s4;
	s1 =	sand.u32 $0x380, s31;
	v7 =	vmul.f32 v16, v4;
	v16 =	vmul.f32 v18, v4;
	[tilespmem:s29+$0xAE80] =	vst v8  }
0x1bb: {  	v6 =	vmul.f32 v6, v4;
	s1 =	sor.u32 s1, s4;
	v8 =	vmul.f32 v9, v4;
	[tilespmem:s29+$0xAAF0] =	vst v10  }
0x1bc: {  	v5 =	vmul.f32 v5, v4;
	v12 =	vmul.f32 v12, v4;
	[tilespmem:s29+$0xAAC0] =	vst v20  }
0x1bd: {  	v13 =	vmul.f32 v13, v4;
	v17 =	vmul.f32 v17, v4;
	[tilespmem:s29+$0xAAE0] =	vst v21  }
0x1be: {  	v14 =	vmul.f32 v14, v4;
	v4 =	vmul.f32 v11, v4;
	[tilespmem:s29+$0xA6C0] =	vst v15  }
0x1bf: {  	[tilespmem:s29+$0xAAB0] =	vst v19  }
0x1c0: {  	[tilespmem:s29+$0xAAA0] =	vst v16  }
0x1c1: {  	v15 =	vmov s14;
	v9 =	vld [tilespmem:s1+$0xAEF0];
	[tilespmem:s29+$0xAA90] =	vst v7  }
0x1c2: {  	v11 =	vld [tilespmem:s1+$0xAED0];
	[tilespmem:s29+$0xA680] =	vst v6  }
0x1c3: {  	v7 =	vld [tilespmem:s1+$0xAEB0];
	[tilespmem:s29+$0xA6B0] =	vst v8  }
0x1c4: {  	v10 =	vld [tilespmem:s1+$0xA2B0];
	[tilespmem:s29+$0xAA80] =	vst v12  }
0x1c5: {  	v12 =	vld [tilespmem:s1+$0xAEE0];
	[tilespmem:s29+$0xA2F0] =	vst v5  }
0x1c6: {  	v5 =	vld [tilespmem:s1+$0xA2F0];
	[tilespmem:s29+$0xAAD0] =	vst v13  }
0x1c7: {  	v6 =	vld [tilespmem:s1+$0xA680];
	[tilespmem:s29+$0xA2A0] =	vst v17  }
0x1c8: {  	v8 =	vld [tilespmem:s1+$0xAE80];
	[tilespmem:s29+$0xA290] =	vst v4  }
.Ltmp4:
0x1c9: {  	v13 =	vld [tilespmem:s1+$0xAEC0];
	[tilespmem:s29+$0xA280] =	vst v14;
	s29 =	smov.u32 s1;
	(pc) =	sbr.rel @p0 .LBB2_11-.Ltmp4, $4  }
0x1ca: {  	v4 =	vld.idx.msk [tilespmem:v15+s11+$0x0], $0xffff  }
0x1cb: {  	v16 =	vld [tilespmem:s29+$0xAE90]  }
0x1cc: {  	v15 =	vld [tilespmem:s29+$0xA2C0]  }
0x1cd: {  	v14 =	vld [tilespmem:s29+$0xA2E0]  }
0x1ce: {  	_ = 	snop  }
0x1cf: {  	v12 =	vmul.f32 v12, v4  }
0x1d0: {  	v9 =	vmul.f32 v9, v4  }
0x1d1: {  	v13 =	vmul.f32 v13, v4;
	[tilespmem:s29+$0xAEE0] =	vst v12  }
0x1d2: {  	v11 =	vmul.f32 v11, v4;
	[tilespmem:s29+$0xAEF0] =	vst v9  }
0x1d3: {  	v46 =	vmul.f32 v10, v4;
	[tilespmem:s29+$0xAEC0] =	vst v13  }
0x1d4: {  	v7 =	vmul.f32 v7, v4;
	[tilespmem:s29+$0xAED0] =	vst v11  }
0x1d5: {  	v8 =	vmul.f32 v8, v4;
	[tilespmem:s29+$0xA2B0] =	vst v46  }
0x1d6: {  	v17 =	vld [tilespmem:s29+$0xA2D0];
	v6 =	vmul.f32 v6, v4;
	[tilespmem:s29+$0xAEB0] =	vst v7  }
0x1d7: {  	v18 =	vld [tilespmem:s29+$0xA6A0];
	v5 =	vmul.f32 v5, v4;
	[tilespmem:s29+$0xAE80] =	vst v8  }
0x1d8: {  	v19 =	vld [tilespmem:s29+$0xA6E0];
	v16 =	vmul.f32 v16, v4;
	[tilespmem:s29+$0xA680] =	vst v6  }
0x1d9: {  	v20 =	vld [tilespmem:s29+$0xA690];
	v15 =	vmul.f32 v15, v4;
	[tilespmem:s29+$0xA2F0] =	vst v5  }
0x1da: {  	v21 =	vld [tilespmem:s29+$0xA6D0];
	v14 =	vmul.f32 v14, v4;
	[tilespmem:s29+$0xAE90] =	vst v16  }
0x1db: {  	v37 =	vld [tilespmem:s29+$0xA6F0];
	[tilespmem:s29+$0xA2C0] =	vst v15;
	v36 =	vmul.f32 v17, v4  }
0x1dc: {  	v43 =	vld [tilespmem:s29+$0xAEA0];
	v38 =	vmul.f32 v18, v4;
	[tilespmem:s29+$0xA2E0] =	vst v14  }
0x1dd: {  	v45 =	vld [tilespmem:s29+$0xAAC0];
	v40 =	vmul.f32 v19, v4;
	[tilespmem:s29+$0xA2D0] =	vst v36  }
0x1de: {  	v47 =	vld [tilespmem:s29+$0xAAE0];
	v41 =	vmul.f32 v20, v4;
	[tilespmem:s29+$0xA6A0] =	vst v38  }
0x1df: {  	v39 =	vld [tilespmem:s29+$0xA6C0];
	v42 =	vmul.f32 v21, v4;
	[tilespmem:s29+$0xA6E0] =	vst v40  }
0x1e0: {  	v51 =	vld [tilespmem:s29+$0xAAB0];
	v16 =	vmul.f32 v37, v4;
	[tilespmem:s29+$0xA690] =	vst v41  }
0x1e1: {  	v50 =	vld [tilespmem:s29+$0xAAA0];
	v48 =	vmul.f32 v43, v4;
	[tilespmem:s29+$0xA6D0] =	vst v42  }
0x1e2: {  	v52 =	vld [tilespmem:s29+$0xAA90];
	v12 =	vmul.f32 v45, v4;
	[tilespmem:s29+$0xA6F0] =	vst v16  }
0x1e3: {  	v55 =	vld [tilespmem:s29+$0xA6B0];
	v54 =	vmul.f32 v47, v4;
	[tilespmem:s29+$0xAEA0] =	vst v48  }
0x1e4: {  	v53 =	vld [tilespmem:s29+$0xAAD0];
	v56 =	vmul.f32 v39, v4;
	[tilespmem:s29+$0xAAC0] =	vst v12  }
0x1e5: {  	v59 =	vld [tilespmem:s29+$0xA2A0];
	v9 =	vmul.f32 v51, v4;
	[tilespmem:s29+$0xAAE0] =	vst v54  }
0x1e6: {  	v49 =	vld [tilespmem:s29+$0xA290];
	v58 =	vmul.f32 v50, v4;
	[tilespmem:s29+$0xA6C0] =	vst v56  }
0x1e7: {  	v44 =	vld [tilespmem:s29+$0xAAF0];
	v13 =	vmul.f32 v52, v4;
	[tilespmem:s29+$0xAAB0] =	vst v9  }
0x1e8: {  	v57 =	vld [tilespmem:s29+$0xAA80];
	v60 =	vmul.f32 v55, v4;
	[tilespmem:s29+$0xAAA0] =	vst v58  }
0x1e9: {  	v61 =	vld [tilespmem:s29+$0xA280];
	v62 =	vmul.f32 v53, v4;
	[tilespmem:s29+$0xAA90] =	vst v13  }
0x1ea: {  	v63 =	vmul.f32 v59, v4;
	[tilespmem:s29+$0xA6B0] =	vst v60  }
0x1eb: {  	v5 =	vmul.f32 v49, v4;
	[tilespmem:s29+$0xAAD0] =	vst v62  }
0x1ec: {  	v14 =	vmul.f32 v44, v4;
	[tilespmem:s29+$0xA2A0] =	vst v63  }
0x1ed: {  	v12 =	vmul.f32 v57, v4;
	[tilespmem:s29+$0xA290] =	vst v5  }
0x1ee: {  	s1 =	sadd.s32 s10, s12;
	s16 =	sadd.s32 $0x1, s16;
	v4 =	vmul.f32 v61, v4;
	[tilespmem:s29+$0xAAF0] =	vst v14  }
0x1ef: {  	s1 =	sshll.u32 s1, $0x6;
	p0 =	sne.s32 s16, $0x6;
	[tilespmem:s29+$0xAA80] =	vst v12  }
.Ltmp5:
0x1f0: {  	s1 =	sadd.s32 s8, s1;
	[tilespmem:s29+$0xA280] =	vst v4;
	(pc) =	sbr.rel @p0 .LBB2_10-.Ltmp5, $4  }
0x1f1: {  	[hbm4b:s1+s2] =	stream.linear.scatter [tilespmem:s28], [sflag:$0x1], $0x8000, $0x38;
	[tilespmem:$0x12A80] =	vst v63  }
0x1f2: {  	_ =	swait.ge [sflag:s17], $0x8000  }
0x1f3: {  	[sflag:s17] =	ssyncset.done $0x0  }
0x1f4: {  	s0 =	sadd.s32 $0x40, s0;
	[sflag:s17] =	ssyncadd.s32 $0xFFFF8000  }
0x1f5: {  	s1 =	rddreg [dreg:$0xc]  }
0x1f6: {  	s0 =	rddreg [dreg:$0xb];
	s1 =	sadd.s32 $0x1, s1  }
0x1f7: {  	p0 =	sne.s32 s1, s0  }
.Ltmp6:
0x1f8: {  	_ = 	snop;
	(pc) =	sbr.rel @p0 .LBB2_1-.Ltmp6, $1  }
0x1f9: {  	_ =	sdelay $0x3  }
0x1fa: {  	_ =	sfence.sel $0x180000  }
0x1fb: {  	[bflag:$0x0] =	sbarrier.arrive $0xFFFF  }
0x1fc: {  	_ =	strace $0x90000047  }
0x1fd: {  	s0 =	stileid.u32;
	[bflag:$0x2] =	sbarrier.arrive $0xFFFF  }
0x1fe: {  	p0 =	sne.s32 s0, $0x0;
	s0 =	rddreg [dreg:$0x2]  }
0x1ff: {  	s0 =	sadd.s32 @!p0 $0x100000, s0  }
0x200: {  	[sflag:s0] =	ssyncadd.tile.s32 @!p0 $0x1;
	_ =	shalt  }
.Lfunc_end2:
_tile_overlayer_lowered:
.L_overlay_start_2:
0x201: {  	(tag) =	ssettag $0x2  }
0x202: {  	s0 =	rddreg [dreg:$0x0];
	s2 =	stileid.u32  }
0x203: {  	s1 =	rddreg [dreg:$0x1];
	p0 =	sne.s32 s2, $0x0  }
0x204: {  	s3 =	rddreg [dreg:$0x2];
	[bflag:$0x3] =	sbarrier.arrive $0xFFFF;
	s2 =	simm.s32 @!p0 $0x1C01  }
0x205: {  	[timem:s3], [sflag:s2] =	dma.local @!p0 [hbm:s0], s1  }
0x206: {  	s0 =	simm.s32 @!p0 $0x1  }
0x207: {  	_ =	swait.ge @!p0 [sflag:s0], s1  }
0x208: {  	s1 =	ssub.s32 @!p0 $0x0, s1;
	[sflag:s0] =	ssyncset.done @!p0 $0x0  }
0x209: {  	[sflag:s0] =	ssyncadd.s32 @!p0 s1  }
0x20a: {  	[bflag:$0x3] =	sbarrier.arrive $0xFFFF  }
0x20b: {  	_ =	shalt  }

</sc_bundles>
